<compile_context>
chip_gen: v7x
topology: tpu7x:2x2x1
jax: 0.10.2.dev20260603
libtpu: 0.0.44.dev20260713+nightly
codegen_flags: <defaults>
</compile_context>

<pallas_src>
import functools

import jax
import jax.numpy as jnp
from jax import lax
from jax.experimental import pallas as pl
from jax.experimental.pallas import tpu as pltpu
from jax.experimental.pallas import tpu_sc as plsc

_N = 18432
_D = 256
_K = 8192
_TN = 512
_T = _N // _TN

_f32 = jnp.float32
_DOT_DIMS = (((1,), (0,)), ((), ()))

_SLABS_2048 = [(0, 2048), (2048, 4096), (4096, 6144), (6144, 8192)]
_SLABS_2816 = [(0, 2816), (2816, 5632), (5632, 8192)]


def _prep_codebook(e_ref, ehi_ref, e2_ref):
    e = e_ref[...]
    ehi_ref[...] = e.astype(jnp.bfloat16)
    e2_ref[...] = jnp.sum(e * e, axis=0, keepdims=True)


def _argmin_dist(rt, a, ehi, e2, slabs):
    rb = rt.astype(jnp.bfloat16)
    s = lax.dot_general(rb, ehi, _DOT_DIMS, preferred_element_type=_f32)
    neg = -((a - 2.0 * s) + e2)
    acc = jnp.full((rt.shape[0], 1), -jnp.inf, _f32)
    idx = jnp.zeros((rt.shape[0], 1), jnp.int32)
    for lo, hi in slabs:
        blk = neg[:, lo:hi]
        m = jnp.max(blk, axis=1, keepdims=True)
        io = lax.broadcasted_iota(jnp.int32, blk.shape, 1)
        i = jnp.min(jnp.where(blk == m, io, _K), axis=1, keepdims=True) + lo
        take = m > acc
        acc = jnp.where(take, m.astype(jnp.bfloat16).astype(_f32), acc)
        idx = jnp.where(take, i, idx)
    return idx


def _dist_body(slabs, r_ref, a_ref, e_ref, ind_ref, ehi, e2):
    @pl.when(pl.program_id(0) == 0)
    def _():
        _prep_codebook(e_ref, ehi, e2)

    ind_ref[...] = _argmin_dist(r_ref[...], a_ref[...], ehi[...], e2[...],
                                slabs)


def _quant_body(q0_ref, q1_ref, q2_ref, q3_ref, out_ref):
    out_ref[...] = ((q0_ref[...] + q1_ref[...]) + q2_ref[...]) + q3_ref[...]


_SCRATCH = [
    pltpu.VMEM((_D, _K), jnp.bfloat16),
    pltpu.VMEM((1, _K), _f32),
]

_ROW_SPEC = pl.BlockSpec((_TN, _D), lambda t: (t, 0))
_A_SPEC = pl.BlockSpec((_TN, 1), lambda t: (t, 0))
_E_SPEC = pl.BlockSpec((_D, _K), lambda t: (0, 0))
_IND_SPEC = pl.BlockSpec((_TN, 1), lambda t: (t, 0))


def _dist(r, a, e, slabs):
    return pl.pallas_call(
        functools.partial(_dist_body, slabs),
        grid=(_T,),
        in_specs=[_ROW_SPEC, _A_SPEC, _E_SPEC],
        out_specs=_IND_SPEC,
        out_shape=jax.ShapeDtypeStruct((_N, 1), jnp.int32),
        scratch_shapes=_SCRATCH,
    )(r, a, e)


def _quant_sum(q0, q1, q2, q3):
    return pl.pallas_call(
        _quant_body,
        grid=(_T,),
        in_specs=[_ROW_SPEC, _ROW_SPEC, _ROW_SPEC, _ROW_SPEC],
        out_specs=_ROW_SPEC,
        out_shape=jax.ShapeDtypeStruct((_N, _D), _f32),
    )(q0, q1, q2, q3)


def _sc_geometry():
    try:
        info = plsc.get_sparse_core_info()
        nc, ns = info.num_cores, info.num_subcores
    except Exception:
        nc, ns = 2, 16
    return nc, ns


def _make_gather():
    nc, ns = _sc_geometry()
    nw = nc * ns
    bpw = _N // nw
    chunks = 2
    crows = bpw // chunks
    mesh = plsc.VectorSubcoreMesh(core_axis_name="c", subcore_axis_name="s")

    @functools.partial(
        pl.kernel, mesh=mesh,
        out_type=jax.ShapeDtypeStruct((_N, _D), _f32),
        scratch_types=[pltpu.VMEM((crows,), jnp.int32),
                       pltpu.VMEM((crows, _D), _f32),
                       pltpu.SemaphoreType.DMA],
    )
    def gk(table_hbm, idx_hbm, out_hbm, idx_v, rows_v, sem):
        wid = lax.axis_index("s") * nc + lax.axis_index("c")
        base = wid * bpw
        for c in range(chunks):
            pltpu.sync_copy(idx_hbm.at[wid, c], idx_v)
            pltpu.async_copy(table_hbm.at[idx_v], rows_v, sem).wait()
            pltpu.sync_copy(rows_v, out_hbm.at[pl.ds(base + c * crows, crows)])

    return gk, nw, chunks, crows


def kernel(x, embeds):
    e_t = jnp.swapaxes(embeds, 1, 2)
    gather, nw, chunks, crows = _make_gather()

    def idx3(ind):
        return ind.reshape(nw, chunks, crows)

    slab_sets = [_SLABS_2048, _SLABS_2048, _SLABS_2048, _SLABS_2816]
    residual = x
    total_loss = jnp.asarray(0.0, dtype=_f32)
    inds = []
    qs = []
    for lvl in range(4):
        a = jnp.sum(residual ** 2, axis=1, keepdims=True)
        ind = _dist(residual, a, embeds[lvl], slab_sets[lvl])
        q = gather(e_t[lvl], idx3(ind))
        total_loss = total_loss + jnp.mean((q - residual) ** 2)
        residual = residual - q
        inds.append(ind[:, 0])
        qs.append(q)

    quant = _quant_sum(*qs)
    embed_inds = jnp.stack(inds, axis=0)
    return quant, total_loss, embed_inds

# --- scband reference (transcript-rebuilt; emitter-appended) ---
"""Pipeline reference for scband-residual-quantization-layer-5068061409707 (READ-ONLY COPY).

The authoritative reference and input builder live on the scoring server;
editing this copy changes nothing except your own understanding.
"""

import jax, jax.numpy as jnp
import numpy as np

N_TOKENS = 18432
DIM = 256
K = 8192
N_CODEBOOKS = 4


def setup_inputs(seed: int = 0) -> dict:
    key = jax.random.key(seed)
    k1, k2 = jax.random.split(key)
    x = jax.random.normal(k1, (N_TOKENS, DIM), dtype=jnp.float32)
    # embed stored as (dim, K) per level, matching torch Parameter layout
    embeds = jax.random.normal(k2, (N_CODEBOOKS, DIM, K), dtype=jnp.float32) * 0.05
    return {"x": x, "embeds": embeds}


def reference(x, embeds):
    # Residual quantization (eval path: no Sinkhorn, no EMA updates).
    residual = x
    quant_out = jnp.zeros_like(x)
    total_loss = jnp.asarray(0.0, dtype=jnp.float32)
    inds = []
    for i in range(N_CODEBOOKS):
        e = embeds[i]  # (dim, K)
        # dist = ||r||^2 - 2 r @ E + ||E||^2  (squared L2 to each codeword)
        dist = (jnp.sum(residual ** 2, axis=1, keepdims=True)
                - 2.0 * (residual @ e)
                + jnp.sum(e ** 2, axis=0, keepdims=True))
        ind = jnp.argmax(-dist, axis=1)  # nearest codeword
        q = jnp.take(e.T, ind, axis=0)   # embed_code: gather rows of E^T
        # quant_loss = mse(quantize.detach(), residual)
        loss = jnp.mean((jax.lax.stop_gradient(q) - residual) ** 2)
        # straight-through estimator
        q_st = residual + jax.lax.stop_gradient(q - residual)
        quant_out = quant_out + q_st
        residual = residual - q_st
        total_loss = total_loss + loss
        inds.append(ind)
    embed_inds = jnp.stack(inds, axis=0)  # (n_codebooks, N)
    return quant_out, total_loss, embed_inds

if __name__ == "__main__":
    import jax
    _d = setup_inputs()
    print(jax.jit(kernel)(*tuple(_d.values())))

</pallas_src>

<mosaic_0001>
#map = affine_map<(d0, d1) -> (0, 0)>
#map1 = affine_map<(d0, d1) -> (0, 0, 0)>
module attributes {stable_mosaic.version = 14 : i64} {
  func.func @gk(%arg0: i32, %arg1: i32, %arg2: memref<8192x256xf32, #tpu.memory_space<hbm>>, %arg3: memref<32x2x288xi32, #tpu.memory_space<hbm>>, %arg4: memref<18432x256xf32, #tpu.memory_space<hbm>>, %arg5: memref<288xi32, #tpu.memory_space<vmem>>, %arg6: memref<288x256xf32, #tpu.memory_space<vmem>>, %arg7: memref<!tpu.dma_semaphore, #tpu.memory_space<semaphore_mem>>) attributes {dimension_semantics = [#tpu.dimension_semantics<core_parallel>, #tpu.dimension_semantics<subcore_parallel>], iteration_bounds = array<i64: 2, 16>, scalar_prefetch = 0 : i64, scratch_operands = 3 : i64, tpu.core_type = #tpu.core_type<sc_vector_subcore>, window_params = [{transform_indices = #map}, {transform_indices = #map1}, {transform_indices = #map}]} {
    %mul3A = arith.constant 2 : i32
    %mul3A_0 = arith.muli %arg1, %mul3A : i32
    %add3A = arith.addi %mul3A_0, %arg0 : i32
    %mul3A_1 = arith.constant 576 : i32
    %mul3A_2 = arith.muli %add3A, %mul3A_1 : i32
    %run_scoped3A = arith.constant 0 : i32
    "tpu.region"() ({
      %run_scoped3A_18 = tpu.sem_alloc : memref<!tpu.dma_semaphore, #tpu.memory_space<semaphore_mem>>
      %dma_start3A_19 = arith.constant 0 : i32
      %dma_start3A_20 = tpu.memref_slice %arg3[%add3A, %run_scoped3A, %dma_start3A_19] : memref<32x2x288xi32, #tpu.memory_space<hbm>> -> memref<1x1x288xi32, #tpu.memory_space<hbm>>
      %dma_start3A_21 = tpu.memref_squeeze %dma_start3A_20 : memref<1x1x288xi32, #tpu.memory_space<hbm>> -> memref<288xi32, #tpu.memory_space<hbm>>
      %dma_start3A_22 = arith.constant 0 : i32
      %dma_start3A_23 = tpu.memref_slice %arg3[%add3A, %run_scoped3A, %dma_start3A_22] : memref<32x2x288xi32, #tpu.memory_space<hbm>> -> memref<1x1x288xi32, #tpu.memory_space<hbm>>
      %dma_start3A_24 = tpu.memref_squeeze %dma_start3A_23 : memref<1x1x288xi32, #tpu.memory_space<hbm>> -> memref<288xi32, #tpu.memory_space<hbm>>
      tpu.enqueue_dma source(%dma_start3A_24 : memref<288xi32, #tpu.memory_space<hbm>>) target(%arg5 : memref<288xi32, #tpu.memory_space<vmem>>) target_semaphore(%run_scoped3A_18 : memref<!tpu.dma_semaphore, #tpu.memory_space<semaphore_mem>>)
      %dma_wait3A_25 = arith.constant 0 : i32
      %dma_wait3A_26 = tpu.memref_slice %arg3[%add3A, %run_scoped3A, %dma_wait3A_25] : memref<32x2x288xi32, #tpu.memory_space<hbm>> -> memref<1x1x288xi32, #tpu.memory_space<hbm>>
      %dma_wait3A_27 = tpu.memref_squeeze %dma_wait3A_26 : memref<1x1x288xi32, #tpu.memory_space<hbm>> -> memref<288xi32, #tpu.memory_space<hbm>>
      %dma_wait3A_28 = arith.constant 0 : i32
      %dma_wait3A_29 = tpu.memref_slice %arg3[%add3A, %run_scoped3A, %dma_wait3A_28] : memref<32x2x288xi32, #tpu.memory_space<hbm>> -> memref<1x1x288xi32, #tpu.memory_space<hbm>>
      %dma_wait3A_30 = tpu.memref_squeeze %dma_wait3A_29 : memref<1x1x288xi32, #tpu.memory_space<hbm>> -> memref<288xi32, #tpu.memory_space<hbm>>
      tpu.wait_dma2 semaphore(%run_scoped3A_18 : memref<!tpu.dma_semaphore, #tpu.memory_space<semaphore_mem>>) src(%dma_wait3A_30 : memref<288xi32, #tpu.memory_space<hbm>>) dst(%arg5 : memref<288xi32, #tpu.memory_space<vmem>>)
      tpu.yield
    }) : () -> ()
    %dma_start3A = arith.constant 0 : i32
    %dma_start3A_3 = arith.constant 0 : i32
    %dma_start3A_4 = tpu.memref_slice %arg2[%dma_start3A, %dma_start3A_3] : memref<8192x256xf32, #tpu.memory_space<hbm>> -> memref<8192x256xf32, #tpu.memory_space<hbm>>
    tpu.enqueue_indirect_dma source(%dma_start3A_4 : memref<8192x256xf32, #tpu.memory_space<hbm>>) target(%arg6 : memref<288x256xf32, #tpu.memory_space<vmem>>) offsets(%arg5 : memref<288xi32, #tpu.memory_space<vmem>>) semaphore(%arg7 : memref<!tpu.dma_semaphore, #tpu.memory_space<semaphore_mem>>)
    %dma_wait3A = arith.constant 0 : i32
    %dma_wait3A_5 = arith.constant 0 : i32
    %dma_wait3A_6 = tpu.memref_slice %arg2[%dma_wait3A, %dma_wait3A_5] : memref<8192x256xf32, #tpu.memory_space<hbm>> -> memref<8192x256xf32, #tpu.memory_space<hbm>>
    tpu.wait_indirect_dma semaphore(%arg7 : memref<!tpu.dma_semaphore, #tpu.memory_space<semaphore_mem>>) src(%dma_wait3A_6 : memref<8192x256xf32, #tpu.memory_space<hbm>>) dst(%arg6 : memref<288x256xf32, #tpu.memory_space<vmem>>)
    %add3A_7 = arith.constant 0 : i32
    %add3A_8 = arith.addi %mul3A_2, %add3A_7 : i32
    "tpu.region"() ({
      %run_scoped3A_18 = tpu.sem_alloc : memref<!tpu.dma_semaphore, #tpu.memory_space<semaphore_mem>>
      %dma_start3A_19 = arith.constant 0 : i32
      %dma_start3A_20 = tpu.memref_slice %arg4[%add3A_8, %dma_start3A_19] : memref<18432x256xf32, #tpu.memory_space<hbm>> -> memref<288x256xf32, #tpu.memory_space<hbm>>
      %dma_start3A_21 = arith.constant 0 : i32
      %dma_start3A_22 = tpu.memref_slice %arg4[%add3A_8, %dma_start3A_21] : memref<18432x256xf32, #tpu.memory_space<hbm>> -> memref<288x256xf32, #tpu.memory_space<hbm>>
      tpu.enqueue_dma source(%arg6 : memref<288x256xf32, #tpu.memory_space<vmem>>) target(%dma_start3A_22 : memref<288x256xf32, #tpu.memory_space<hbm>>) target_semaphore(%run_scoped3A_18 : memref<!tpu.dma_semaphore, #tpu.memory_space<semaphore_mem>>)
      %dma_wait3A_23 = arith.constant 0 : i32
      %dma_wait3A_24 = tpu.memref_slice %arg4[%add3A_8, %dma_wait3A_23] : memref<18432x256xf32, #tpu.memory_space<hbm>> -> memref<288x256xf32, #tpu.memory_space<hbm>>
      %dma_wait3A_25 = arith.constant 0 : i32
      %dma_wait3A_26 = tpu.memref_slice %arg4[%add3A_8, %dma_wait3A_25] : memref<18432x256xf32, #tpu.memory_space<hbm>> -> memref<288x256xf32, #tpu.memory_space<hbm>>
      tpu.wait_dma2 semaphore(%run_scoped3A_18 : memref<!tpu.dma_semaphore, #tpu.memory_space<semaphore_mem>>) src(%arg6 : memref<288x256xf32, #tpu.memory_space<vmem>>) dst(%dma_wait3A_26 : memref<288x256xf32, #tpu.memory_space<hbm>>)
      tpu.yield
    }) : () -> ()
    %run_scoped3A_9 = arith.constant 1 : i32
    "tpu.region"() ({
      %run_scoped3A_18 = tpu.sem_alloc : memref<!tpu.dma_semaphore, #tpu.memory_space<semaphore_mem>>
      %dma_start3A_19 = arith.constant 0 : i32
      %dma_start3A_20 = tpu.memref_slice %arg3[%add3A, %run_scoped3A_9, %dma_start3A_19] : memref<32x2x288xi32, #tpu.memory_space<hbm>> -> memref<1x1x288xi32, #tpu.memory_space<hbm>>
      %dma_start3A_21 = tpu.memref_squeeze %dma_start3A_20 : memref<1x1x288xi32, #tpu.memory_space<hbm>> -> memref<288xi32, #tpu.memory_space<hbm>>
      %dma_start3A_22 = arith.constant 0 : i32
      %dma_start3A_23 = tpu.memref_slice %arg3[%add3A, %run_scoped3A_9, %dma_start3A_22] : memref<32x2x288xi32, #tpu.memory_space<hbm>> -> memref<1x1x288xi32, #tpu.memory_space<hbm>>
      %dma_start3A_24 = tpu.memref_squeeze %dma_start3A_23 : memref<1x1x288xi32, #tpu.memory_space<hbm>> -> memref<288xi32, #tpu.memory_space<hbm>>
      tpu.enqueue_dma source(%dma_start3A_24 : memref<288xi32, #tpu.memory_space<hbm>>) target(%arg5 : memref<288xi32, #tpu.memory_space<vmem>>) target_semaphore(%run_scoped3A_18 : memref<!tpu.dma_semaphore, #tpu.memory_space<semaphore_mem>>)
      %dma_wait3A_25 = arith.constant 0 : i32
      %dma_wait3A_26 = tpu.memref_slice %arg3[%add3A, %run_scoped3A_9, %dma_wait3A_25] : memref<32x2x288xi32, #tpu.memory_space<hbm>> -> memref<1x1x288xi32, #tpu.memory_space<hbm>>
      %dma_wait3A_27 = tpu.memref_squeeze %dma_wait3A_26 : memref<1x1x288xi32, #tpu.memory_space<hbm>> -> memref<288xi32, #tpu.memory_space<hbm>>
      %dma_wait3A_28 = arith.constant 0 : i32
      %dma_wait3A_29 = tpu.memref_slice %arg3[%add3A, %run_scoped3A_9, %dma_wait3A_28] : memref<32x2x288xi32, #tpu.memory_space<hbm>> -> memref<1x1x288xi32, #tpu.memory_space<hbm>>
      %dma_wait3A_30 = tpu.memref_squeeze %dma_wait3A_29 : memref<1x1x288xi32, #tpu.memory_space<hbm>> -> memref<288xi32, #tpu.memory_space<hbm>>
      tpu.wait_dma2 semaphore(%run_scoped3A_18 : memref<!tpu.dma_semaphore, #tpu.memory_space<semaphore_mem>>) src(%dma_wait3A_30 : memref<288xi32, #tpu.memory_space<hbm>>) dst(%arg5 : memref<288xi32, #tpu.memory_space<vmem>>)
      tpu.yield
    }) : () -> ()
    %dma_start3A_10 = arith.constant 0 : i32
    %dma_start3A_11 = arith.constant 0 : i32
    %dma_start3A_12 = tpu.memref_slice %arg2[%dma_start3A_10, %dma_start3A_11] : memref<8192x256xf32, #tpu.memory_space<hbm>> -> memref<8192x256xf32, #tpu.memory_space<hbm>>
    tpu.enqueue_indirect_dma source(%dma_start3A_12 : memref<8192x256xf32, #tpu.memory_space<hbm>>) target(%arg6 : memref<288x256xf32, #tpu.memory_space<vmem>>) offsets(%arg5 : memref<288xi32, #tpu.memory_space<vmem>>) semaphore(%arg7 : memref<!tpu.dma_semaphore, #tpu.memory_space<semaphore_mem>>)
    %dma_wait3A_13 = arith.constant 0 : i32
    %dma_wait3A_14 = arith.constant 0 : i32
    %dma_wait3A_15 = tpu.memref_slice %arg2[%dma_wait3A_13, %dma_wait3A_14] : memref<8192x256xf32, #tpu.memory_space<hbm>> -> memref<8192x256xf32, #tpu.memory_space<hbm>>
    tpu.wait_indirect_dma semaphore(%arg7 : memref<!tpu.dma_semaphore, #tpu.memory_space<semaphore_mem>>) src(%dma_wait3A_15 : memref<8192x256xf32, #tpu.memory_space<hbm>>) dst(%arg6 : memref<288x256xf32, #tpu.memory_space<vmem>>)
    %add3A_16 = arith.constant 288 : i32
    %add3A_17 = arith.addi %mul3A_2, %add3A_16 : i32
    "tpu.region"() ({
      %run_scoped3A_18 = tpu.sem_alloc : memref<!tpu.dma_semaphore, #tpu.memory_space<semaphore_mem>>
      %dma_start3A_19 = arith.constant 0 : i32
      %dma_start3A_20 = tpu.memref_slice %arg4[%add3A_17, %dma_start3A_19] : memref<18432x256xf32, #tpu.memory_space<hbm>> -> memref<288x256xf32, #tpu.memory_space<hbm>>
      %dma_start3A_21 = arith.constant 0 : i32
      %dma_start3A_22 = tpu.memref_slice %arg4[%add3A_17, %dma_start3A_21] : memref<18432x256xf32, #tpu.memory_space<hbm>> -> memref<288x256xf32, #tpu.memory_space<hbm>>
      tpu.enqueue_dma source(%arg6 : memref<288x256xf32, #tpu.memory_space<vmem>>) target(%dma_start3A_22 : memref<288x256xf32, #tpu.memory_space<hbm>>) target_semaphore(%run_scoped3A_18 : memref<!tpu.dma_semaphore, #tpu.memory_space<semaphore_mem>>)
      %dma_wait3A_23 = arith.constant 0 : i32
      %dma_wait3A_24 = tpu.memref_slice %arg4[%add3A_17, %dma_wait3A_23] : memref<18432x256xf32, #tpu.memory_space<hbm>> -> memref<288x256xf32, #tpu.memory_space<hbm>>
      %dma_wait3A_25 = arith.constant 0 : i32
      %dma_wait3A_26 = tpu.memref_slice %arg4[%add3A_17, %dma_wait3A_25] : memref<18432x256xf32, #tpu.memory_space<hbm>> -> memref<288x256xf32, #tpu.memory_space<hbm>>
      tpu.wait_dma2 semaphore(%run_scoped3A_18 : memref<!tpu.dma_semaphore, #tpu.memory_space<semaphore_mem>>) src(%arg6 : memref<288x256xf32, #tpu.memory_space<vmem>>) dst(%dma_wait3A_26 : memref<288x256xf32, #tpu.memory_space<hbm>>)
      tpu.yield
    }) : () -> ()
    return
  }
}

#map = affine_map<(d0, d1) -> (0, 0)>
#map1 = affine_map<(d0, d1) -> (0, 0, 0)>
module attributes {stable_mosaic.version = 14 : i64} {
  func.func @gk(%arg0: i32, %arg1: i32, %arg2: memref<8192x256xf32, #tpu.memory_space<hbm>>, %arg3: memref<32x2x288xi32, #tpu.memory_space<hbm>>, %arg4: memref<18432x256xf32, #tpu.memory_space<hbm>>, %arg5: memref<288xi32, #tpu.memory_space<vmem>>, %arg6: memref<288x256xf32, #tpu.memory_space<vmem>>, %arg7: memref<!tpu.dma_semaphore, #tpu.memory_space<semaphore_mem>>) attributes {dimension_semantics = [#tpu.dimension_semantics<core_parallel>, #tpu.dimension_semantics<subcore_parallel>], iteration_bounds = array<i64: 2, 16>, scalar_prefetch = 0 : i64, scratch_operands = 3 : i64, tpu.core_type = #tpu.core_type<sc_vector_subcore>, window_params = [{transform_indices = #map}, {transform_indices = #map1}, {transform_indices = #map}]} {
    %mul3A = arith.constant 2 : i32
    %mul3A_0 = arith.muli %arg1, %mul3A : i32
    %add3A = arith.addi %mul3A_0, %arg0 : i32
    %mul3A_1 = arith.constant 576 : i32
    %mul3A_2 = arith.muli %add3A, %mul3A_1 : i32
    %run_scoped3A = arith.constant 0 : i32
    "tpu.region"() ({
      %run_scoped3A_18 = tpu.sem_alloc : memref<!tpu.dma_semaphore, #tpu.memory_space<semaphore_mem>>
      %dma_start3A_19 = arith.constant 0 : i32
      %dma_start3A_20 = tpu.memref_slice %arg3[%add3A, %run_scoped3A, %dma_start3A_19] : memref<32x2x288xi32, #tpu.memory_space<hbm>> -> memref<1x1x288xi32, #tpu.memory_space<hbm>>
      %dma_start3A_21 = tpu.memref_squeeze %dma_start3A_20 : memref<1x1x288xi32, #tpu.memory_space<hbm>> -> memref<288xi32, #tpu.memory_space<hbm>>
      %dma_start3A_22 = arith.constant 0 : i32
      %dma_start3A_23 = tpu.memref_slice %arg3[%add3A, %run_scoped3A, %dma_start3A_22] : memref<32x2x288xi32, #tpu.memory_space<hbm>> -> memref<1x1x288xi32, #tpu.memory_space<hbm>>
      %dma_start3A_24 = tpu.memref_squeeze %dma_start3A_23 : memref<1x1x288xi32, #tpu.memory_space<hbm>> -> memref<288xi32, #tpu.memory_space<hbm>>
      tpu.enqueue_dma source(%dma_start3A_24 : memref<288xi32, #tpu.memory_space<hbm>>) target(%arg5 : memref<288xi32, #tpu.memory_space<vmem>>) target_semaphore(%run_scoped3A_18 : memref<!tpu.dma_semaphore, #tpu.memory_space<semaphore_mem>>)
      %dma_wait3A_25 = arith.constant 0 : i32
      %dma_wait3A_26 = tpu.memref_slice %arg3[%add3A, %run_scoped3A, %dma_wait3A_25] : memref<32x2x288xi32, #tpu.memory_space<hbm>> -> memref<1x1x288xi32, #tpu.memory_space<hbm>>
      %dma_wait3A_27 = tpu.memref_squeeze %dma_wait3A_26 : memref<1x1x288xi32, #tpu.memory_space<hbm>> -> memref<288xi32, #tpu.memory_space<hbm>>
      %dma_wait3A_28 = arith.constant 0 : i32
      %dma_wait3A_29 = tpu.memref_slice %arg3[%add3A, %run_scoped3A, %dma_wait3A_28] : memref<32x2x288xi32, #tpu.memory_space<hbm>> -> memref<1x1x288xi32, #tpu.memory_space<hbm>>
      %dma_wait3A_30 = tpu.memref_squeeze %dma_wait3A_29 : memref<1x1x288xi32, #tpu.memory_space<hbm>> -> memref<288xi32, #tpu.memory_space<hbm>>
      tpu.wait_dma2 semaphore(%run_scoped3A_18 : memref<!tpu.dma_semaphore, #tpu.memory_space<semaphore_mem>>) src(%dma_wait3A_30 : memref<288xi32, #tpu.memory_space<hbm>>) dst(%arg5 : memref<288xi32, #tpu.memory_space<vmem>>)
      tpu.yield
    }) : () -> ()
    %dma_start3A = arith.constant 0 : i32
    %dma_start3A_3 = arith.constant 0 : i32
    %dma_start3A_4 = tpu.memref_slice %arg2[%dma_start3A, %dma_start3A_3] : memref<8192x256xf32, #tpu.memory_space<hbm>> -> memref<8192x256xf32, #tpu.memory_space<hbm>>
    tpu.enqueue_indirect_dma source(%dma_start3A_4 : memref<8192x256xf32, #tpu.memory_space<hbm>>) target(%arg6 : memref<288x256xf32, #tpu.memory_space<vmem>>) offsets(%arg5 : memref<288xi32, #tpu.memory_space<vmem>>) semaphore(%arg7 : memref<!tpu.dma_semaphore, #tpu.memory_space<semaphore_mem>>)
    %dma_wait3A = arith.constant 0 : i32
    %dma_wait3A_5 = arith.constant 0 : i32
    %dma_wait3A_6 = tpu.memref_slice %arg2[%dma_wait3A, %dma_wait3A_5] : memref<8192x256xf32, #tpu.memory_space<hbm>> -> memref<8192x256xf32, #tpu.memory_space<hbm>>
    tpu.wait_indirect_dma semaphore(%arg7 : memref<!tpu.dma_semaphore, #tpu.memory_space<semaphore_mem>>) src(%dma_wait3A_6 : memref<8192x256xf32, #tpu.memory_space<hbm>>) dst(%arg6 : memref<288x256xf32, #tpu.memory_space<vmem>>)
    %add3A_7 = arith.constant 0 : i32
    %add3A_8 = arith.addi %mul3A_2, %add3A_7 : i32
    "tpu.region"() ({
      %run_scoped3A_18 = tpu.sem_alloc : memref<!tpu.dma_semaphore, #tpu.memory_space<semaphore_mem>>
      %dma_start3A_19 = arith.constant 0 : i32
      %dma_start3A_20 = tpu.memref_slice %arg4[%add3A_8, %dma_start3A_19] : memref<18432x256xf32, #tpu.memory_space<hbm>> -> memref<288x256xf32, #tpu.memory_space<hbm>>
      %dma_start3A_21 = arith.constant 0 : i32
      %dma_start3A_22 = tpu.memref_slice %arg4[%add3A_8, %dma_start3A_21] : memref<18432x256xf32, #tpu.memory_space<hbm>> -> memref<288x256xf32, #tpu.memory_space<hbm>>
      tpu.enqueue_dma source(%arg6 : memref<288x256xf32, #tpu.memory_space<vmem>>) target(%dma_start3A_22 : memref<288x256xf32, #tpu.memory_space<hbm>>) target_semaphore(%run_scoped3A_18 : memref<!tpu.dma_semaphore, #tpu.memory_space<semaphore_mem>>)
      %dma_wait3A_23 = arith.constant 0 : i32
      %dma_wait3A_24 = tpu.memref_slice %arg4[%add3A_8, %dma_wait3A_23] : memref<18432x256xf32, #tpu.memory_space<hbm>> -> memref<288x256xf32, #tpu.memory_space<hbm>>
      %dma_wait3A_25 = arith.constant 0 : i32
      %dma_wait3A_26 = tpu.memref_slice %arg4[%add3A_8, %dma_wait3A_25] : memref<18432x256xf32, #tpu.memory_space<hbm>> -> memref<288x256xf32, #tpu.memory_space<hbm>>
      tpu.wait_dma2 semaphore(%run_scoped3A_18 : memref<!tpu.dma_semaphore, #tpu.memory_space<semaphore_mem>>) src(%arg6 : memref<288x256xf32, #tpu.memory_space<vmem>>) dst(%dma_wait3A_26 : memref<288x256xf32, #tpu.memory_space<hbm>>)
      tpu.yield
    }) : () -> ()
    %run_scoped3A_9 = arith.constant 1 : i32
    "tpu.region"() ({
      %run_scoped3A_18 = tpu.sem_alloc : memref<!tpu.dma_semaphore, #tpu.memory_space<semaphore_mem>>
      %dma_start3A_19 = arith.constant 0 : i32
      %dma_start3A_20 = tpu.memref_slice %arg3[%add3A, %run_scoped3A_9, %dma_start3A_19] : memref<32x2x288xi32, #tpu.memory_space<hbm>> -> memref<1x1x288xi32, #tpu.memory_space<hbm>>
      %dma_start3A_21 = tpu.memref_squeeze %dma_start3A_20 : memref<1x1x288xi32, #tpu.memory_space<hbm>> -> memref<288xi32, #tpu.memory_space<hbm>>
      %dma_start3A_22 = arith.constant 0 : i32
      %dma_start3A_23 = tpu.memref_slice %arg3[%add3A, %run_scoped3A_9, %dma_start3A_22] : memref<32x2x288xi32, #tpu.memory_space<hbm>> -> memref<1x1x288xi32, #tpu.memory_space<hbm>>
      %dma_start3A_24 = tpu.memref_squeeze %dma_start3A_23 : memref<1x1x288xi32, #tpu.memory_space<hbm>> -> memref<288xi32, #tpu.memory_space<hbm>>
      tpu.enqueue_dma source(%dma_start3A_24 : memref<288xi32, #tpu.memory_space<hbm>>) target(%arg5 : memref<288xi32, #tpu.memory_space<vmem>>) target_semaphore(%run_scoped3A_18 : memref<!tpu.dma_semaphore, #tpu.memory_space<semaphore_mem>>)
      %dma_wait3A_25 = arith.constant 0 : i32
      %dma_wait3A_26 = tpu.memref_slice %arg3[%add3A, %run_scoped3A_9, %dma_wait3A_25] : memref<32x2x288xi32, #tpu.memory_space<hbm>> -> memref<1x1x288xi32, #tpu.memory_space<hbm>>
      %dma_wait3A_27 = tpu.memref_squeeze %dma_wait3A_26 : memref<1x1x288xi32, #tpu.memory_space<hbm>> -> memref<288xi32, #tpu.memory_space<hbm>>
      %dma_wait3A_28 = arith.constant 0 : i32
      %dma_wait3A_29 = tpu.memref_slice %arg3[%add3A, %run_scoped3A_9, %dma_wait3A_28] : memref<32x2x288xi32, #tpu.memory_space<hbm>> -> memref<1x1x288xi32, #tpu.memory_space<hbm>>
      %dma_wait3A_30 = tpu.memref_squeeze %dma_wait3A_29 : memref<1x1x288xi32, #tpu.memory_space<hbm>> -> memref<288xi32, #tpu.memory_space<hbm>>
      tpu.wait_dma2 semaphore(%run_scoped3A_18 : memref<!tpu.dma_semaphore, #tpu.memory_space<semaphore_mem>>) src(%dma_wait3A_30 : memref<288xi32, #tpu.memory_space<hbm>>) dst(%arg5 : memref<288xi32, #tpu.memory_space<vmem>>)
      tpu.yield
    }) : () -> ()
    %dma_start3A_10 = arith.constant 0 : i32
    %dma_start3A_11 = arith.constant 0 : i32
    %dma_start3A_12 = tpu.memref_slice %arg2[%dma_start3A_10, %dma_start3A_11] : memref<8192x256xf32, #tpu.memory_space<hbm>> -> memref<8192x256xf32, #tpu.memory_space<hbm>>
    tpu.enqueue_indirect_dma source(%dma_start3A_12 : memref<8192x256xf32, #tpu.memory_space<hbm>>) target(%arg6 : memref<288x256xf32, #tpu.memory_space<vmem>>) offsets(%arg5 : memref<288xi32, #tpu.memory_space<vmem>>) semaphore(%arg7 : memref<!tpu.dma_semaphore, #tpu.memory_space<semaphore_mem>>)
    %dma_wait3A_13 = arith.constant 0 : i32
    %dma_wait3A_14 = arith.constant 0 : i32
    %dma_wait3A_15 = tpu.memref_slice %arg2[%dma_wait3A_13, %dma_wait3A_14] : memref<8192x256xf32, #tpu.memory_space<hbm>> -> memref<8192x256xf32, #tpu.memory_space<hbm>>
    tpu.wait_indirect_dma semaphore(%arg7 : memref<!tpu.dma_semaphore, #tpu.memory_space<semaphore_mem>>) src(%dma_wait3A_15 : memref<8192x256xf32, #tpu.memory_space<hbm>>) dst(%arg6 : memref<288x256xf32, #tpu.memory_space<vmem>>)
    %add3A_16 = arith.constant 288 : i32
    %add3A_17 = arith.addi %mul3A_2, %add3A_16 : i32
    "tpu.region"() ({
      %run_scoped3A_18 = tpu.sem_alloc : memref<!tpu.dma_semaphore, #tpu.memory_space<semaphore_mem>>
      %dma_start3A_19 = arith.constant 0 : i32
      %dma_start3A_20 = tpu.memref_slice %arg4[%add3A_17, %dma_start3A_19] : memref<18432x256xf32, #tpu.memory_space<hbm>> -> memref<288x256xf32, #tpu.memory_space<hbm>>
      %dma_start3A_21 = arith.constant 0 : i32
      %dma_start3A_22 = tpu.memref_slice %arg4[%add3A_17, %dma_start3A_21] : memref<18432x256xf32, #tpu.memory_space<hbm>> -> memref<288x256xf32, #tpu.memory_space<hbm>>
      tpu.enqueue_dma source(%arg6 : memref<288x256xf32, #tpu.memory_space<vmem>>) target(%dma_start3A_22 : memref<288x256xf32, #tpu.memory_space<hbm>>) target_semaphore(%run_scoped3A_18 : memref<!tpu.dma_semaphore, #tpu.memory_space<semaphore_mem>>)
      %dma_wait3A_23 = arith.constant 0 : i32
      %dma_wait3A_24 = tpu.memref_slice %arg4[%add3A_17, %dma_wait3A_23] : memref<18432x256xf32, #tpu.memory_space<hbm>> -> memref<288x256xf32, #tpu.memory_space<hbm>>
      %dma_wait3A_25 = arith.constant 0 : i32
      %dma_wait3A_26 = tpu.memref_slice %arg4[%add3A_17, %dma_wait3A_25] : memref<18432x256xf32, #tpu.memory_space<hbm>> -> memref<288x256xf32, #tpu.memory_space<hbm>>
      tpu.wait_dma2 semaphore(%run_scoped3A_18 : memref<!tpu.dma_semaphore, #tpu.memory_space<semaphore_mem>>) src(%arg6 : memref<288x256xf32, #tpu.memory_space<vmem>>) dst(%dma_wait3A_26 : memref<288x256xf32, #tpu.memory_space<hbm>>)
      tpu.yield
    }) : () -> ()
    return
  }
}

#map = affine_map<(d0, d1) -> (0, 0)>
#map1 = affine_map<(d0, d1) -> (0, 0, 0)>
module attributes {stable_mosaic.version = 14 : i64} {
  func.func @gk(%arg0: i32, %arg1: i32, %arg2: memref<8192x256xf32, #tpu.memory_space<hbm>>, %arg3: memref<32x2x288xi32, #tpu.memory_space<hbm>>, %arg4: memref<18432x256xf32, #tpu.memory_space<hbm>>, %arg5: memref<288xi32, #tpu.memory_space<vmem>>, %arg6: memref<288x256xf32, #tpu.memory_space<vmem>>, %arg7: memref<!tpu.dma_semaphore, #tpu.memory_space<semaphore_mem>>) attributes {dimension_semantics = [#tpu.dimension_semantics<core_parallel>, #tpu.dimension_semantics<subcore_parallel>], iteration_bounds = array<i64: 2, 16>, scalar_prefetch = 0 : i64, scratch_operands = 3 : i64, tpu.core_type = #tpu.core_type<sc_vector_subcore>, window_params = [{transform_indices = #map}, {transform_indices = #map1}, {transform_indices = #map}]} {
    %mul3A = arith.constant 2 : i32
    %mul3A_0 = arith.muli %arg1, %mul3A : i32
    %add3A = arith.addi %mul3A_0, %arg0 : i32
    %mul3A_1 = arith.constant 576 : i32
    %mul3A_2 = arith.muli %add3A, %mul3A_1 : i32
    %run_scoped3A = arith.constant 0 : i32
    "tpu.region"() ({
      %run_scoped3A_18 = tpu.sem_alloc : memref<!tpu.dma_semaphore, #tpu.memory_space<semaphore_mem>>
      %dma_start3A_19 = arith.constant 0 : i32
      %dma_start3A_20 = tpu.memref_slice %arg3[%add3A, %run_scoped3A, %dma_start3A_19] : memref<32x2x288xi32, #tpu.memory_space<hbm>> -> memref<1x1x288xi32, #tpu.memory_space<hbm>>
      %dma_start3A_21 = tpu.memref_squeeze %dma_start3A_20 : memref<1x1x288xi32, #tpu.memory_space<hbm>> -> memref<288xi32, #tpu.memory_space<hbm>>
      %dma_start3A_22 = arith.constant 0 : i32
      %dma_start3A_23 = tpu.memref_slice %arg3[%add3A, %run_scoped3A, %dma_start3A_22] : memref<32x2x288xi32, #tpu.memory_space<hbm>> -> memref<1x1x288xi32, #tpu.memory_space<hbm>>
      %dma_start3A_24 = tpu.memref_squeeze %dma_start3A_23 : memref<1x1x288xi32, #tpu.memory_space<hbm>> -> memref<288xi32, #tpu.memory_space<hbm>>
      tpu.enqueue_dma source(%dma_start3A_24 : memref<288xi32, #tpu.memory_space<hbm>>) target(%arg5 : memref<288xi32, #tpu.memory_space<vmem>>) target_semaphore(%run_scoped3A_18 : memref<!tpu.dma_semaphore, #tpu.memory_space<semaphore_mem>>)
      %dma_wait3A_25 = arith.constant 0 : i32
      %dma_wait3A_26 = tpu.memref_slice %arg3[%add3A, %run_scoped3A, %dma_wait3A_25] : memref<32x2x288xi32, #tpu.memory_space<hbm>> -> memref<1x1x288xi32, #tpu.memory_space<hbm>>
      %dma_wait3A_27 = tpu.memref_squeeze %dma_wait3A_26 : memref<1x1x288xi32, #tpu.memory_space<hbm>> -> memref<288xi32, #tpu.memory_space<hbm>>
      %dma_wait3A_28 = arith.constant 0 : i32
      %dma_wait3A_29 = tpu.memref_slice %arg3[%add3A, %run_scoped3A, %dma_wait3A_28] : memref<32x2x288xi32, #tpu.memory_space<hbm>> -> memref<1x1x288xi32, #tpu.memory_space<hbm>>
      %dma_wait3A_30 = tpu.memref_squeeze %dma_wait3A_29 : memref<1x1x288xi32, #tpu.memory_space<hbm>> -> memref<288xi32, #tpu.memory_space<hbm>>
      tpu.wait_dma2 semaphore(%run_scoped3A_18 : memref<!tpu.dma_semaphore, #tpu.memory_space<semaphore_mem>>) src(%dma_wait3A_30 : memref<288xi32, #tpu.memory_space<hbm>>) dst(%arg5 : memref<288xi32, #tpu.memory_space<vmem>>)
      tpu.yield
    }) : () -> ()
    %dma_start3A = arith.constant 0 : i32
    %dma_start3A_3 = arith.constant 0 : i32
    %dma_start3A_4 = tpu.memref_slice %arg2[%dma_start3A, %dma_start3A_3] : memref<8192x256xf32, #tpu.memory_space<hbm>> -> memref<8192x256xf32, #tpu.memory_space<hbm>>
    tpu.enqueue_indirect_dma source(%dma_start3A_4 : memref<8192x256xf32, #tpu.memory_space<hbm>>) target(%arg6 : memref<288x256xf32, #tpu.memory_space<vmem>>) offsets(%arg5 : memref<288xi32, #tpu.memory_space<vmem>>) semaphore(%arg7 : memref<!tpu.dma_semaphore, #tpu.memory_space<semaphore_mem>>)
    %dma_wait3A = arith.constant 0 : i32
    %dma_wait3A_5 = arith.constant 0 : i32
    %dma_wait3A_6 = tpu.memref_slice %arg2[%dma_wait3A, %dma_wait3A_5] : memref<8192x256xf32, #tpu.memory_space<hbm>> -> memref<8192x256xf32, #tpu.memory_space<hbm>>
    tpu.wait_indirect_dma semaphore(%arg7 : memref<!tpu.dma_semaphore, #tpu.memory_space<semaphore_mem>>) src(%dma_wait3A_6 : memref<8192x256xf32, #tpu.memory_space<hbm>>) dst(%arg6 : memref<288x256xf32, #tpu.memory_space<vmem>>)
    %add3A_7 = arith.constant 0 : i32
    %add3A_8 = arith.addi %mul3A_2, %add3A_7 : i32
    "tpu.region"() ({
      %run_scoped3A_18 = tpu.sem_alloc : memref<!tpu.dma_semaphore, #tpu.memory_space<semaphore_mem>>
      %dma_start3A_19 = arith.constant 0 : i32
      %dma_start3A_20 = tpu.memref_slice %arg4[%add3A_8, %dma_start3A_19] : memref<18432x256xf32, #tpu.memory_space<hbm>> -> memref<288x256xf32, #tpu.memory_space<hbm>>
      %dma_start3A_21 = arith.constant 0 : i32
      %dma_start3A_22 = tpu.memref_slice %arg4[%add3A_8, %dma_start3A_21] : memref<18432x256xf32, #tpu.memory_space<hbm>> -> memref<288x256xf32, #tpu.memory_space<hbm>>
      tpu.enqueue_dma source(%arg6 : memref<288x256xf32, #tpu.memory_space<vmem>>) target(%dma_start3A_22 : memref<288x256xf32, #tpu.memory_space<hbm>>) target_semaphore(%run_scoped3A_18 : memref<!tpu.dma_semaphore, #tpu.memory_space<semaphore_mem>>)
      %dma_wait3A_23 = arith.constant 0 : i32
      %dma_wait3A_24 = tpu.memref_slice %arg4[%add3A_8, %dma_wait3A_23] : memref<18432x256xf32, #tpu.memory_space<hbm>> -> memref<288x256xf32, #tpu.memory_space<hbm>>
      %dma_wait3A_25 = arith.constant 0 : i32
      %dma_wait3A_26 = tpu.memref_slice %arg4[%add3A_8, %dma_wait3A_25] : memref<18432x256xf32, #tpu.memory_space<hbm>> -> memref<288x256xf32, #tpu.memory_space<hbm>>
      tpu.wait_dma2 semaphore(%run_scoped3A_18 : memref<!tpu.dma_semaphore, #tpu.memory_space<semaphore_mem>>) src(%arg6 : memref<288x256xf32, #tpu.memory_space<vmem>>) dst(%dma_wait3A_26 : memref<288x256xf32, #tpu.memory_space<hbm>>)
      tpu.yield
    }) : () -> ()
    %run_scoped3A_9 = arith.constant 1 : i32
    "tpu.region"() ({
      %run_scoped3A_18 = tpu.sem_alloc : memref<!tpu.dma_semaphore, #tpu.memory_space<semaphore_mem>>
      %dma_start3A_19 = arith.constant 0 : i32
      %dma_start3A_20 = tpu.memref_slice %arg3[%add3A, %run_scoped3A_9, %dma_start3A_19] : memref<32x2x288xi32, #tpu.memory_space<hbm>> -> memref<1x1x288xi32, #tpu.memory_space<hbm>>
      %dma_start3A_21 = tpu.memref_squeeze %dma_start3A_20 : memref<1x1x288xi32, #tpu.memory_space<hbm>> -> memref<288xi32, #tpu.memory_space<hbm>>
      %dma_start3A_22 = arith.constant 0 : i32
      %dma_start3A_23 = tpu.memref_slice %arg3[%add3A, %run_scoped3A_9, %dma_start3A_22] : memref<32x2x288xi32, #tpu.memory_space<hbm>> -> memref<1x1x288xi32, #tpu.memory_space<hbm>>
      %dma_start3A_24 = tpu.memref_squeeze %dma_start3A_23 : memref<1x1x288xi32, #tpu.memory_space<hbm>> -> memref<288xi32, #tpu.memory_space<hbm>>
      tpu.enqueue_dma source(%dma_start3A_24 : memref<288xi32, #tpu.memory_space<hbm>>) target(%arg5 : memref<288xi32, #tpu.memory_space<vmem>>) target_semaphore(%run_scoped3A_18 : memref<!tpu.dma_semaphore, #tpu.memory_space<semaphore_mem>>)
      %dma_wait3A_25 = arith.constant 0 : i32
      %dma_wait3A_26 = tpu.memref_slice %arg3[%add3A, %run_scoped3A_9, %dma_wait3A_25] : memref<32x2x288xi32, #tpu.memory_space<hbm>> -> memref<1x1x288xi32, #tpu.memory_space<hbm>>
      %dma_wait3A_27 = tpu.memref_squeeze %dma_wait3A_26 : memref<1x1x288xi32, #tpu.memory_space<hbm>> -> memref<288xi32, #tpu.memory_space<hbm>>
      %dma_wait3A_28 = arith.constant 0 : i32
      %dma_wait3A_29 = tpu.memref_slice %arg3[%add3A, %run_scoped3A_9, %dma_wait3A_28] : memref<32x2x288xi32, #tpu.memory_space<hbm>> -> memref<1x1x288xi32, #tpu.memory_space<hbm>>
      %dma_wait3A_30 = tpu.memref_squeeze %dma_wait3A_29 : memref<1x1x288xi32, #tpu.memory_space<hbm>> -> memref<288xi32, #tpu.memory_space<hbm>>
      tpu.wait_dma2 semaphore(%run_scoped3A_18 : memref<!tpu.dma_semaphore, #tpu.memory_space<semaphore_mem>>) src(%dma_wait3A_30 : memref<288xi32, #tpu.memory_space<hbm>>) dst(%arg5 : memref<288xi32, #tpu.memory_space<vmem>>)
      tpu.yield
    }) : () -> ()
    %dma_start3A_10 = arith.constant 0 : i32
    %dma_start3A_11 = arith.constant 0 : i32
    %dma_start3A_12 = tpu.memref_slice %arg2[%dma_start3A_10, %dma_start3A_11] : memref<8192x256xf32, #tpu.memory_space<hbm>> -> memref<8192x256xf32, #tpu.memory_space<hbm>>
    tpu.enqueue_indirect_dma source(%dma_start3A_12 : memref<8192x256xf32, #tpu.memory_space<hbm>>) target(%arg6 : memref<288x256xf32, #tpu.memory_space<vmem>>) offsets(%arg5 : memref<288xi32, #tpu.memory_space<vmem>>) semaphore(%arg7 : memref<!tpu.dma_semaphore, #tpu.memory_space<semaphore_mem>>)
    %dma_wait3A_13 = arith.constant 0 : i32
    %dma_wait3A_14 = arith.constant 0 : i32
    %dma_wait3A_15 = tpu.memref_slice %arg2[%dma_wait3A_13, %dma_wait3A_14] : memref<8192x256xf32, #tpu.memory_space<hbm>> -> memref<8192x256xf32, #tpu.memory_space<hbm>>
    tpu.wait_indirect_dma semaphore(%arg7 : memref<!tpu.dma_semaphore, #tpu.memory_space<semaphore_mem>>) src(%dma_wait3A_15 : memref<8192x256xf32, #tpu.memory_space<hbm>>) dst(%arg6 : memref<288x256xf32, #tpu.memory_space<vmem>>)
    %add3A_16 = arith.constant 288 : i32
    %add3A_17 = arith.addi %mul3A_2, %add3A_16 : i32
    "tpu.region"() ({
      %run_scoped3A_18 = tpu.sem_alloc : memref<!tpu.dma_semaphore, #tpu.memory_space<semaphore_mem>>
      %dma_start3A_19 = arith.constant 0 : i32
      %dma_start3A_20 = tpu.memref_slice %arg4[%add3A_17, %dma_start3A_19] : memref<18432x256xf32, #tpu.memory_space<hbm>> -> memref<288x256xf32, #tpu.memory_space<hbm>>
      %dma_start3A_21 = arith.constant 0 : i32
      %dma_start3A_22 = tpu.memref_slice %arg4[%add3A_17, %dma_start3A_21] : memref<18432x256xf32, #tpu.memory_space<hbm>> -> memref<288x256xf32, #tpu.memory_space<hbm>>
      tpu.enqueue_dma source(%arg6 : memref<288x256xf32, #tpu.memory_space<vmem>>) target(%dma_start3A_22 : memref<288x256xf32, #tpu.memory_space<hbm>>) target_semaphore(%run_scoped3A_18 : memref<!tpu.dma_semaphore, #tpu.memory_space<semaphore_mem>>)
      %dma_wait3A_23 = arith.constant 0 : i32
      %dma_wait3A_24 = tpu.memref_slice %arg4[%add3A_17, %dma_wait3A_23] : memref<18432x256xf32, #tpu.memory_space<hbm>> -> memref<288x256xf32, #tpu.memory_space<hbm>>
      %dma_wait3A_25 = arith.constant 0 : i32
      %dma_wait3A_26 = tpu.memref_slice %arg4[%add3A_17, %dma_wait3A_25] : memref<18432x256xf32, #tpu.memory_space<hbm>> -> memref<288x256xf32, #tpu.memory_space<hbm>>
      tpu.wait_dma2 semaphore(%run_scoped3A_18 : memref<!tpu.dma_semaphore, #tpu.memory_space<semaphore_mem>>) src(%arg6 : memref<288x256xf32, #tpu.memory_space<vmem>>) dst(%dma_wait3A_26 : memref<288x256xf32, #tpu.memory_space<hbm>>)
      tpu.yield
    }) : () -> ()
    return
  }
}

#map = affine_map<(d0, d1) -> (0, 0)>
#map1 = affine_map<(d0, d1) -> (0, 0, 0)>
module attributes {stable_mosaic.version = 14 : i64} {
  func.func @gk(%arg0: i32, %arg1: i32, %arg2: memref<8192x256xf32, #tpu.memory_space<hbm>>, %arg3: memref<32x2x288xi32, #tpu.memory_space<hbm>>, %arg4: memref<18432x256xf32, #tpu.memory_space<hbm>>, %arg5: memref<288xi32, #tpu.memory_space<vmem>>, %arg6: memref<288x256xf32, #tpu.memory_space<vmem>>, %arg7: memref<!tpu.dma_semaphore, #tpu.memory_space<semaphore_mem>>) attributes {dimension_semantics = [#tpu.dimension_semantics<core_parallel>, #tpu.dimension_semantics<subcore_parallel>], iteration_bounds = array<i64: 2, 16>, scalar_prefetch = 0 : i64, scratch_operands = 3 : i64, tpu.core_type = #tpu.core_type<sc_vector_subcore>, window_params = [{transform_indices = #map}, {transform_indices = #map1}, {transform_indices = #map}]} {
    %mul3A = arith.constant 2 : i32
    %mul3A_0 = arith.muli %arg1, %mul3A : i32
    %add3A = arith.addi %mul3A_0, %arg0 : i32
    %mul3A_1 = arith.constant 576 : i32
    %mul3A_2 = arith.muli %add3A, %mul3A_1 : i32
    %run_scoped3A = arith.constant 0 : i32
    "tpu.region"() ({
      %run_scoped3A_18 = tpu.sem_alloc : memref<!tpu.dma_semaphore, #tpu.memory_space<semaphore_mem>>
      %dma_start3A_19 = arith.constant 0 : i32
      %dma_start3A_20 = tpu.memref_slice %arg3[%add3A, %run_scoped3A, %dma_start3A_19] : memref<32x2x288xi32, #tpu.memory_space<hbm>> -> memref<1x1x288xi32, #tpu.memory_space<hbm>>
      %dma_start3A_21 = tpu.memref_squeeze %dma_start3A_20 : memref<1x1x288xi32, #tpu.memory_space<hbm>> -> memref<288xi32, #tpu.memory_space<hbm>>
      %dma_start3A_22 = arith.constant 0 : i32
      %dma_start3A_23 = tpu.memref_slice %arg3[%add3A, %run_scoped3A, %dma_start3A_22] : memref<32x2x288xi32, #tpu.memory_space<hbm>> -> memref<1x1x288xi32, #tpu.memory_space<hbm>>
      %dma_start3A_24 = tpu.memref_squeeze %dma_start3A_23 : memref<1x1x288xi32, #tpu.memory_space<hbm>> -> memref<288xi32, #tpu.memory_space<hbm>>
      tpu.enqueue_dma source(%dma_start3A_24 : memref<288xi32, #tpu.memory_space<hbm>>) target(%arg5 : memref<288xi32, #tpu.memory_space<vmem>>) target_semaphore(%run_scoped3A_18 : memref<!tpu.dma_semaphore, #tpu.memory_space<semaphore_mem>>)
      %dma_wait3A_25 = arith.constant 0 : i32
      %dma_wait3A_26 = tpu.memref_slice %arg3[%add3A, %run_scoped3A, %dma_wait3A_25] : memref<32x2x288xi32, #tpu.memory_space<hbm>> -> memref<1x1x288xi32, #tpu.memory_space<hbm>>
      %dma_wait3A_27 = tpu.memref_squeeze %dma_wait3A_26 : memref<1x1x288xi32, #tpu.memory_space<hbm>> -> memref<288xi32, #tpu.memory_space<hbm>>
      %dma_wait3A_28 = arith.constant 0 : i32
      %dma_wait3A_29 = tpu.memref_slice %arg3[%add3A, %run_scoped3A, %dma_wait3A_28] : memref<32x2x288xi32, #tpu.memory_space<hbm>> -> memref<1x1x288xi32, #tpu.memory_space<hbm>>
      %dma_wait3A_30 = tpu.memref_squeeze %dma_wait3A_29 : memref<1x1x288xi32, #tpu.memory_space<hbm>> -> memref<288xi32, #tpu.memory_space<hbm>>
      tpu.wait_dma2 semaphore(%run_scoped3A_18 : memref<!tpu.dma_semaphore, #tpu.memory_space<semaphore_mem>>) src(%dma_wait3A_30 : memref<288xi32, #tpu.memory_space<hbm>>) dst(%arg5 : memref<288xi32, #tpu.memory_space<vmem>>)
      tpu.yield
    }) : () -> ()
    %dma_start3A = arith.constant 0 : i32
    %dma_start3A_3 = arith.constant 0 : i32
    %dma_start3A_4 = tpu.memref_slice %arg2[%dma_start3A, %dma_start3A_3] : memref<8192x256xf32, #tpu.memory_space<hbm>> -> memref<8192x256xf32, #tpu.memory_space<hbm>>
    tpu.enqueue_indirect_dma source(%dma_start3A_4 : memref<8192x256xf32, #tpu.memory_space<hbm>>) target(%arg6 : memref<288x256xf32, #tpu.memory_space<vmem>>) offsets(%arg5 : memref<288xi32, #tpu.memory_space<vmem>>) semaphore(%arg7 : memref<!tpu.dma_semaphore, #tpu.memory_space<semaphore_mem>>)
    %dma_wait3A = arith.constant 0 : i32
    %dma_wait3A_5 = arith.constant 0 : i32
    %dma_wait3A_6 = tpu.memref_slice %arg2[%dma_wait3A, %dma_wait3A_5] : memref<8192x256xf32, #tpu.memory_space<hbm>> -> memref<8192x256xf32, #tpu.memory_space<hbm>>
    tpu.wait_indirect_dma semaphore(%arg7 : memref<!tpu.dma_semaphore, #tpu.memory_space<semaphore_mem>>) src(%dma_wait3A_6 : memref<8192x256xf32, #tpu.memory_space<hbm>>) dst(%arg6 : memref<288x256xf32, #tpu.memory_space<vmem>>)
    %add3A_7 = arith.constant 0 : i32
    %add3A_8 = arith.addi %mul3A_2, %add3A_7 : i32
    "tpu.region"() ({
      %run_scoped3A_18 = tpu.sem_alloc : memref<!tpu.dma_semaphore, #tpu.memory_space<semaphore_mem>>
      %dma_start3A_19 = arith.constant 0 : i32
      %dma_start3A_20 = tpu.memref_slice %arg4[%add3A_8, %dma_start3A_19] : memref<18432x256xf32, #tpu.memory_space<hbm>> -> memref<288x256xf32, #tpu.memory_space<hbm>>
      %dma_start3A_21 = arith.constant 0 : i32
      %dma_start3A_22 = tpu.memref_slice %arg4[%add3A_8, %dma_start3A_21] : memref<18432x256xf32, #tpu.memory_space<hbm>> -> memref<288x256xf32, #tpu.memory_space<hbm>>
      tpu.enqueue_dma source(%arg6 : memref<288x256xf32, #tpu.memory_space<vmem>>) target(%dma_start3A_22 : memref<288x256xf32, #tpu.memory_space<hbm>>) target_semaphore(%run_scoped3A_18 : memref<!tpu.dma_semaphore, #tpu.memory_space<semaphore_mem>>)
      %dma_wait3A_23 = arith.constant 0 : i32
      %dma_wait3A_24 = tpu.memref_slice %arg4[%add3A_8, %dma_wait3A_23] : memref<18432x256xf32, #tpu.memory_space<hbm>> -> memref<288x256xf32, #tpu.memory_space<hbm>>
      %dma_wait3A_25 = arith.constant 0 : i32
      %dma_wait3A_26 = tpu.memref_slice %arg4[%add3A_8, %dma_wait3A_25] : memref<18432x256xf32, #tpu.memory_space<hbm>> -> memref<288x256xf32, #tpu.memory_space<hbm>>
      tpu.wait_dma2 semaphore(%run_scoped3A_18 : memref<!tpu.dma_semaphore, #tpu.memory_space<semaphore_mem>>) src(%arg6 : memref<288x256xf32, #tpu.memory_space<vmem>>) dst(%dma_wait3A_26 : memref<288x256xf32, #tpu.memory_space<hbm>>)
      tpu.yield
    }) : () -> ()
    %run_scoped3A_9 = arith.constant 1 : i32
    "tpu.region"() ({
      %run_scoped3A_18 = tpu.sem_alloc : memref<!tpu.dma_semaphore, #tpu.memory_space<semaphore_mem>>
      %dma_start3A_19 = arith.constant 0 : i32
      %dma_start3A_20 = tpu.memref_slice %arg3[%add3A, %run_scoped3A_9, %dma_start3A_19] : memref<32x2x288xi32, #tpu.memory_space<hbm>> -> memref<1x1x288xi32, #tpu.memory_space<hbm>>
      %dma_start3A_21 = tpu.memref_squeeze %dma_start3A_20 : memref<1x1x288xi32, #tpu.memory_space<hbm>> -> memref<288xi32, #tpu.memory_space<hbm>>
      %dma_start3A_22 = arith.constant 0 : i32
      %dma_start3A_23 = tpu.memref_slice %arg3[%add3A, %run_scoped3A_9, %dma_start3A_22] : memref<32x2x288xi32, #tpu.memory_space<hbm>> -> memref<1x1x288xi32, #tpu.memory_space<hbm>>
      %dma_start3A_24 = tpu.memref_squeeze %dma_start3A_23 : memref<1x1x288xi32, #tpu.memory_space<hbm>> -> memref<288xi32, #tpu.memory_space<hbm>>
      tpu.enqueue_dma source(%dma_start3A_24 : memref<288xi32, #tpu.memory_space<hbm>>) target(%arg5 : memref<288xi32, #tpu.memory_space<vmem>>) target_semaphore(%run_scoped3A_18 : memref<!tpu.dma_semaphore, #tpu.memory_space<semaphore_mem>>)
      %dma_wait3A_25 = arith.constant 0 : i32
      %dma_wait3A_26 = tpu.memref_slice %arg3[%add3A, %run_scoped3A_9, %dma_wait3A_25] : memref<32x2x288xi32, #tpu.memory_space<hbm>> -> memref<1x1x288xi32, #tpu.memory_space<hbm>>
      %dma_wait3A_27 = tpu.memref_squeeze %dma_wait3A_26 : memref<1x1x288xi32, #tpu.memory_space<hbm>> -> memref<288xi32, #tpu.memory_space<hbm>>
      %dma_wait3A_28 = arith.constant 0 : i32
      %dma_wait3A_29 = tpu.memref_slice %arg3[%add3A, %run_scoped3A_9, %dma_wait3A_28] : memref<32x2x288xi32, #tpu.memory_space<hbm>> -> memref<1x1x288xi32, #tpu.memory_space<hbm>>
      %dma_wait3A_30 = tpu.memref_squeeze %dma_wait3A_29 : memref<1x1x288xi32, #tpu.memory_space<hbm>> -> memref<288xi32, #tpu.memory_space<hbm>>
      tpu.wait_dma2 semaphore(%run_scoped3A_18 : memref<!tpu.dma_semaphore, #tpu.memory_space<semaphore_mem>>) src(%dma_wait3A_30 : memref<288xi32, #tpu.memory_space<hbm>>) dst(%arg5 : memref<288xi32, #tpu.memory_space<vmem>>)
      tpu.yield
    }) : () -> ()
    %dma_start3A_10 = arith.constant 0 : i32
    %dma_start3A_11 = arith.constant 0 : i32
    %dma_start3A_12 = tpu.memref_slice %arg2[%dma_start3A_10, %dma_start3A_11] : memref<8192x256xf32, #tpu.memory_space<hbm>> -> memref<8192x256xf32, #tpu.memory_space<hbm>>
    tpu.enqueue_indirect_dma source(%dma_start3A_12 : memref<8192x256xf32, #tpu.memory_space<hbm>>) target(%arg6 : memref<288x256xf32, #tpu.memory_space<vmem>>) offsets(%arg5 : memref<288xi32, #tpu.memory_space<vmem>>) semaphore(%arg7 : memref<!tpu.dma_semaphore, #tpu.memory_space<semaphore_mem>>)
    %dma_wait3A_13 = arith.constant 0 : i32
    %dma_wait3A_14 = arith.constant 0 : i32
    %dma_wait3A_15 = tpu.memref_slice %arg2[%dma_wait3A_13, %dma_wait3A_14] : memref<8192x256xf32, #tpu.memory_space<hbm>> -> memref<8192x256xf32, #tpu.memory_space<hbm>>
    tpu.wait_indirect_dma semaphore(%arg7 : memref<!tpu.dma_semaphore, #tpu.memory_space<semaphore_mem>>) src(%dma_wait3A_15 : memref<8192x256xf32, #tpu.memory_space<hbm>>) dst(%arg6 : memref<288x256xf32, #tpu.memory_space<vmem>>)
    %add3A_16 = arith.constant 288 : i32
    %add3A_17 = arith.addi %mul3A_2, %add3A_16 : i32
    "tpu.region"() ({
      %run_scoped3A_18 = tpu.sem_alloc : memref<!tpu.dma_semaphore, #tpu.memory_space<semaphore_mem>>
      %dma_start3A_19 = arith.constant 0 : i32
      %dma_start3A_20 = tpu.memref_slice %arg4[%add3A_17, %dma_start3A_19] : memref<18432x256xf32, #tpu.memory_space<hbm>> -> memref<288x256xf32, #tpu.memory_space<hbm>>
      %dma_start3A_21 = arith.constant 0 : i32
      %dma_start3A_22 = tpu.memref_slice %arg4[%add3A_17, %dma_start3A_21] : memref<18432x256xf32, #tpu.memory_space<hbm>> -> memref<288x256xf32, #tpu.memory_space<hbm>>
      tpu.enqueue_dma source(%arg6 : memref<288x256xf32, #tpu.memory_space<vmem>>) target(%dma_start3A_22 : memref<288x256xf32, #tpu.memory_space<hbm>>) target_semaphore(%run_scoped3A_18 : memref<!tpu.dma_semaphore, #tpu.memory_space<semaphore_mem>>)
      %dma_wait3A_23 = arith.constant 0 : i32
      %dma_wait3A_24 = tpu.memref_slice %arg4[%add3A_17, %dma_wait3A_23] : memref<18432x256xf32, #tpu.memory_space<hbm>> -> memref<288x256xf32, #tpu.memory_space<hbm>>
      %dma_wait3A_25 = arith.constant 0 : i32
      %dma_wait3A_26 = tpu.memref_slice %arg4[%add3A_17, %dma_wait3A_25] : memref<18432x256xf32, #tpu.memory_space<hbm>> -> memref<288x256xf32, #tpu.memory_space<hbm>>
      tpu.wait_dma2 semaphore(%run_scoped3A_18 : memref<!tpu.dma_semaphore, #tpu.memory_space<semaphore_mem>>) src(%arg6 : memref<288x256xf32, #tpu.memory_space<vmem>>) dst(%dma_wait3A_26 : memref<288x256xf32, #tpu.memory_space<hbm>>)
      tpu.yield
    }) : () -> ()
    return
  }
}

module attributes {stable_mosaic.version = 14 : i64} {
  func.func @_dist_body(%arg0: i32, %arg1: memref<512x256xf32, #tpu.memory_space<vmem>>, %arg2: memref<512x1xf32, #tpu.memory_space<vmem>>, %arg3: memref<256x8192xf32, #tpu.memory_space<vmem>>, %arg4: memref<512x1xi32, #tpu.memory_space<vmem>>, %arg5: memref<256x8192xbf16, #tpu.memory_space<vmem>>, %arg6: memref<1x8192xf32, #tpu.memory_space<vmem>>) attributes {dimension_semantics = [#tpu.dimension_semantics<arbitrary>], iteration_bounds = array<i64: 36>, scalar_prefetch = 0 : i64, scratch_operands = 2 : i64, tpu.core_type = #tpu.core_type<tc>, window_params = [{transform_indices = @transform_0, window_bounds = array<i64: 512, 256>}, {transform_indices = @transform_1, window_bounds = array<i64: 512, 1>}, {pipeline_mode = #tpu.pipeline_mode<synchronous>, transform_indices = @transform_2, window_bounds = array<i64: 256, 8192>}, {transform_indices = @transform_3, window_bounds = array<i64: 512, 1>}]} {
    %eq3A = arith.constant 0 : i32
    %eq3A_0 = arith.cmpi eq, %arg0, %eq3A : i32
    %convert_element_type3A = arith.extui %eq3A_0 : i1 to i32
    %cond3A = arith.constant 0 : i32
    %cond3A_1 = arith.cmpi ne, %convert_element_type3A, %cond3A : i32
    scf.if %cond3A_1 {
      %get3A_100 = arith.constant 0 : index
      %get3A_101 = arith.constant 0 : index
      %get3A_102 = vector.load %arg3[%get3A_100, %get3A_101] : memref<256x8192xf32, #tpu.memory_space<vmem>>, vector<256x8192xf32>
      %convert_element_type3A_103 = arith.truncf %get3A_102 : vector<256x8192xf32> to vector<256x8192xbf16>
      %swap3A_104 = arith.constant 0 : index
      %swap3A_105 = arith.constant 0 : index
      %swap3A_106 = vector.load %arg5[%swap3A_104, %swap3A_105] : memref<256x8192xbf16, #tpu.memory_space<vmem>>, vector<256x8192xbf16>
      tpu.vector_store %arg5[%swap3A_104, %swap3A_105], %convert_element_type3A_103 {strides = array<i32>} : memref<256x8192xbf16, #tpu.memory_space<vmem>>, vector<256x8192xbf16>,
      %mul3A_107 = arith.mulf %get3A_102, %get3A_102 : vector<256x8192xf32>
      %reduce_sum3A = arith.constant dense<0.000000e+00> : vector<8192xf32>
      %reduce_sum3A_108 = vector.multi_reduction <add>, %mul3A_107, %reduce_sum3A [0] : vector<256x8192xf32> to vector<8192xf32>
      %broadcast_in_dim3A_109 = vector.shape_cast %reduce_sum3A_108 : vector<8192xf32> to vector<1x8192xf32>
      %swap3A_110 = arith.constant 0 : index
      %swap3A_111 = arith.constant 0 : index
      %swap3A_112 = vector.load %arg6[%swap3A_110, %swap3A_111] : memref<1x8192xf32, #tpu.memory_space<vmem>>, vector<1x8192xf32>
      tpu.vector_store %arg6[%swap3A_110, %swap3A_111], %broadcast_in_dim3A_109 {strides = array<i32>} : memref<1x8192xf32, #tpu.memory_space<vmem>>, vector<1x8192xf32>,
    } else {
    }
    %get3A = arith.constant 0 : index
    %get3A_2 = arith.constant 0 : index
    %get3A_3 = vector.load %arg1[%get3A, %get3A_2] : memref<512x256xf32, #tpu.memory_space<vmem>>, vector<512x256xf32>
    %get3A_4 = arith.constant 0 : index
    %get3A_5 = arith.constant 0 : index
    %get3A_6 = vector.load %arg2[%get3A_4, %get3A_5] : memref<512x1xf32, #tpu.memory_space<vmem>>, vector<512x1xf32>
    %get3A_7 = arith.constant 0 : index
    %get3A_8 = arith.constant 0 : index
    %get3A_9 = vector.load %arg5[%get3A_7, %get3A_8] : memref<256x8192xbf16, #tpu.memory_space<vmem>>, vector<256x8192xbf16>
    %get3A_10 = arith.constant 0 : index
    %get3A_11 = arith.constant 0 : index
    %get3A_12 = vector.load %arg6[%get3A_10, %get3A_11] : memref<1x8192xf32, #tpu.memory_space<vmem>>, vector<1x8192xf32>
    %convert_element_type3A_13 = arith.truncf %get3A_3 : vector<512x256xf32> to vector<512x256xbf16>
    %dot_general3A = arith.constant dense<0.000000e+00> : vector<512x8192xf32>
    %dot_general3A_14 = tpu.matmul %convert_element_type3A_13, %get3A_9, %dot_general3A {dimension_numbers = #tpu.dot_dimension_numbers<[1], [0], [0], [1], [0, 0, 1, 1], [], []>, transpose_lhs_hint = false} : vector<512x256xbf16>, vector<256x8192xbf16>, vector<512x8192xf32> -> vector<512x8192xf32>
    %mul3A = arith.constant 2.000000e+00 : f32
    %mul3A_15 = vector.broadcast %mul3A : f32 to vector<512x8192xf32>
    %mul3A_16 = arith.mulf %mul3A_15, %dot_general3A_14 : vector<512x8192xf32>
    %sub3A = vector.broadcast %get3A_6 : vector<512x1xf32> to vector<512x8192xf32>
    %sub3A_17 = arith.subf %sub3A, %mul3A_16 : vector<512x8192xf32>
    %add3A = vector.broadcast %get3A_12 : vector<1x8192xf32> to vector<512x8192xf32>
    %add3A_18 = arith.addf %sub3A_17, %add3A : vector<512x8192xf32>
    %neg3A = arith.constant 0.000000e+00 : f32
    %neg3A_19 = vector.broadcast %neg3A : f32 to vector<512x8192xf32>
    %neg3A_20 = arith.subf %neg3A_19, %add3A_18 : vector<512x8192xf32>
    %broadcast_in_dim3A = arith.constant 0xFF800000 : f32
    %broadcast_in_dim3A_21 = vector.broadcast %broadcast_in_dim3A : f32 to vector<512x1xf32>
    %broadcast_in_dim3A_22 = arith.constant 0 : i32
    %broadcast_in_dim3A_23 = vector.broadcast %broadcast_in_dim3A_22 : i32 to vector<512x1xi32>
    %slice3A = vector.extract_strided_slice %neg3A_20 {offsets = [0, 0], sizes = [512, 2048], strides = [1, 1]} : vector<512x8192xf32> to vector<512x2048xf32>
    %reduce_max3A = arith.constant dense<0xFF800000> : vector<512xf32>
    %reduce_max3A_24 = vector.multi_reduction <maximumf>, %slice3A, %reduce_max3A [1] : vector<512x2048xf32> to vector<512xf32>
    %broadcast_in_dim3A_25 = vector.shape_cast %reduce_max3A_24 : vector<512xf32> to vector<512x1xf32>
    %iota3A = tpu.iota {dimensions = array<i32: 1>} : vector<512x2048xi32>
    %eq3A_26 = vector.broadcast %broadcast_in_dim3A_25 : vector<512x1xf32> to vector<512x2048xf32>
    %eq3A_27 = arith.cmpf oeq, %slice3A, %eq3A_26 : vector<512x2048xf32>
    %jit3A = arith.constant 8192 : i32
    %broadcast_in_dim3A_28 = vector.broadcast %jit3A : i32 to vector<512x2048xi32>
    %select_n3A = arith.select %eq3A_27, %iota3A, %broadcast_in_dim3A_28 : vector<512x2048xi1>, vector<512x2048xi32>
    %reduce_min3A = arith.constant dense<2147483647> : vector<512xi32>
    %reduce_min3A_29 = vector.multi_reduction <minsi>, %select_n3A, %reduce_min3A [1] : vector<512x2048xi32> to vector<512xi32>
    %broadcast_in_dim3A_30 = vector.shape_cast %reduce_min3A_29 : vector<512xi32> to vector<512x1xi32>
    %add3A_31 = arith.constant 0 : i32
    %add3A_32 = vector.broadcast %add3A_31 : i32 to vector<512x1xi32>
    %add3A_33 = arith.addi %broadcast_in_dim3A_30, %add3A_32 : vector<512x1xi32>
    %gt3A = arith.cmpf ogt, %broadcast_in_dim3A_25, %broadcast_in_dim3A_21 : vector<512x1xf32>
    %convert_element_type3A_34 = arith.truncf %broadcast_in_dim3A_25 : vector<512x1xf32> to vector<512x1xbf16>
    %convert_element_type3A_35 = arith.extf %convert_element_type3A_34 : vector<512x1xbf16> to vector<512x1xf32>
    %select_n3A_36 = arith.select %gt3A, %convert_element_type3A_35, %broadcast_in_dim3A_21 : vector<512x1xi1>, vector<512x1xf32>
    %select_n3A_37 = arith.select %gt3A, %add3A_33, %broadcast_in_dim3A_23 : vector<512x1xi1>, vector<512x1xi32>
    %slice3A_38 = vector.extract_strided_slice %neg3A_20 {offsets = [0, 2048], sizes = [512, 2048], strides = [1, 1]} : vector<512x8192xf32> to vector<512x2048xf32>
    %reduce_max3A_39 = arith.constant dense<0xFF800000> : vector<512xf32>
    %reduce_max3A_40 = vector.multi_reduction <maximumf>, %slice3A_38, %reduce_max3A_39 [1] : vector<512x2048xf32> to vector<512xf32>
    %broadcast_in_dim3A_41 = vector.shape_cast %reduce_max3A_40 : vector<512xf32> to vector<512x1xf32>
    %iota3A_42 = tpu.iota {dimensions = array<i32: 1>} : vector<512x2048xi32>
    %eq3A_43 = vector.broadcast %broadcast_in_dim3A_41 : vector<512x1xf32> to vector<512x2048xf32>
    %eq3A_44 = arith.cmpf oeq, %slice3A_38, %eq3A_43 : vector<512x2048xf32>
    %jit3A_45 = arith.constant 8192 : i32
    %broadcast_in_dim3A_46 = vector.broadcast %jit3A_45 : i32 to vector<512x2048xi32>
    %select_n3A_47 = arith.select %eq3A_44, %iota3A_42, %broadcast_in_dim3A_46 : vector<512x2048xi1>, vector<512x2048xi32>
    %reduce_min3A_48 = arith.constant dense<2147483647> : vector<512xi32>
    %reduce_min3A_49 = vector.multi_reduction <minsi>, %select_n3A_47, %reduce_min3A_48 [1] : vector<512x2048xi32> to vector<512xi32>
    %broadcast_in_dim3A_50 = vector.shape_cast %reduce_min3A_49 : vector<512xi32> to vector<512x1xi32>
    %add3A_51 = arith.constant 2048 : i32
    %add3A_52 = vector.broadcast %add3A_51 : i32 to vector<512x1xi32>
    %add3A_53 = arith.addi %broadcast_in_dim3A_50, %add3A_52 : vector<512x1xi32>
    %gt3A_54 = arith.cmpf ogt, %broadcast_in_dim3A_41, %select_n3A_36 : vector<512x1xf32>
    %convert_element_type3A_55 = arith.truncf %broadcast_in_dim3A_41 : vector<512x1xf32> to vector<512x1xbf16>
    %convert_element_type3A_56 = arith.extf %convert_element_type3A_55 : vector<512x1xbf16> to vector<512x1xf32>
    %select_n3A_57 = arith.select %gt3A_54, %convert_element_type3A_56, %select_n3A_36 : vector<512x1xi1>, vector<512x1xf32>
    %select_n3A_58 = arith.select %gt3A_54, %add3A_53, %select_n3A_37 : vector<512x1xi1>, vector<512x1xi32>
    %slice3A_59 = vector.extract_strided_slice %neg3A_20 {offsets = [0, 4096], sizes = [512, 2048], strides = [1, 1]} : vector<512x8192xf32> to vector<512x2048xf32>
    %reduce_max3A_60 = arith.constant dense<0xFF800000> : vector<512xf32>
    %reduce_max3A_61 = vector.multi_reduction <maximumf>, %slice3A_59, %reduce_max3A_60 [1] : vector<512x2048xf32> to vector<512xf32>
    %broadcast_in_dim3A_62 = vector.shape_cast %reduce_max3A_61 : vector<512xf32> to vector<512x1xf32>
    %iota3A_63 = tpu.iota {dimensions = array<i32: 1>} : vector<512x2048xi32>
    %eq3A_64 = vector.broadcast %broadcast_in_dim3A_62 : vector<512x1xf32> to vector<512x2048xf32>
    %eq3A_65 = arith.cmpf oeq, %slice3A_59, %eq3A_64 : vector<512x2048xf32>
    %jit3A_66 = arith.constant 8192 : i32
    %broadcast_in_dim3A_67 = vector.broadcast %jit3A_66 : i32 to vector<512x2048xi32>
    %select_n3A_68 = arith.select %eq3A_65, %iota3A_63, %broadcast_in_dim3A_67 : vector<512x2048xi1>, vector<512x2048xi32>
    %reduce_min3A_69 = arith.constant dense<2147483647> : vector<512xi32>
    %reduce_min3A_70 = vector.multi_reduction <minsi>, %select_n3A_68, %reduce_min3A_69 [1] : vector<512x2048xi32> to vector<512xi32>
    %broadcast_in_dim3A_71 = vector.shape_cast %reduce_min3A_70 : vector<512xi32> to vector<512x1xi32>
    %add3A_72 = arith.constant 4096 : i32
    %add3A_73 = vector.broadcast %add3A_72 : i32 to vector<512x1xi32>
    %add3A_74 = arith.addi %broadcast_in_dim3A_71, %add3A_73 : vector<512x1xi32>
    %gt3A_75 = arith.cmpf ogt, %broadcast_in_dim3A_62, %select_n3A_57 : vector<512x1xf32>
    %convert_element_type3A_76 = arith.truncf %broadcast_in_dim3A_62 : vector<512x1xf32> to vector<512x1xbf16>
    %convert_element_type3A_77 = arith.extf %convert_element_type3A_76 : vector<512x1xbf16> to vector<512x1xf32>
    %select_n3A_78 = arith.select %gt3A_75, %convert_element_type3A_77, %select_n3A_57 : vector<512x1xi1>, vector<512x1xf32>
    %select_n3A_79 = arith.select %gt3A_75, %add3A_74, %select_n3A_58 : vector<512x1xi1>, vector<512x1xi32>
    %slice3A_80 = vector.extract_strided_slice %neg3A_20 {offsets = [0, 6144], sizes = [512, 2048], strides = [1, 1]} : vector<512x8192xf32> to vector<512x2048xf32>
    %reduce_max3A_81 = arith.constant dense<0xFF800000> : vector<512xf32>
    %reduce_max3A_82 = vector.multi_reduction <maximumf>, %slice3A_80, %reduce_max3A_81 [1] : vector<512x2048xf32> to vector<512xf32>
    %broadcast_in_dim3A_83 = vector.shape_cast %reduce_max3A_82 : vector<512xf32> to vector<512x1xf32>
    %iota3A_84 = tpu.iota {dimensions = array<i32: 1>} : vector<512x2048xi32>
    %eq3A_85 = vector.broadcast %broadcast_in_dim3A_83 : vector<512x1xf32> to vector<512x2048xf32>
    %eq3A_86 = arith.cmpf oeq, %slice3A_80, %eq3A_85 : vector<512x2048xf32>
    %jit3A_87 = arith.constant 8192 : i32
    %broadcast_in_dim3A_88 = vector.broadcast %jit3A_87 : i32 to vector<512x2048xi32>
    %select_n3A_89 = arith.select %eq3A_86, %iota3A_84, %broadcast_in_dim3A_88 : vector<512x2048xi1>, vector<512x2048xi32>
    %reduce_min3A_90 = arith.constant dense<2147483647> : vector<512xi32>
    %reduce_min3A_91 = vector.multi_reduction <minsi>, %select_n3A_89, %reduce_min3A_90 [1] : vector<512x2048xi32> to vector<512xi32>
    %broadcast_in_dim3A_92 = vector.shape_cast %reduce_min3A_91 : vector<512xi32> to vector<512x1xi32>
    %add3A_93 = arith.constant 6144 : i32
    %add3A_94 = vector.broadcast %add3A_93 : i32 to vector<512x1xi32>
    %add3A_95 = arith.addi %broadcast_in_dim3A_92, %add3A_94 : vector<512x1xi32>
    %gt3A_96 = arith.cmpf ogt, %broadcast_in_dim3A_83, %select_n3A_78 : vector<512x1xf32>
    %select_n3A_97 = arith.select %gt3A_96, %add3A_95, %select_n3A_79 : vector<512x1xi1>, vector<512x1xi32>
    %swap3A = arith.constant 0 : index
    %swap3A_98 = arith.constant 0 : index
    %swap3A_99 = vector.load %arg4[%swap3A, %swap3A_98] : memref<512x1xi32, #tpu.memory_space<vmem>>, vector<512x1xi32>
    tpu.vector_store %arg4[%swap3A, %swap3A_98], %select_n3A_97 {strides = array<i32>} : memref<512x1xi32, #tpu.memory_space<vmem>>, vector<512x1xi32>,
    return
  }
  func.func @transform_0(%arg0: i32) -> (i32, i32) {
    %c0_i32 = arith.constant 0 : i32
    %c0_i32_0 = arith.constant 0 : i32
    return %arg0, %c0_i32 : i32, i32
  }
  func.func @transform_1(%arg0: i32) -> (i32, i32) {
    %c0_i32 = arith.constant 0 : i32
    %c0_i32_0 = arith.constant 0 : i32
    return %arg0, %c0_i32 : i32, i32
  }
  func.func @transform_2(%arg0: i32) -> (i32, i32) {
    %c0_i32 = arith.constant 0 : i32
    %c0_i32_0 = arith.constant 0 : i32
    %c0_i32_1 = arith.constant 0 : i32
    return %c0_i32, %c0_i32_0 : i32, i32
  }
  func.func @transform_3(%arg0: i32) -> (i32, i32) {
    %c0_i32 = arith.constant 0 : i32
    %c0_i32_0 = arith.constant 0 : i32
    return %arg0, %c0_i32 : i32, i32
  }
}

module attributes {stable_mosaic.version = 14 : i64} {
  func.func @_dist_body(%arg0: i32, %arg1: memref<512x256xf32, #tpu.memory_space<vmem>>, %arg2: memref<512x1xf32, #tpu.memory_space<vmem>>, %arg3: memref<256x8192xf32, #tpu.memory_space<vmem>>, %arg4: memref<512x1xi32, #tpu.memory_space<vmem>>, %arg5: memref<256x8192xbf16, #tpu.memory_space<vmem>>, %arg6: memref<1x8192xf32, #tpu.memory_space<vmem>>) attributes {dimension_semantics = [#tpu.dimension_semantics<arbitrary>], iteration_bounds = array<i64: 36>, scalar_prefetch = 0 : i64, scratch_operands = 2 : i64, tpu.core_type = #tpu.core_type<tc>, window_params = [{transform_indices = @transform_0, window_bounds = array<i64: 512, 256>}, {transform_indices = @transform_1, window_bounds = array<i64: 512, 1>}, {pipeline_mode = #tpu.pipeline_mode<synchronous>, transform_indices = @transform_2, window_bounds = array<i64: 256, 8192>}, {transform_indices = @transform_3, window_bounds = array<i64: 512, 1>}]} {
    %eq3A = arith.constant 0 : i32
    %eq3A_0 = arith.cmpi eq, %arg0, %eq3A : i32
    %convert_element_type3A = arith.extui %eq3A_0 : i1 to i32
    %cond3A = arith.constant 0 : i32
    %cond3A_1 = arith.cmpi ne, %convert_element_type3A, %cond3A : i32
    scf.if %cond3A_1 {
      %get3A_79 = arith.constant 0 : index
      %get3A_80 = arith.constant 0 : index
      %get3A_81 = vector.load %arg3[%get3A_79, %get3A_80] : memref<256x8192xf32, #tpu.memory_space<vmem>>, vector<256x8192xf32>
      %convert_element_type3A_82 = arith.truncf %get3A_81 : vector<256x8192xf32> to vector<256x8192xbf16>
      %swap3A_83 = arith.constant 0 : index
      %swap3A_84 = arith.constant 0 : index
      %swap3A_85 = vector.load %arg5[%swap3A_83, %swap3A_84] : memref<256x8192xbf16, #tpu.memory_space<vmem>>, vector<256x8192xbf16>
      tpu.vector_store %arg5[%swap3A_83, %swap3A_84], %convert_element_type3A_82 {strides = array<i32>} : memref<256x8192xbf16, #tpu.memory_space<vmem>>, vector<256x8192xbf16>,
      %mul3A_86 = arith.mulf %get3A_81, %get3A_81 : vector<256x8192xf32>
      %reduce_sum3A = arith.constant dense<0.000000e+00> : vector<8192xf32>
      %reduce_sum3A_87 = vector.multi_reduction <add>, %mul3A_86, %reduce_sum3A [0] : vector<256x8192xf32> to vector<8192xf32>
      %broadcast_in_dim3A_88 = vector.shape_cast %reduce_sum3A_87 : vector<8192xf32> to vector<1x8192xf32>
      %swap3A_89 = arith.constant 0 : index
      %swap3A_90 = arith.constant 0 : index
      %swap3A_91 = vector.load %arg6[%swap3A_89, %swap3A_90] : memref<1x8192xf32, #tpu.memory_space<vmem>>, vector<1x8192xf32>
      tpu.vector_store %arg6[%swap3A_89, %swap3A_90], %broadcast_in_dim3A_88 {strides = array<i32>} : memref<1x8192xf32, #tpu.memory_space<vmem>>, vector<1x8192xf32>,
    } else {
    }
    %get3A = arith.constant 0 : index
    %get3A_2 = arith.constant 0 : index
    %get3A_3 = vector.load %arg1[%get3A, %get3A_2] : memref<512x256xf32, #tpu.memory_space<vmem>>, vector<512x256xf32>
    %get3A_4 = arith.constant 0 : index
    %get3A_5 = arith.constant 0 : index
    %get3A_6 = vector.load %arg2[%get3A_4, %get3A_5] : memref<512x1xf32, #tpu.memory_space<vmem>>, vector<512x1xf32>
    %get3A_7 = arith.constant 0 : index
    %get3A_8 = arith.constant 0 : index
    %get3A_9 = vector.load %arg5[%get3A_7, %get3A_8] : memref<256x8192xbf16, #tpu.memory_space<vmem>>, vector<256x8192xbf16>
    %get3A_10 = arith.constant 0 : index
    %get3A_11 = arith.constant 0 : index
    %get3A_12 = vector.load %arg6[%get3A_10, %get3A_11] : memref<1x8192xf32, #tpu.memory_space<vmem>>, vector<1x8192xf32>
    %convert_element_type3A_13 = arith.truncf %get3A_3 : vector<512x256xf32> to vector<512x256xbf16>
    %dot_general3A = arith.constant dense<0.000000e+00> : vector<512x8192xf32>
    %dot_general3A_14 = tpu.matmul %convert_element_type3A_13, %get3A_9, %dot_general3A {dimension_numbers = #tpu.dot_dimension_numbers<[1], [0], [0], [1], [0, 0, 1, 1], [], []>, transpose_lhs_hint = false} : vector<512x256xbf16>, vector<256x8192xbf16>, vector<512x8192xf32> -> vector<512x8192xf32>
    %mul3A = arith.constant 2.000000e+00 : f32
    %mul3A_15 = vector.broadcast %mul3A : f32 to vector<512x8192xf32>
    %mul3A_16 = arith.mulf %mul3A_15, %dot_general3A_14 : vector<512x8192xf32>
    %sub3A = vector.broadcast %get3A_6 : vector<512x1xf32> to vector<512x8192xf32>
    %sub3A_17 = arith.subf %sub3A, %mul3A_16 : vector<512x8192xf32>
    %add3A = vector.broadcast %get3A_12 : vector<1x8192xf32> to vector<512x8192xf32>
    %add3A_18 = arith.addf %sub3A_17, %add3A : vector<512x8192xf32>
    %neg3A = arith.constant 0.000000e+00 : f32
    %neg3A_19 = vector.broadcast %neg3A : f32 to vector<512x8192xf32>
    %neg3A_20 = arith.subf %neg3A_19, %add3A_18 : vector<512x8192xf32>
    %broadcast_in_dim3A = arith.constant 0xFF800000 : f32
    %broadcast_in_dim3A_21 = vector.broadcast %broadcast_in_dim3A : f32 to vector<512x1xf32>
    %broadcast_in_dim3A_22 = arith.constant 0 : i32
    %broadcast_in_dim3A_23 = vector.broadcast %broadcast_in_dim3A_22 : i32 to vector<512x1xi32>
    %slice3A = vector.extract_strided_slice %neg3A_20 {offsets = [0, 0], sizes = [512, 2816], strides = [1, 1]} : vector<512x8192xf32> to vector<512x2816xf32>
    %reduce_max3A = arith.constant dense<0xFF800000> : vector<512xf32>
    %reduce_max3A_24 = vector.multi_reduction <maximumf>, %slice3A, %reduce_max3A [1] : vector<512x2816xf32> to vector<512xf32>
    %broadcast_in_dim3A_25 = vector.shape_cast %reduce_max3A_24 : vector<512xf32> to vector<512x1xf32>
    %iota3A = tpu.iota {dimensions = array<i32: 1>} : vector<512x2816xi32>
    %eq3A_26 = vector.broadcast %broadcast_in_dim3A_25 : vector<512x1xf32> to vector<512x2816xf32>
    %eq3A_27 = arith.cmpf oeq, %slice3A, %eq3A_26 : vector<512x2816xf32>
    %jit3A = arith.constant 8192 : i32
    %broadcast_in_dim3A_28 = vector.broadcast %jit3A : i32 to vector<512x2816xi32>
    %select_n3A = arith.select %eq3A_27, %iota3A, %broadcast_in_dim3A_28 : vector<512x2816xi1>, vector<512x2816xi32>
    %reduce_min3A = arith.constant dense<2147483647> : vector<512xi32>
    %reduce_min3A_29 = vector.multi_reduction <minsi>, %select_n3A, %reduce_min3A [1] : vector<512x2816xi32> to vector<512xi32>
    %broadcast_in_dim3A_30 = vector.shape_cast %reduce_min3A_29 : vector<512xi32> to vector<512x1xi32>
    %add3A_31 = arith.constant 0 : i32
    %add3A_32 = vector.broadcast %add3A_31 : i32 to vector<512x1xi32>
    %add3A_33 = arith.addi %broadcast_in_dim3A_30, %add3A_32 : vector<512x1xi32>
    %gt3A = arith.cmpf ogt, %broadcast_in_dim3A_25, %broadcast_in_dim3A_21 : vector<512x1xf32>
    %convert_element_type3A_34 = arith.truncf %broadcast_in_dim3A_25 : vector<512x1xf32> to vector<512x1xbf16>
    %convert_element_type3A_35 = arith.extf %convert_element_type3A_34 : vector<512x1xbf16> to vector<512x1xf32>
    %select_n3A_36 = arith.select %gt3A, %convert_element_type3A_35, %broadcast_in_dim3A_21 : vector<512x1xi1>, vector<512x1xf32>
    %select_n3A_37 = arith.select %gt3A, %add3A_33, %broadcast_in_dim3A_23 : vector<512x1xi1>, vector<512x1xi32>
    %slice3A_38 = vector.extract_strided_slice %neg3A_20 {offsets = [0, 2816], sizes = [512, 2816], strides = [1, 1]} : vector<512x8192xf32> to vector<512x2816xf32>
    %reduce_max3A_39 = arith.constant dense<0xFF800000> : vector<512xf32>
    %reduce_max3A_40 = vector.multi_reduction <maximumf>, %slice3A_38, %reduce_max3A_39 [1] : vector<512x2816xf32> to vector<512xf32>
    %broadcast_in_dim3A_41 = vector.shape_cast %reduce_max3A_40 : vector<512xf32> to vector<512x1xf32>
    %iota3A_42 = tpu.iota {dimensions = array<i32: 1>} : vector<512x2816xi32>
    %eq3A_43 = vector.broadcast %broadcast_in_dim3A_41 : vector<512x1xf32> to vector<512x2816xf32>
    %eq3A_44 = arith.cmpf oeq, %slice3A_38, %eq3A_43 : vector<512x2816xf32>
    %jit3A_45 = arith.constant 8192 : i32
    %broadcast_in_dim3A_46 = vector.broadcast %jit3A_45 : i32 to vector<512x2816xi32>
    %select_n3A_47 = arith.select %eq3A_44, %iota3A_42, %broadcast_in_dim3A_46 : vector<512x2816xi1>, vector<512x2816xi32>
    %reduce_min3A_48 = arith.constant dense<2147483647> : vector<512xi32>
    %reduce_min3A_49 = vector.multi_reduction <minsi>, %select_n3A_47, %reduce_min3A_48 [1] : vector<512x2816xi32> to vector<512xi32>
    %broadcast_in_dim3A_50 = vector.shape_cast %reduce_min3A_49 : vector<512xi32> to vector<512x1xi32>
    %add3A_51 = arith.constant 2816 : i32
    %add3A_52 = vector.broadcast %add3A_51 : i32 to vector<512x1xi32>
    %add3A_53 = arith.addi %broadcast_in_dim3A_50, %add3A_52 : vector<512x1xi32>
    %gt3A_54 = arith.cmpf ogt, %broadcast_in_dim3A_41, %select_n3A_36 : vector<512x1xf32>
    %convert_element_type3A_55 = arith.truncf %broadcast_in_dim3A_41 : vector<512x1xf32> to vector<512x1xbf16>
    %convert_element_type3A_56 = arith.extf %convert_element_type3A_55 : vector<512x1xbf16> to vector<512x1xf32>
    %select_n3A_57 = arith.select %gt3A_54, %convert_element_type3A_56, %select_n3A_36 : vector<512x1xi1>, vector<512x1xf32>
    %select_n3A_58 = arith.select %gt3A_54, %add3A_53, %select_n3A_37 : vector<512x1xi1>, vector<512x1xi32>
    %slice3A_59 = vector.extract_strided_slice %neg3A_20 {offsets = [0, 5632], sizes = [512, 2560], strides = [1, 1]} : vector<512x8192xf32> to vector<512x2560xf32>
    %reduce_max3A_60 = arith.constant dense<0xFF800000> : vector<512xf32>
    %reduce_max3A_61 = vector.multi_reduction <maximumf>, %slice3A_59, %reduce_max3A_60 [1] : vector<512x2560xf32> to vector<512xf32>
    %broadcast_in_dim3A_62 = vector.shape_cast %reduce_max3A_61 : vector<512xf32> to vector<512x1xf32>
    %iota3A_63 = tpu.iota {dimensions = array<i32: 1>} : vector<512x2560xi32>
    %eq3A_64 = vector.broadcast %broadcast_in_dim3A_62 : vector<512x1xf32> to vector<512x2560xf32>
    %eq3A_65 = arith.cmpf oeq, %slice3A_59, %eq3A_64 : vector<512x2560xf32>
    %jit3A_66 = arith.constant 8192 : i32
    %broadcast_in_dim3A_67 = vector.broadcast %jit3A_66 : i32 to vector<512x2560xi32>
    %select_n3A_68 = arith.select %eq3A_65, %iota3A_63, %broadcast_in_dim3A_67 : vector<512x2560xi1>, vector<512x2560xi32>
    %reduce_min3A_69 = arith.constant dense<2147483647> : vector<512xi32>
    %reduce_min3A_70 = vector.multi_reduction <minsi>, %select_n3A_68, %reduce_min3A_69 [1] : vector<512x2560xi32> to vector<512xi32>
    %broadcast_in_dim3A_71 = vector.shape_cast %reduce_min3A_70 : vector<512xi32> to vector<512x1xi32>
    %add3A_72 = arith.constant 5632 : i32
    %add3A_73 = vector.broadcast %add3A_72 : i32 to vector<512x1xi32>
    %add3A_74 = arith.addi %broadcast_in_dim3A_71, %add3A_73 : vector<512x1xi32>
    %gt3A_75 = arith.cmpf ogt, %broadcast_in_dim3A_62, %select_n3A_57 : vector<512x1xf32>
    %select_n3A_76 = arith.select %gt3A_75, %add3A_74, %select_n3A_58 : vector<512x1xi1>, vector<512x1xi32>
    %swap3A = arith.constant 0 : index
    %swap3A_77 = arith.constant 0 : index
    %swap3A_78 = vector.load %arg4[%swap3A, %swap3A_77] : memref<512x1xi32, #tpu.memory_space<vmem>>, vector<512x1xi32>
    tpu.vector_store %arg4[%swap3A, %swap3A_77], %select_n3A_76 {strides = array<i32>} : memref<512x1xi32, #tpu.memory_space<vmem>>, vector<512x1xi32>,
    return
  }
  func.func @transform_0(%arg0: i32) -> (i32, i32) {
    %c0_i32 = arith.constant 0 : i32
    %c0_i32_0 = arith.constant 0 : i32
    return %arg0, %c0_i32 : i32, i32
  }
  func.func @transform_1(%arg0: i32) -> (i32, i32) {
    %c0_i32 = arith.constant 0 : i32
    %c0_i32_0 = arith.constant 0 : i32
    return %arg0, %c0_i32 : i32, i32
  }
  func.func @transform_2(%arg0: i32) -> (i32, i32) {
    %c0_i32 = arith.constant 0 : i32
    %c0_i32_0 = arith.constant 0 : i32
    %c0_i32_1 = arith.constant 0 : i32
    return %c0_i32, %c0_i32_0 : i32, i32
  }
  func.func @transform_3(%arg0: i32) -> (i32, i32) {
    %c0_i32 = arith.constant 0 : i32
    %c0_i32_0 = arith.constant 0 : i32
    return %arg0, %c0_i32 : i32, i32
  }
}

module attributes {stable_mosaic.version = 14 : i64} {
  func.func @_quant_body(%arg0: i32, %arg1: memref<512x256xf32, #tpu.memory_space<vmem>>, %arg2: memref<512x256xf32, #tpu.memory_space<vmem>>, %arg3: memref<512x256xf32, #tpu.memory_space<vmem>>, %arg4: memref<512x256xf32, #tpu.memory_space<vmem>>, %arg5: memref<512x256xf32, #tpu.memory_space<vmem>>) attributes {dimension_semantics = [#tpu.dimension_semantics<arbitrary>], iteration_bounds = array<i64: 36>, scalar_prefetch = 0 : i64, scratch_operands = 0 : i64, tpu.core_type = #tpu.core_type<tc>, window_params = [{transform_indices = @transform_0, window_bounds = array<i64: 512, 256>}, {transform_indices = @transform_1, window_bounds = array<i64: 512, 256>}, {transform_indices = @transform_2, window_bounds = array<i64: 512, 256>}, {transform_indices = @transform_3, window_bounds = array<i64: 512, 256>}, {transform_indices = @transform_4, window_bounds = array<i64: 512, 256>}]} {
    %get3A = arith.constant 0 : index
    %get3A_0 = arith.constant 0 : index
    %get3A_1 = vector.load %arg1[%get3A, %get3A_0] : memref<512x256xf32, #tpu.memory_space<vmem>>, vector<512x256xf32>
    %get3A_2 = arith.constant 0 : index
    %get3A_3 = arith.constant 0 : index
    %get3A_4 = vector.load %arg2[%get3A_2, %get3A_3] : memref<512x256xf32, #tpu.memory_space<vmem>>, vector<512x256xf32>
    %add3A = arith.addf %get3A_1, %get3A_4 : vector<512x256xf32>
    %get3A_5 = arith.constant 0 : index
    %get3A_6 = arith.constant 0 : index
    %get3A_7 = vector.load %arg3[%get3A_5, %get3A_6] : memref<512x256xf32, #tpu.memory_space<vmem>>, vector<512x256xf32>
    %add3A_8 = arith.addf %add3A, %get3A_7 : vector<512x256xf32>
    %get3A_9 = arith.constant 0 : index
    %get3A_10 = arith.constant 0 : index
    %get3A_11 = vector.load %arg4[%get3A_9, %get3A_10] : memref<512x256xf32, #tpu.memory_space<vmem>>, vector<512x256xf32>
    %add3A_12 = arith.addf %add3A_8, %get3A_11 : vector<512x256xf32>
    %swap3A = arith.constant 0 : index
    %swap3A_13 = arith.constant 0 : index
    %swap3A_14 = vector.load %arg5[%swap3A, %swap3A_13] : memref<512x256xf32, #tpu.memory_space<vmem>>, vector<512x256xf32>
    tpu.vector_store %arg5[%swap3A, %swap3A_13], %add3A_12 {strides = array<i32>} : memref<512x256xf32, #tpu.memory_space<vmem>>, vector<512x256xf32>,
    return
  }
  func.func @transform_0(%arg0: i32) -> (i32, i32) {
    %c0_i32 = arith.constant 0 : i32
    %c0_i32_0 = arith.constant 0 : i32
    return %arg0, %c0_i32 : i32, i32
  }
  func.func @transform_1(%arg0: i32) -> (i32, i32) {
    %c0_i32 = arith.constant 0 : i32
    %c0_i32_0 = arith.constant 0 : i32
    return %arg0, %c0_i32 : i32, i32
  }
  func.func @transform_2(%arg0: i32) -> (i32, i32) {
    %c0_i32 = arith.constant 0 : i32
    %c0_i32_0 = arith.constant 0 : i32
    return %arg0, %c0_i32 : i32, i32
  }
  func.func @transform_3(%arg0: i32) -> (i32, i32) {
    %c0_i32 = arith.constant 0 : i32
    %c0_i32_0 = arith.constant 0 : i32
    return %arg0, %c0_i32 : i32, i32
  }
  func.func @transform_4(%arg0: i32) -> (i32, i32) {
    %c0_i32 = arith.constant 0 : i32
    %c0_i32_0 = arith.constant 0 : i32
    return %arg0, %c0_i32 : i32, i32
  }
}

</mosaic_0001>

<sc_bundles>
// kernel: kernel.11.cloned.1.call-start
scs
__scs_entry_jumppad:
0x0: {  	(pc) =	sbr.rel $0x88, $3  }
0x1: {  	(tag) =	ssettag $0x0;
	lr =	simm.s32 $0x1  }
0x2: {  	[smem:$0x3F9F] =	sst lr;
	_ =	strace $0xD0000000  }
0x3: {  	_ = 	snop  }
0x4: {  	_ = 	snop  }
0x5: {  	_ = 	snop  }
0x6: {  	_ = 	snop  }
0x7: {  	_ = 	snop  }
__scs_overlays_trampoline_lowered:
0x8: {  	[smem:$0x3FAE] =	sst s0  }
0x9: {  	[smem:$0x3FAF] =	sst s1  }
0xa: {  	[smem:$0x3FB0] =	sst s2  }
0xb: {  	[smem:$0x3FB1] =	sst s3  }
0xc: {  	[smem:$0x3FB2] =	sst s4  }
0xd: {  	[smem:$0x3FB3] =	sst s5  }
0xe: {  	[smem:$0x3FB4] =	sst s6  }
0xf: {  	[smem:$0x3FB5] =	sst s7  }
0x10: {  	[smem:$0x3FB6] =	sst s8  }
0x11: {  	[smem:$0x3FB7] =	sst s9;
	s0 =	simm.s32 @!p0 $0x0  }
0x12: {  	s1 =	sld [smem:$0x3F9D];
	s0 =	simm.s32 @p0 $0x1  }
0x13: {  	[smem:$0x3FB8] =	sst s0;
	s0 =	simm.s32 @!p1 $0x0  }
0x14: {  	s2 =	sld [smem:$0x3F9C];
	s0 =	simm.s32 @p1 $0x1  }
0x15: {  	[smem:$0x3FB9] =	sst s0;
	s0 =	simm.s32 @!p2 $0x0  }
0x16: {  	s3 =	sld [smem:$0x3FDB];
	s0 =	simm.s32 @p2 $0x1  }
0x17: {  	s4 =	simm.s32 $0x1BF5;
	[smem:$0x3FBB] =	sst s0  }
0x18: {  	s0 =	sld [smem:$0x3F9E];
	_ =	swait.ge [sflag:s4], $0x0  }
0x19: {  	s7 =	sld [smem:$0x3F9F]  }
0x1a: {  	s8 =	sadd.s32 $0xFFFFE003, lr  }
0x1b: {  	s9 =	sadd.s32 $0xFFFFFEF7, lr;
	s5 =	simm.s32 $0xFFFFFFFF;
	p2 =	slt.u32 s8, $0xFFFFF086  }
0x1c: {  	p1 =	slt.u32 s9, $0xF7A;
	s5 =	simm.s32 @!p2 $0x0  }
0x1d: {  	s5 =	simm.s32 @p1 $0x1;
	p0 =	seq.s32 s7, s2  }
0x1e: {  	s7 =	smul.u32 @!p0 $0xF7A, s2;
	p2 =	seq.s32 @!p0 s5, $0x0  }
0x1f: {  	s9 =	smul.u32 $0xF7A, s1;
	s8 =	simm.s32 @!p0 $0x1BF5;
	p2 =	por !p2, p0  }
0x20: {  	[sflag:s8] =	ssyncset.s32 @!p0 $0xFFFFF086;
	s6 =	sadd.s32 @!p0 s3, s7;
	s7 =	simm.s32 @!p0 $0x108  }
0x21: {  	s3 =	sadd.s32 s3, s9;
	s6 =	sadd.s32 @!p0 $0x88, s6;
	s7 =	simm.s32 @p2 $0x1082  }
0x22: {  	[simem:s7], [sflag:s8] =	dma.local @!p0 [hbm:s6], $0xF7A  }
0x23: {  	s9 =	sor.u32 $0xD0000000, s2;
	s6 =	simm.s32 $0x108;
	_ =	swait.ge @!p0 [sflag:s8], $0x0  }
0x24: {  	s3 =	sadd.s32 $0x88, s3;
	s6 =	simm.s32 @!p1 $0x1082;
	[sflag:s4] =	ssyncset.s32 $0xFFFFF086  }
0x25: {  	[simem:s6], [sflag:s4] =	dma.local [hbm:s3], $0xF7A  }
0x26: {  	[smem:$0x3F9F] =	sst s1;
	(tag) =	ssettag s2;
	_ =	strace s9  }
0x27: {  	s1 =	sld [smem:$0x3FAF]  }
0x28: {  	s2 =	sld [smem:$0x3FB0]  }
0x29: {  	s4 =	sld [smem:$0x3FB2]  }
0x2a: {  	p0 =	seq.s32 s5, $0x0;
	s5 =	sld [smem:$0x3FB3]  }
0x2b: {  	s6 =	sld [smem:$0x3FB4]  }
0x2c: {  	s7 =	sld [smem:$0x3FB5]  }
0x2d: {  	s3 =	simm.s32 $0x108;
	s8 =	sld [smem:$0x3FB6]  }
0x2e: {  	s3 =	simm.s32 @!p0 $0x1082;
	s9 =	sld [smem:$0x3FB7]  }
0x2f: {  	lr =	sadd.s32 s0, s3;
	s0 =	sld [smem:$0x3FAE]  }
0x30: {  	s3 =	sld [smem:$0x3FB1]  }
0x31: {  	[smem:$0x3FBA] =	sst s10  }
0x32: {  	s10 =	sld [smem:$0x3FB8];
	_ =	sdelay $0x3  }
0x33: {  	p0 =	seq.s32 s10, $0x1;
	s10 =	sld [smem:$0x3FBA];
	_ =	sdelay $0x3  }
0x34: {  	[smem:$0x3FBA] =	sst s10  }
0x35: {  	s10 =	sld [smem:$0x3FB9];
	_ =	sdelay $0x3  }
0x36: {  	p1 =	seq.s32 s10, $0x1;
	s10 =	sld [smem:$0x3FBA];
	_ =	sdelay $0x3  }
0x37: {  	[smem:$0x3FBA] =	sst s10  }
0x38: {  	s10 =	sld [smem:$0x3FBB]  }
0x39: {  	_ = 	snop;
	(pc) =	sbr.ind lr, $3  }
0x3a: {  	_ = 	snop  }
0x3b: {  	_ = 	snop  }
0x3c: {  	p2 =	seq.s32 s10, $0x1;
	s10 =	sld [smem:$0x3FBA]  }
0x3d: {  	_ =	shalt  }
0x3e: {  	_ =	shalt  }
0x3f: {  	_ =	shalt  }
0x40: {  	_ =	shalt  }
0x41: {  	_ =	shalt  }
0x42: {  	_ =	shalt  }
0x43: {  	_ =	shalt  }
0x44: {  	_ =	shalt  }
0x45: {  	_ =	shalt  }
0x46: {  	_ =	shalt  }
0x47: {  	_ =	shalt  }
0x48: {  	_ =	shalt  }
0x49: {  	_ =	shalt  }
0x4a: {  	_ =	shalt  }
0x4b: {  	_ =	shalt  }
0x4c: {  	_ =	shalt  }
0x4d: {  	_ =	shalt  }
0x4e: {  	_ =	shalt  }
0x4f: {  	_ =	shalt  }
0x50: {  	_ =	shalt  }
0x51: {  	_ =	shalt  }
0x52: {  	_ =	shalt  }
0x53: {  	_ =	shalt  }
0x54: {  	_ =	shalt  }
0x55: {  	_ =	shalt  }
0x56: {  	_ =	shalt  }
0x57: {  	_ =	shalt  }
0x58: {  	_ =	shalt  }
0x59: {  	_ =	shalt  }
0x5a: {  	_ =	shalt  }
0x5b: {  	_ =	shalt  }
0x5c: {  	_ =	shalt  }
0x5d: {  	_ =	shalt  }
0x5e: {  	_ =	shalt  }
0x5f: {  	_ =	shalt  }
0x60: {  	_ =	shalt  }
0x61: {  	_ =	shalt  }
0x62: {  	_ =	shalt  }
0x63: {  	_ =	shalt  }
0x64: {  	_ =	shalt  }
0x65: {  	_ =	shalt  }
0x66: {  	_ =	shalt  }
0x67: {  	_ =	shalt  }
0x68: {  	_ =	shalt  }
0x69: {  	_ =	shalt  }
0x6a: {  	_ =	shalt  }
0x6b: {  	_ =	shalt  }
0x6c: {  	_ =	shalt  }
0x6d: {  	_ =	shalt  }
0x6e: {  	_ =	shalt  }
0x6f: {  	_ =	shalt  }
0x70: {  	_ =	shalt  }
0x71: {  	_ =	shalt  }
0x72: {  	_ =	shalt  }
0x73: {  	_ =	shalt  }
0x74: {  	_ =	shalt  }
0x75: {  	_ =	shalt  }
0x76: {  	_ =	shalt  }
0x77: {  	_ =	shalt  }
0x78: {  	_ =	shalt  }
0x79: {  	_ =	shalt  }
0x7a: {  	_ =	shalt  }
0x7b: {  	_ =	shalt  }
0x7c: {  	_ =	shalt  }
0x7d: {  	_ =	shalt  }
0x7e: {  	_ =	shalt  }
0x7f: {  	_ =	shalt  }
0x80: {  	_ =	shalt  }
0x81: {  	_ =	shalt  }
0x82: {  	_ =	shalt  }
0x83: {  	_ =	shalt  }
0x84: {  	_ =	shalt  }
0x85: {  	_ =	shalt  }
0x86: {  	_ =	shalt  }
0x87: {  	_ =	shalt  }
.Lfunc_end0:
.L_simem_size_0:
called_computation_lowered:
.L_overlay_start_0:
0x88: {  	s2 =	sld [smem:$0x3FD9]  }
0x89: {  	s3 =	sld [smem:$0x3FFE];
	_ =	sdelay $0x1  }
0x8a: {  	s1 =	srdreg.scid  }
0x8b: {  	s0 =	sand.u32 $0x1, s1  }
0x8c: {  	s14 =	sshll.u32 s0, $0xA;
	s2 =	sadd.s32 s3, s2  }
0x8d: {  	s2 =	sadd.s32 s2, s14  }
0x8e: {  	[smem:$0x3FC6] =	sst s2  }
0x8f: {  	_ = 	snop  }
0x90: {  	s2 =	sld [smem:$0x3FD0];
	_ =	sdelay $0x2  }
0x91: {  	s15 =	simm.s32 $0xA;
	s4 =	simm.s32 $0x10  }
0x92: {  	[smem:s4], [sflag:s15] =	dma.local [hbm:s2], $0x1  }
0x93: {  	_ =	swait.eq [sflag:s15], $0x1  }
0x94: {  	[sflag:s15] =	ssyncset.done $0x0  }
0x95: {  	[sflag:s15] =	ssyncadd.s32 $0xFFFFFFFF  }
0x96: {  	s16 =	sld [smem:$0x12];
	(tm) =	ssettm $0x1  }
0x97: {  	s17 =	sld [smem:$0x3FFB];
	_ =	sdelay $0x3  }
0x98: {  	_ =	strace s17  }
0x99: {  	s3 =	sld [smem:$0x3FFC];
	_ =	sdelay $0x3  }
0x9a: {  	_ =	strace s3  }
0x9b: {  	s3 =	sld [smem:$0x3FFD];
	_ =	sdelay $0x3  }
0x9c: {  	_ =	strace s3  }
0x9d: {  	_ =	strace $0x8FFFFFFF  }
0x9e: {  	s18 =	sld [smem:$0x3FDB];
	_ =	sdelay $0x1  }
0x9f: {  	s19 =	simm.s32 $_scs_section_size  }
0xa0: {  	s5 =	simm.s32 $_size__tile_overlayer_lowered;
	s6 =	simm.s32 $_tile_overlayer_lowered  }
0xa1: {  	s22 =	simm.s32 $0x1BFF;
	s21 =	sshll.u32 s6, $0x1;
	s3 =	sadd.s32 s19, s18  }
0xa2: {  	s7 =	simm.s32 $0x0;
	s20 =	sshll.u32 s5, $0x1;
	s5 =	sadd.s32 s21, s3  }
0xa3: {  	[timem:s7], [sflag:s22] =	dma.local [hbm:s5], s20  }
0xa4: {  	_ =	swait.ge [sflag:s22], s20  }
0xa5: {  	s4 =	ssub.s32 $0x0, s20;
	[sflag:s22] =	ssyncset.done $0x0  }
0xa6: {  	[sflag:s22] =	ssyncadd.s32 s4;
	_ =	sdelay $0x1  }
0xa7: {  	s23 =	simm.s32 $0x1B8B  }
0xa8: {  	_ =	swait.ge [sflag:s23], $0x1  }
0xa9: {  	[sflag:s23] =	ssyncset.done $0x0  }
0xaa: {  	s25 =	simm.s32 $0x1B8E;
	s24 =	sld [smem:$0x3FFE];
	[sflag:s23] =	ssyncadd.s32 $0xFFFFFFFF  }
0xab: {  	s26 =	simm.s32 $execute0_lowered;
	[smem:$0x3FD2] =	sst s25  }
0xac: {  	s5 =	sshll.u32 s26, $0x1;
	_ =	strace $0x80000046;
	[dreg:$0x1] =	wrdreg $0xFFFFFFFF  }
0xad: {  	s28 =	simm.s32 $_size_execute0_lowered;
	s3 =	sadd.s32 s3, s5;
	[dreg:$0x0] =	wrdreg $0x0  }
0xae: {  	s5 =	sshll.u32 s28, $0x1;
	[dreg:$0x2] =	wrdreg s3  }
0xaf: {  	[dreg:$0x3] =	wrdreg s5  }
0xb0: {  	[dreg:$0x4] =	wrdreg $0xC0  }
0xb1: {  	_ =	task [dreg:s7], $0x5FFFF  }
0xb2: {  	[dreg:$0x1] =	wrdreg $0xFFFFFFFF  }
0xb3: {  	[dreg:$0x0] =	wrdreg $0x60  }
0xb4: {  	[dreg:$0x2] =	wrdreg s24  }
0xb5: {  	[dreg:$0x3] =	wrdreg s16  }
0xb6: {  	[dreg:$0x4] =	wrdreg $0x9  }
0xb7: {  	_ =	task.clear_ibuf [dreg:s7], $0x5FFFF;
	_ =	strace $0x90000046  }
0xb8: {  	s29 =	simm.s32 $0x9;
	_ =	strace $0x80000048  }
0xb9: {  	_ =	swait.ge [sflag:s29], $0x1  }
0xba: {  	[sflag:s29] =	ssyncadd.s32 $0xFFFFFFFF  }
0xbb: {  	_ =	strace $0x90000048  }
0xbc: {  	_ =	sfence  }
0xbd: {  	s30 =	sld [smem:$0x0];
	_ =	sdelay $0x2  }
0xbe: {  	s31 =	sshll.u32 s1, $0xD;
	s1 =	sshrl.u32 s1, $0x2  }
0xbf: {  	s3 =	sand.u32 $0x4000, s31;
	s1 =	sadd.s32 s1, s30  }
0xc0: {  	s0 =	sor.u32 s3, s0;
	s1 =	sshll.u32 s1, $0x11  }
0xc1: {  	s0 =	sor.u32 s1, s0  }
0xc2: {  	s0 =	sadd.s32 $0x8F2B, s0  }
0xc3: {  	[sflag:s0] =	ssyncadd.remote.s32 $0x1  }
0xc4: {  	_ =	sfence.sel $0xFFFF  }
0xc5: {  	[dreg:$0x0] =	wrdreg $0xFFFFFFFF;
	(pc) =	sbr.abs _section_cstart, $3  }
0xc6: {  	[dreg:$0x1] =	wrdreg $0xFFFFFFFF  }
0xc7: {  	_ =	task.clear_ibuf [dreg:s7], $0x2FFFF;
	_ =	strace $0x9FFFFFFF  }
0xc8: {  	(tm) =	ssettm $0x7FFFFFFF  }
0xc9: {  	_ =	shalt  }
tec
execute0_lowered:
.L_overlay_start_1:
0x0: {  	(tag) =	ssettag $0x1  }
0x1: {  	s0 =	srdreg.scid  }
0x2: {  	s2 =	stileid.u32;
	s1 =	rddreg [dreg:$0x0]  }
0x3: {  	s4 =	rddreg [dreg:$0x1];
	s19 =	simm.s32 $0x1;
	s22 =	simm.s32 $0x100  }
0x4: {  	s23 =	simm.s32 $0x980;
	s28 =	simm.s32 $0x2980;
	s29 =	simm.s32 $0x3180  }
0x5: {  	s30 =	simm.s32 $0x3980;
	s31 =	simm.s32 $0x4180;
	s10 =	simm.s32 $0x6980  }
0x6: {  	s11 =	simm.s32 $0x7180;
	s12 =	simm.s32 $0x7980;
	s13 =	simm.s32 $0x8180  }
0x7: {  	s14 =	simm.s32 $0x8980;
	s0 =	sand.u32 $0x1, s0;
	s2 =	sshll.u32 s2, $0x1  }
0x8: {  	s15 =	simm.s32 $0x9180;
	s16 =	simm.s32 $0x9980;
	s3 =	sor.u32 s0, s2  }
0x9: {  	s17 =	simm.s32 $0xA180;
	s18 =	simm.s32 $0xB180;
	s5 =	smul.u32 $0x60, s3  }
0xa: {  	s2 =	simm.s32 $0x0;
	s0 =	ssub.s32 $0x2, s0;
	s6 =	smul.u32 $0x4800, s3  }
0xb: {  	[smem:$0x7FF] =	sst s2;
	s7 =	smul.u32 $0x24000, s3;
	s3 =	sadd.s32 $0x183C00, s1  }
0xc: {  	s1 =	sadd.s32 $0x4600, s1;
	s8 =	sshrl.u32 s0, $0x1;
	_ =	strace $0x80000047  }
0xd: {  	s0 =	ssub.s32 s0, s8;
	s8 =	simm.s32 $0x2;
	s9 =	sadd.s32 s4, s5  }
0xe: {  	s24 =	sadd.s32 s1, s6;
	s25 =	sshrl.u32 s7, $0x3;
	s5 =	smax.u32 s0, $0x1  }
0xf: {  	s6 =	simm.s32 $0x5980;
	s7 =	simm.s32 $0x6180;
	[dreg:$0x3] =	wrdreg s24  }
0x10: {  	s4 =	simm.s32 $0xA980;
	[dreg:$0x6] =	wrdreg s9;
	s26 =	sadd.s32 $0x10, s9  }
0x11: {  	v2 =	vlaneseq.u32;
	s1 =	sadd.s32 s1, s25;
	s24 =	simm.s32 $0x1180;
	s25 =	simm.s32 $0x1980  }
0x12: {  	vm0 =	vmmov $0xffff;
	v1 =	vshrl.u32 v2, $0x3;
	s9 =	simm.s32 $0xB980;
	[dreg:$0x4] =	wrdreg s26;
	s1 =	sadd.s32 $0x2400, s1  }
0x13: {  	v0 =	vand.u32 $0x7, v2;
	v2 =	vor.u32 $0x8, v2;
	v1 =	vmul.u32 $0x8, v1;
	s26 =	simm.s32 $0x2180;
	[dreg:$0x5] =	wrdreg s1;
	s1 =	simm.s32 $0x4980  }
.LBB2_1:
0x14: {  	s20 =	rddreg [dreg:$0x6];
	s21 =	simm.s32 $0x80  }
0x15: {  	[tilespmem:s2], [sflag:$0x2] =	stream.strided.gather [hbm4b:s20+s21], $0x180, s22, s21, $0x38;
	[tilespmem:$0x12180] =	vst v63  }
0x16: {  	_ =	swait.ge [sflag:s8], $0x180  }
0x17: {  	[sflag:s8] =	ssyncset.done $0x0  }
0x18: {  	[sflag:s8] =	ssyncadd.s32 $0xFFFFFE80  }
0x19: {  	v3 =	vld [tilespmem:$0x0];
	_ =	sdelay $0x4  }
0x1a: {  	v4 =	vshll.u32 v3, $0x1  }
0x1b: {  	v3 =	vand.u32 $0x7, v3;
	v4 =	vand.u32 $0xFFFFFFF0, v4  }
0x1c: {  	v3 =	vor.u32 v3, v4  }
0x1d: {  	v4 =	vperm.xlane v3, v0;
	_ =	sdelay $0x1  }
0x1e: {  	v3 =	vperm.xlane v3, v2;
	v4 =	vadd.s32 v1, v4;
	_ =	sdelay $0x1  }
0x1f: {  	v3 =	vadd.s32 v1, v3;
	_ =	sdelay $0x1  }
0x20: {  	s0 =	simm.s32 $0x180  }
0x21: {  	[tilespmem:s0], [sflag:$0x1] =	stream.indirect_vreg.gather [hbm4b:s3+s2], $0x80, v4, vm0, $0xb8;
	[tilespmem:$0x12180] =	vst v63  }
0x22: {  	_ = 	snop  }
0x23: {  	[tilespmem:s23], [sflag:$0x1] =	stream.indirect_vreg.gather [hbm4b:s3+s2], $0x80, v3, vm0, $0xb8;
	[tilespmem:$0x12180] =	vst v63  }
0x24: {  	v3 =	vld [tilespmem:$0x10];
	_ =	sdelay $0x4  }
0x25: {  	v29 =	vshll.u32 v3, $0x1  }
0x26: {  	v3 =	vand.u32 $0x7, v3;
	v4 =	vand.u32 $0xFFFFFFF0, v29  }
0x27: {  	v3 =	vor.u32 v3, v4  }
0x28: {  	v4 =	vperm.xlane v3, v0;
	_ =	sdelay $0x1  }
0x29: {  	v3 =	vperm.xlane v3, v2;
	v4 =	vadd.s32 v1, v4;
	_ =	sdelay $0x1  }
0x2a: {  	v3 =	vadd.s32 v1, v3;
	_ =	sdelay $0x2  }
0x2b: {  	[tilespmem:s24], [sflag:$0x1] =	stream.indirect_vreg.gather [hbm4b:s3+s2], $0x80, v4, vm0, $0xb8;
	[tilespmem:$0x12180] =	vst v63  }
0x2c: {  	_ = 	snop  }
0x2d: {  	[tilespmem:s25], [sflag:$0x1] =	stream.indirect_vreg.gather [hbm4b:s3+s2], $0x80, v3, vm0, $0xb8;
	[tilespmem:$0x12180] =	vst v63  }
0x2e: {  	v3 =	vld [tilespmem:$0x20];
	_ =	sdelay $0x4  }
0x2f: {  	v30 =	vshll.u32 v3, $0x1  }
0x30: {  	v3 =	vand.u32 $0x7, v3;
	v4 =	vand.u32 $0xFFFFFFF0, v30  }
0x31: {  	v3 =	vor.u32 v3, v4  }
0x32: {  	v4 =	vperm.xlane v3, v0;
	_ =	sdelay $0x1  }
0x33: {  	v3 =	vperm.xlane v3, v2;
	v4 =	vadd.s32 v1, v4;
	_ =	sdelay $0x1  }
0x34: {  	v3 =	vadd.s32 v1, v3;
	_ =	sdelay $0x2  }
0x35: {  	[tilespmem:s26], [sflag:$0x1] =	stream.indirect_vreg.gather [hbm4b:s3+s2], $0x80, v4, vm0, $0xb8;
	[tilespmem:$0x12180] =	vst v63  }
0x36: {  	_ = 	snop  }
0x37: {  	[tilespmem:s28], [sflag:$0x1] =	stream.indirect_vreg.gather [hbm4b:s3+s2], $0x80, v3, vm0, $0xb8;
	[tilespmem:$0x12180] =	vst v63  }
0x38: {  	v3 =	vld [tilespmem:$0x30];
	_ =	sdelay $0x4  }
0x39: {  	v31 =	vshll.u32 v3, $0x1  }
0x3a: {  	v3 =	vand.u32 $0x7, v3;
	v4 =	vand.u32 $0xFFFFFFF0, v31  }
0x3b: {  	v3 =	vor.u32 v3, v4  }
0x3c: {  	v4 =	vperm.xlane v3, v0;
	_ =	sdelay $0x1  }
0x3d: {  	v3 =	vperm.xlane v3, v2;
	v4 =	vadd.s32 v1, v4;
	_ =	sdelay $0x1  }
0x3e: {  	v3 =	vadd.s32 v1, v3;
	_ =	sdelay $0x2  }
0x3f: {  	[tilespmem:s29], [sflag:$0x1] =	stream.indirect_vreg.gather [hbm4b:s3+s2], $0x80, v4, vm0, $0xb8;
	[tilespmem:$0x12180] =	vst v63  }
0x40: {  	_ = 	snop  }
0x41: {  	[tilespmem:s30], [sflag:$0x1] =	stream.indirect_vreg.gather [hbm4b:s3+s2], $0x80, v3, vm0, $0xb8;
	[tilespmem:$0x12180] =	vst v63  }
0x42: {  	v3 =	vld [tilespmem:$0x40];
	_ =	sdelay $0x4  }
0x43: {  	v32 =	vshll.u32 v3, $0x1  }
0x44: {  	v3 =	vand.u32 $0x7, v3;
	v4 =	vand.u32 $0xFFFFFFF0, v32  }
0x45: {  	v3 =	vor.u32 v3, v4  }
0x46: {  	v4 =	vperm.xlane v3, v0;
	_ =	sdelay $0x1  }
0x47: {  	v3 =	vperm.xlane v3, v2;
	v4 =	vadd.s32 v1, v4;
	_ =	sdelay $0x1  }
0x48: {  	v3 =	vadd.s32 v1, v3;
	_ =	sdelay $0x2  }
0x49: {  	[tilespmem:s31], [sflag:$0x1] =	stream.indirect_vreg.gather [hbm4b:s3+s2], $0x80, v4, vm0, $0xb8;
	[tilespmem:$0x12180] =	vst v63  }
0x4a: {  	_ = 	snop  }
0x4b: {  	[tilespmem:s1], [sflag:$0x1] =	stream.indirect_vreg.gather [hbm4b:s3+s2], $0x80, v3, vm0, $0xb8;
	[tilespmem:$0x12180] =	vst v63  }
0x4c: {  	v3 =	vld [tilespmem:$0x50];
	_ =	sdelay $0x4  }
0x4d: {  	v33 =	vshll.u32 v3, $0x1  }
0x4e: {  	v3 =	vand.u32 $0x7, v3;
	v4 =	vand.u32 $0xFFFFFFF0, v33  }
0x4f: {  	v3 =	vor.u32 v3, v4  }
0x50: {  	v4 =	vperm.xlane v3, v0;
	_ =	sdelay $0x1  }
0x51: {  	v3 =	vperm.xlane v3, v2;
	v4 =	vadd.s32 v1, v4;
	_ =	sdelay $0x1  }
0x52: {  	v3 =	vadd.s32 v1, v3;
	_ =	sdelay $0x1  }
0x53: {  	s20 =	simm.s32 $0x5180  }
0x54: {  	[tilespmem:s20], [sflag:$0x1] =	stream.indirect_vreg.gather [hbm4b:s3+s2], $0x80, v4, vm0, $0xb8;
	[tilespmem:$0x12180] =	vst v63  }
0x55: {  	_ = 	snop  }
0x56: {  	[tilespmem:s6], [sflag:$0x1] =	stream.indirect_vreg.gather [hbm4b:s3+s2], $0x80, v3, vm0, $0xb8;
	[tilespmem:$0x12180] =	vst v63  }
0x57: {  	v3 =	vld [tilespmem:$0x60];
	_ =	sdelay $0x4  }
0x58: {  	v34 =	vshll.u32 v3, $0x1  }
0x59: {  	v3 =	vand.u32 $0x7, v3;
	v4 =	vand.u32 $0xFFFFFFF0, v34  }
0x5a: {  	v3 =	vor.u32 v3, v4  }
0x5b: {  	v4 =	vperm.xlane v3, v0;
	_ =	sdelay $0x1  }
0x5c: {  	v3 =	vperm.xlane v3, v2;
	v4 =	vadd.s32 v1, v4;
	_ =	sdelay $0x1  }
0x5d: {  	v3 =	vadd.s32 v1, v3;
	_ =	sdelay $0x2  }
0x5e: {  	[tilespmem:s7], [sflag:$0x1] =	stream.indirect_vreg.gather [hbm4b:s3+s2], $0x80, v4, vm0, $0xb8;
	[tilespmem:$0x12180] =	vst v63  }
0x5f: {  	_ = 	snop  }
0x60: {  	[tilespmem:s10], [sflag:$0x1] =	stream.indirect_vreg.gather [hbm4b:s3+s2], $0x80, v3, vm0, $0xb8;
	[tilespmem:$0x12180] =	vst v63  }
0x61: {  	v3 =	vld [tilespmem:$0x70];
	_ =	sdelay $0x4  }
0x62: {  	v35 =	vshll.u32 v3, $0x1  }
0x63: {  	v3 =	vand.u32 $0x7, v3;
	v4 =	vand.u32 $0xFFFFFFF0, v35  }
0x64: {  	v3 =	vor.u32 v3, v4  }
0x65: {  	v4 =	vperm.xlane v3, v0;
	_ =	sdelay $0x1  }
0x66: {  	v3 =	vperm.xlane v3, v2;
	v4 =	vadd.s32 v1, v4;
	_ =	sdelay $0x1  }
0x67: {  	v3 =	vadd.s32 v1, v3;
	_ =	sdelay $0x2  }
0x68: {  	[tilespmem:s11], [sflag:$0x1] =	stream.indirect_vreg.gather [hbm4b:s3+s2], $0x80, v4, vm0, $0xb8;
	[tilespmem:$0x12180] =	vst v63  }
0x69: {  	_ = 	snop  }
0x6a: {  	[tilespmem:s12], [sflag:$0x1] =	stream.indirect_vreg.gather [hbm4b:s3+s2], $0x80, v3, vm0, $0xb8;
	[tilespmem:$0x12180] =	vst v63  }
0x6b: {  	v3 =	vld [tilespmem:$0x80];
	_ =	sdelay $0x4  }
0x6c: {  	v36 =	vshll.u32 v3, $0x1  }
0x6d: {  	v3 =	vand.u32 $0x7, v3;
	v4 =	vand.u32 $0xFFFFFFF0, v36  }
0x6e: {  	v3 =	vor.u32 v3, v4  }
0x6f: {  	v4 =	vperm.xlane v3, v0;
	_ =	sdelay $0x1  }
0x70: {  	v3 =	vperm.xlane v3, v2;
	v4 =	vadd.s32 v1, v4;
	_ =	sdelay $0x1  }
0x71: {  	v3 =	vadd.s32 v1, v3;
	_ =	sdelay $0x2  }
0x72: {  	[tilespmem:s13], [sflag:$0x1] =	stream.indirect_vreg.gather [hbm4b:s3+s2], $0x80, v4, vm0, $0xb8;
	[tilespmem:$0x12180] =	vst v63  }
0x73: {  	_ = 	snop  }
0x74: {  	[tilespmem:s14], [sflag:$0x1] =	stream.indirect_vreg.gather [hbm4b:s3+s2], $0x80, v3, vm0, $0xb8;
	[tilespmem:$0x12180] =	vst v63  }
0x75: {  	v3 =	vld [tilespmem:$0x90];
	_ =	sdelay $0x4  }
0x76: {  	v37 =	vshll.u32 v3, $0x1  }
0x77: {  	v3 =	vand.u32 $0x7, v3;
	v4 =	vand.u32 $0xFFFFFFF0, v37  }
0x78: {  	v3 =	vor.u32 v3, v4  }
0x79: {  	v4 =	vperm.xlane v3, v0;
	_ =	sdelay $0x1  }
0x7a: {  	v3 =	vperm.xlane v3, v2;
	v4 =	vadd.s32 v1, v4;
	_ =	sdelay $0x1  }
0x7b: {  	v3 =	vadd.s32 v1, v3;
	_ =	sdelay $0x2  }
0x7c: {  	[tilespmem:s15], [sflag:$0x1] =	stream.indirect_vreg.gather [hbm4b:s3+s2], $0x80, v4, vm0, $0xb8;
	[tilespmem:$0x12180] =	vst v63  }
0x7d: {  	_ = 	snop  }
0x7e: {  	[tilespmem:s16], [sflag:$0x1] =	stream.indirect_vreg.gather [hbm4b:s3+s2], $0x80, v3, vm0, $0xb8;
	[tilespmem:$0x12180] =	vst v63  }
0x7f: {  	v3 =	vld [tilespmem:$0xA0];
	_ =	sdelay $0x4  }
0x80: {  	v38 =	vshll.u32 v3, $0x1  }
0x81: {  	v3 =	vand.u32 $0x7, v3;
	v4 =	vand.u32 $0xFFFFFFF0, v38  }
0x82: {  	v3 =	vor.u32 v3, v4  }
0x83: {  	v4 =	vperm.xlane v3, v0;
	_ =	sdelay $0x1  }
0x84: {  	v3 =	vperm.xlane v3, v2;
	v4 =	vadd.s32 v1, v4;
	_ =	sdelay $0x1  }
0x85: {  	v3 =	vadd.s32 v1, v3;
	_ =	sdelay $0x2  }
0x86: {  	[tilespmem:s17], [sflag:$0x1] =	stream.indirect_vreg.gather [hbm4b:s3+s2], $0x80, v4, vm0, $0xb8;
	[tilespmem:$0x12180] =	vst v63  }
0x87: {  	_ = 	snop  }
0x88: {  	[tilespmem:s4], [sflag:$0x1] =	stream.indirect_vreg.gather [hbm4b:s3+s2], $0x80, v3, vm0, $0xb8;
	[tilespmem:$0x12180] =	vst v63  }
0x89: {  	v3 =	vld [tilespmem:$0xB0];
	_ =	sdelay $0x4  }
0x8a: {  	v39 =	vshll.u32 v3, $0x1  }
0x8b: {  	v3 =	vand.u32 $0x7, v3;
	v4 =	vand.u32 $0xFFFFFFF0, v39  }
0x8c: {  	v3 =	vor.u32 v3, v4  }
0x8d: {  	v4 =	vperm.xlane v3, v0;
	_ =	sdelay $0x1  }
0x8e: {  	v3 =	vperm.xlane v3, v2;
	v4 =	vadd.s32 v1, v4;
	_ =	sdelay $0x1  }
0x8f: {  	v3 =	vadd.s32 v1, v3;
	_ =	sdelay $0x2  }
0x90: {  	[tilespmem:s18], [sflag:$0x1] =	stream.indirect_vreg.gather [hbm4b:s3+s2], $0x80, v4, vm0, $0xb8;
	[tilespmem:$0x12180] =	vst v63  }
0x91: {  	_ = 	snop  }
0x92: {  	[tilespmem:s9], [sflag:$0x1] =	stream.indirect_vreg.gather [hbm4b:s3+s2], $0x80, v3, vm0, $0xb8;
	[tilespmem:$0x12180] =	vst v63  }
0x93: {  	v3 =	vld [tilespmem:$0xC0];
	_ =	sdelay $0x4  }
0x94: {  	v40 =	vshll.u32 v3, $0x1  }
0x95: {  	v3 =	vand.u32 $0x7, v3;
	v4 =	vand.u32 $0xFFFFFFF0, v40  }
0x96: {  	v3 =	vor.u32 v3, v4  }
0x97: {  	v4 =	vperm.xlane v3, v0;
	_ =	sdelay $0x1  }
0x98: {  	v3 =	vperm.xlane v3, v2;
	v4 =	vadd.s32 v1, v4;
	_ =	sdelay $0x1  }
0x99: {  	v3 =	vadd.s32 v1, v3;
	_ =	sdelay $0x1  }
0x9a: {  	s20 =	simm.s32 $0xC180  }
0x9b: {  	[tilespmem:s20], [sflag:$0x1] =	stream.indirect_vreg.gather [hbm4b:s3+s2], $0x80, v4, vm0, $0xb8;
	[tilespmem:$0x12180] =	vst v63  }
0x9c: {  	s20 =	simm.s32 $0xC980  }
0x9d: {  	[tilespmem:s20], [sflag:$0x1] =	stream.indirect_vreg.gather [hbm4b:s3+s2], $0x80, v3, vm0, $0xb8;
	[tilespmem:$0x12180] =	vst v63  }
0x9e: {  	v3 =	vld [tilespmem:$0xD0];
	_ =	sdelay $0x4  }
0x9f: {  	v41 =	vshll.u32 v3, $0x1  }
0xa0: {  	v3 =	vand.u32 $0x7, v3;
	v4 =	vand.u32 $0xFFFFFFF0, v41  }
0xa1: {  	v3 =	vor.u32 v3, v4  }
0xa2: {  	v4 =	vperm.xlane v3, v0;
	_ =	sdelay $0x1  }
0xa3: {  	v3 =	vperm.xlane v3, v2;
	v4 =	vadd.s32 v1, v4;
	_ =	sdelay $0x1  }
0xa4: {  	v3 =	vadd.s32 v1, v3;
	_ =	sdelay $0x1  }
0xa5: {  	s20 =	simm.s32 $0xD180  }
0xa6: {  	[tilespmem:s20], [sflag:$0x1] =	stream.indirect_vreg.gather [hbm4b:s3+s2], $0x80, v4, vm0, $0xb8;
	[tilespmem:$0x12180] =	vst v63  }
0xa7: {  	s20 =	simm.s32 $0xD980  }
0xa8: {  	[tilespmem:s20], [sflag:$0x1] =	stream.indirect_vreg.gather [hbm4b:s3+s2], $0x80, v3, vm0, $0xb8;
	[tilespmem:$0x12180] =	vst v63  }
0xa9: {  	v3 =	vld [tilespmem:$0xE0];
	_ =	sdelay $0x4  }
0xaa: {  	v42 =	vshll.u32 v3, $0x1  }
0xab: {  	v3 =	vand.u32 $0x7, v3;
	v4 =	vand.u32 $0xFFFFFFF0, v42  }
0xac: {  	v3 =	vor.u32 v3, v4  }
0xad: {  	v4 =	vperm.xlane v3, v0;
	_ =	sdelay $0x1  }
0xae: {  	v3 =	vperm.xlane v3, v2;
	v4 =	vadd.s32 v1, v4;
	_ =	sdelay $0x1  }
0xaf: {  	v3 =	vadd.s32 v1, v3;
	_ =	sdelay $0x1  }
0xb0: {  	s20 =	simm.s32 $0xE180  }
0xb1: {  	[tilespmem:s20], [sflag:$0x1] =	stream.indirect_vreg.gather [hbm4b:s3+s2], $0x80, v4, vm0, $0xb8;
	[tilespmem:$0x12180] =	vst v63  }
0xb2: {  	s20 =	simm.s32 $0xE980  }
0xb3: {  	[tilespmem:s20], [sflag:$0x1] =	stream.indirect_vreg.gather [hbm4b:s3+s2], $0x80, v3, vm0, $0xb8;
	[tilespmem:$0x12180] =	vst v63  }
0xb4: {  	v3 =	vld [tilespmem:$0xF0];
	_ =	sdelay $0x4  }
0xb5: {  	v43 =	vshll.u32 v3, $0x1  }
0xb6: {  	v3 =	vand.u32 $0x7, v3;
	v4 =	vand.u32 $0xFFFFFFF0, v43  }
0xb7: {  	v3 =	vor.u32 v3, v4  }
0xb8: {  	v4 =	vperm.xlane v3, v0;
	_ =	sdelay $0x1  }
0xb9: {  	v3 =	vperm.xlane v3, v2;
	v4 =	vadd.s32 v1, v4;
	_ =	sdelay $0x1  }
0xba: {  	v3 =	vadd.s32 v1, v3;
	_ =	sdelay $0x1  }
0xbb: {  	s20 =	simm.s32 $0xF180  }
0xbc: {  	[tilespmem:s20], [sflag:$0x1] =	stream.indirect_vreg.gather [hbm4b:s3+s2], $0x80, v4, vm0, $0xb8;
	[tilespmem:$0x12180] =	vst v63  }
0xbd: {  	s20 =	simm.s32 $0xF980  }
0xbe: {  	[tilespmem:s20], [sflag:$0x1] =	stream.indirect_vreg.gather [hbm4b:s3+s2], $0x80, v3, vm0, $0xb8;
	[tilespmem:$0x12180] =	vst v63  }
0xbf: {  	v3 =	vld [tilespmem:$0x100];
	_ =	sdelay $0x4  }
0xc0: {  	v44 =	vshll.u32 v3, $0x1  }
0xc1: {  	v3 =	vand.u32 $0x7, v3;
	v4 =	vand.u32 $0xFFFFFFF0, v44  }
0xc2: {  	v3 =	vor.u32 v3, v4  }
0xc3: {  	v4 =	vperm.xlane v3, v0;
	_ =	sdelay $0x1  }
0xc4: {  	v3 =	vperm.xlane v3, v2;
	v4 =	vadd.s32 v1, v4;
	_ =	sdelay $0x1  }
0xc5: {  	v3 =	vadd.s32 v1, v3;
	_ =	sdelay $0x1  }
0xc6: {  	s20 =	simm.s32 $0x10180  }
0xc7: {  	[tilespmem:s20], [sflag:$0x1] =	stream.indirect_vreg.gather [hbm4b:s3+s2], $0x80, v4, vm0, $0xb8;
	[tilespmem:$0x12180] =	vst v63  }
0xc8: {  	s20 =	simm.s32 $0x10980  }
0xc9: {  	[tilespmem:s20], [sflag:$0x1] =	stream.indirect_vreg.gather [hbm4b:s3+s2], $0x80, v3, vm0, $0xb8;
	[tilespmem:$0x12180] =	vst v63  }
0xca: {  	v3 =	vld [tilespmem:$0x110];
	_ =	sdelay $0x4  }
0xcb: {  	v45 =	vshll.u32 v3, $0x1  }
0xcc: {  	v3 =	vand.u32 $0x7, v3;
	v4 =	vand.u32 $0xFFFFFFF0, v45  }
0xcd: {  	v3 =	vor.u32 v3, v4  }
0xce: {  	v4 =	vperm.xlane v3, v0;
	_ =	sdelay $0x1  }
0xcf: {  	v3 =	vperm.xlane v3, v2;
	v4 =	vadd.s32 v1, v4;
	_ =	sdelay $0x1  }
0xd0: {  	v3 =	vadd.s32 v1, v3;
	_ =	sdelay $0x1  }
0xd1: {  	s20 =	simm.s32 $0x11180  }
0xd2: {  	[tilespmem:s20], [sflag:$0x1] =	stream.indirect_vreg.gather [hbm4b:s3+s2], $0x80, v4, vm0, $0xb8;
	[tilespmem:$0x12180] =	vst v63  }
0xd3: {  	s20 =	simm.s32 $0x11980  }
0xd4: {  	[tilespmem:s20], [sflag:$0x1] =	stream.indirect_vreg.gather [hbm4b:s3+s2], $0x80, v3, vm0, $0xb8;
	[tilespmem:$0x12180] =	vst v63  }
0xd5: {  	_ =	swait.ge [sflag:s19], $0x12000  }
0xd6: {  	[sflag:s19] =	ssyncset.done $0x0  }
0xd7: {  	s0 =	simm.s32 $0x180;
	s20 =	rddreg [dreg:$0x3];
	[sflag:s19] =	ssyncadd.s32 $0xFFFEE000  }
0xd8: {  	[hbm4b:s20+s2] =	stream.linear.scatter [tilespmem:s0], [sflag:$0x2], $0x12000, $0x38;
	[tilespmem:$0x12180] =	vst v63  }
0xd9: {  	_ =	swait.ge [sflag:s8], $0x12000  }
0xda: {  	[sflag:s8] =	ssyncset.done $0x0  }
0xdb: {  	s20 =	rddreg [dreg:$0x4];
	[sflag:s8] =	ssyncadd.s32 $0xFFFEE000  }
0xdc: {  	[tilespmem:s2], [sflag:$0x2] =	stream.strided.gather [hbm4b:s20+s21], $0x180, s22, s21, $0x38;
	[tilespmem:$0x12180] =	vst v63  }
0xdd: {  	_ =	swait.ge [sflag:s8], $0x180  }
0xde: {  	[sflag:s8] =	ssyncset.done $0x0  }
0xdf: {  	[sflag:s8] =	ssyncadd.s32 $0xFFFFFE80  }
0xe0: {  	v3 =	vld [tilespmem:$0x0];
	_ =	sdelay $0x4  }
0xe1: {  	v46 =	vshll.u32 v3, $0x1  }
0xe2: {  	v3 =	vand.u32 $0x7, v3;
	v4 =	vand.u32 $0xFFFFFFF0, v46  }
0xe3: {  	v3 =	vor.u32 v3, v4  }
0xe4: {  	v4 =	vperm.xlane v3, v0;
	_ =	sdelay $0x1  }
0xe5: {  	v3 =	vperm.xlane v3, v2;
	v4 =	vadd.s32 v1, v4;
	_ =	sdelay $0x1  }
0xe6: {  	v3 =	vadd.s32 v1, v3;
	_ =	sdelay $0x2  }
0xe7: {  	[tilespmem:s0], [sflag:$0x1] =	stream.indirect_vreg.gather [hbm4b:s3+s2], $0x80, v4, vm0, $0xb8;
	[tilespmem:$0x12180] =	vst v63  }
0xe8: {  	_ = 	snop  }
0xe9: {  	[tilespmem:s23], [sflag:$0x1] =	stream.indirect_vreg.gather [hbm4b:s3+s2], $0x80, v3, vm0, $0xb8;
	[tilespmem:$0x12180] =	vst v63  }
0xea: {  	v3 =	vld [tilespmem:$0x10];
	_ =	sdelay $0x4  }
0xeb: {  	v47 =	vshll.u32 v3, $0x1  }
0xec: {  	v3 =	vand.u32 $0x7, v3;
	v4 =	vand.u32 $0xFFFFFFF0, v47  }
0xed: {  	v3 =	vor.u32 v3, v4  }
0xee: {  	v4 =	vperm.xlane v3, v0;
	_ =	sdelay $0x1  }
0xef: {  	v3 =	vperm.xlane v3, v2;
	v4 =	vadd.s32 v1, v4;
	_ =	sdelay $0x1  }
0xf0: {  	v3 =	vadd.s32 v1, v3;
	_ =	sdelay $0x2  }
0xf1: {  	[tilespmem:s24], [sflag:$0x1] =	stream.indirect_vreg.gather [hbm4b:s3+s2], $0x80, v4, vm0, $0xb8;
	[tilespmem:$0x12180] =	vst v63  }
0xf2: {  	_ = 	snop  }
0xf3: {  	[tilespmem:s25], [sflag:$0x1] =	stream.indirect_vreg.gather [hbm4b:s3+s2], $0x80, v3, vm0, $0xb8;
	[tilespmem:$0x12180] =	vst v63  }
0xf4: {  	v3 =	vld [tilespmem:$0x20];
	_ =	sdelay $0x4  }
0xf5: {  	v48 =	vshll.u32 v3, $0x1  }
0xf6: {  	v3 =	vand.u32 $0x7, v3;
	v4 =	vand.u32 $0xFFFFFFF0, v48  }
0xf7: {  	v3 =	vor.u32 v3, v4  }
0xf8: {  	v4 =	vperm.xlane v3, v0;
	_ =	sdelay $0x1  }
0xf9: {  	v3 =	vperm.xlane v3, v2;
	v4 =	vadd.s32 v1, v4;
	_ =	sdelay $0x1  }
0xfa: {  	v3 =	vadd.s32 v1, v3;
	_ =	sdelay $0x2  }
0xfb: {  	[tilespmem:s26], [sflag:$0x1] =	stream.indirect_vreg.gather [hbm4b:s3+s2], $0x80, v4, vm0, $0xb8;
	[tilespmem:$0x12180] =	vst v63  }
0xfc: {  	_ = 	snop  }
0xfd: {  	[tilespmem:s28], [sflag:$0x1] =	stream.indirect_vreg.gather [hbm4b:s3+s2], $0x80, v3, vm0, $0xb8;
	[tilespmem:$0x12180] =	vst v63  }
0xfe: {  	v3 =	vld [tilespmem:$0x30];
	_ =	sdelay $0x4  }
0xff: {  	v49 =	vshll.u32 v3, $0x1  }
0x100: {  	v3 =	vand.u32 $0x7, v3;
	v4 =	vand.u32 $0xFFFFFFF0, v49  }
0x101: {  	v3 =	vor.u32 v3, v4  }
0x102: {  	v4 =	vperm.xlane v3, v0;
	_ =	sdelay $0x1  }
0x103: {  	v3 =	vperm.xlane v3, v2;
	v4 =	vadd.s32 v1, v4;
	_ =	sdelay $0x1  }
0x104: {  	v3 =	vadd.s32 v1, v3;
	_ =	sdelay $0x2  }
0x105: {  	[tilespmem:s29], [sflag:$0x1] =	stream.indirect_vreg.gather [hbm4b:s3+s2], $0x80, v4, vm0, $0xb8;
	[tilespmem:$0x12180] =	vst v63  }
0x106: {  	_ = 	snop  }
0x107: {  	[tilespmem:s30], [sflag:$0x1] =	stream.indirect_vreg.gather [hbm4b:s3+s2], $0x80, v3, vm0, $0xb8;
	[tilespmem:$0x12180] =	vst v63  }
0x108: {  	v3 =	vld [tilespmem:$0x40];
	_ =	sdelay $0x4  }
0x109: {  	v50 =	vshll.u32 v3, $0x1  }
0x10a: {  	v3 =	vand.u32 $0x7, v3;
	v4 =	vand.u32 $0xFFFFFFF0, v50  }
0x10b: {  	v3 =	vor.u32 v3, v4  }
0x10c: {  	v4 =	vperm.xlane v3, v0;
	_ =	sdelay $0x1  }
0x10d: {  	v3 =	vperm.xlane v3, v2;
	v4 =	vadd.s32 v1, v4;
	_ =	sdelay $0x1  }
0x10e: {  	v3 =	vadd.s32 v1, v3;
	_ =	sdelay $0x2  }
0x10f: {  	[tilespmem:s31], [sflag:$0x1] =	stream.indirect_vreg.gather [hbm4b:s3+s2], $0x80, v4, vm0, $0xb8;
	[tilespmem:$0x12180] =	vst v63  }
0x110: {  	_ = 	snop  }
0x111: {  	[tilespmem:s1], [sflag:$0x1] =	stream.indirect_vreg.gather [hbm4b:s3+s2], $0x80, v3, vm0, $0xb8;
	[tilespmem:$0x12180] =	vst v63  }
0x112: {  	v3 =	vld [tilespmem:$0x50];
	_ =	sdelay $0x4  }
0x113: {  	v51 =	vshll.u32 v3, $0x1  }
0x114: {  	v3 =	vand.u32 $0x7, v3;
	v4 =	vand.u32 $0xFFFFFFF0, v51  }
0x115: {  	v3 =	vor.u32 v3, v4  }
0x116: {  	v4 =	vperm.xlane v3, v0;
	_ =	sdelay $0x1  }
0x117: {  	v3 =	vperm.xlane v3, v2;
	v4 =	vadd.s32 v1, v4;
	_ =	sdelay $0x1  }
0x118: {  	v3 =	vadd.s32 v1, v3;
	_ =	sdelay $0x1  }
0x119: {  	s20 =	simm.s32 $0x5180  }
0x11a: {  	[tilespmem:s20], [sflag:$0x1] =	stream.indirect_vreg.gather [hbm4b:s3+s2], $0x80, v4, vm0, $0xb8;
	[tilespmem:$0x12180] =	vst v63  }
0x11b: {  	_ = 	snop  }
0x11c: {  	[tilespmem:s6], [sflag:$0x1] =	stream.indirect_vreg.gather [hbm4b:s3+s2], $0x80, v3, vm0, $0xb8;
	[tilespmem:$0x12180] =	vst v63  }
0x11d: {  	v3 =	vld [tilespmem:$0x60];
	_ =	sdelay $0x4  }
0x11e: {  	v52 =	vshll.u32 v3, $0x1  }
0x11f: {  	v3 =	vand.u32 $0x7, v3;
	v4 =	vand.u32 $0xFFFFFFF0, v52  }
0x120: {  	v3 =	vor.u32 v3, v4  }
0x121: {  	v4 =	vperm.xlane v3, v0;
	_ =	sdelay $0x1  }
0x122: {  	v3 =	vperm.xlane v3, v2;
	v4 =	vadd.s32 v1, v4;
	_ =	sdelay $0x1  }
0x123: {  	v3 =	vadd.s32 v1, v3;
	_ =	sdelay $0x2  }
0x124: {  	[tilespmem:s7], [sflag:$0x1] =	stream.indirect_vreg.gather [hbm4b:s3+s2], $0x80, v4, vm0, $0xb8;
	[tilespmem:$0x12180] =	vst v63  }
0x125: {  	_ = 	snop  }
0x126: {  	[tilespmem:s10], [sflag:$0x1] =	stream.indirect_vreg.gather [hbm4b:s3+s2], $0x80, v3, vm0, $0xb8;
	[tilespmem:$0x12180] =	vst v63  }
0x127: {  	v3 =	vld [tilespmem:$0x70];
	_ =	sdelay $0x4  }
0x128: {  	v53 =	vshll.u32 v3, $0x1  }
0x129: {  	v3 =	vand.u32 $0x7, v3;
	v4 =	vand.u32 $0xFFFFFFF0, v53  }
0x12a: {  	v3 =	vor.u32 v3, v4  }
0x12b: {  	v4 =	vperm.xlane v3, v0;
	_ =	sdelay $0x1  }
0x12c: {  	v3 =	vperm.xlane v3, v2;
	v4 =	vadd.s32 v1, v4;
	_ =	sdelay $0x1  }
0x12d: {  	v3 =	vadd.s32 v1, v3;
	_ =	sdelay $0x2  }
0x12e: {  	[tilespmem:s11], [sflag:$0x1] =	stream.indirect_vreg.gather [hbm4b:s3+s2], $0x80, v4, vm0, $0xb8;
	[tilespmem:$0x12180] =	vst v63  }
0x12f: {  	_ = 	snop  }
0x130: {  	[tilespmem:s12], [sflag:$0x1] =	stream.indirect_vreg.gather [hbm4b:s3+s2], $0x80, v3, vm0, $0xb8;
	[tilespmem:$0x12180] =	vst v63  }
0x131: {  	v3 =	vld [tilespmem:$0x80];
	_ =	sdelay $0x4  }
0x132: {  	v54 =	vshll.u32 v3, $0x1  }
0x133: {  	v3 =	vand.u32 $0x7, v3;
	v4 =	vand.u32 $0xFFFFFFF0, v54  }
0x134: {  	v3 =	vor.u32 v3, v4  }
0x135: {  	v4 =	vperm.xlane v3, v0;
	_ =	sdelay $0x1  }
0x136: {  	v3 =	vperm.xlane v3, v2;
	v4 =	vadd.s32 v1, v4;
	_ =	sdelay $0x1  }
0x137: {  	v3 =	vadd.s32 v1, v3;
	_ =	sdelay $0x2  }
0x138: {  	[tilespmem:s13], [sflag:$0x1] =	stream.indirect_vreg.gather [hbm4b:s3+s2], $0x80, v4, vm0, $0xb8;
	[tilespmem:$0x12180] =	vst v63  }
0x139: {  	_ = 	snop  }
0x13a: {  	[tilespmem:s14], [sflag:$0x1] =	stream.indirect_vreg.gather [hbm4b:s3+s2], $0x80, v3, vm0, $0xb8;
	[tilespmem:$0x12180] =	vst v63  }
0x13b: {  	v3 =	vld [tilespmem:$0x90];
	_ =	sdelay $0x4  }
0x13c: {  	v55 =	vshll.u32 v3, $0x1  }
0x13d: {  	v3 =	vand.u32 $0x7, v3;
	v4 =	vand.u32 $0xFFFFFFF0, v55  }
0x13e: {  	v3 =	vor.u32 v3, v4  }
0x13f: {  	v4 =	vperm.xlane v3, v0;
	_ =	sdelay $0x1  }
0x140: {  	v3 =	vperm.xlane v3, v2;
	v4 =	vadd.s32 v1, v4;
	_ =	sdelay $0x1  }
0x141: {  	v3 =	vadd.s32 v1, v3;
	_ =	sdelay $0x2  }
0x142: {  	[tilespmem:s15], [sflag:$0x1] =	stream.indirect_vreg.gather [hbm4b:s3+s2], $0x80, v4, vm0, $0xb8;
	[tilespmem:$0x12180] =	vst v63  }
0x143: {  	_ = 	snop  }
0x144: {  	[tilespmem:s16], [sflag:$0x1] =	stream.indirect_vreg.gather [hbm4b:s3+s2], $0x80, v3, vm0, $0xb8;
	[tilespmem:$0x12180] =	vst v63  }
0x145: {  	v3 =	vld [tilespmem:$0xA0];
	_ =	sdelay $0x4  }
0x146: {  	v56 =	vshll.u32 v3, $0x1  }
0x147: {  	v3 =	vand.u32 $0x7, v3;
	v4 =	vand.u32 $0xFFFFFFF0, v56  }
0x148: {  	v3 =	vor.u32 v3, v4  }
0x149: {  	v4 =	vperm.xlane v3, v0;
	_ =	sdelay $0x1  }
0x14a: {  	v3 =	vperm.xlane v3, v2;
	v4 =	vadd.s32 v1, v4;
	_ =	sdelay $0x1  }
0x14b: {  	v3 =	vadd.s32 v1, v3;
	_ =	sdelay $0x2  }
0x14c: {  	[tilespmem:s17], [sflag:$0x1] =	stream.indirect_vreg.gather [hbm4b:s3+s2], $0x80, v4, vm0, $0xb8;
	[tilespmem:$0x12180] =	vst v63  }
0x14d: {  	_ = 	snop  }
0x14e: {  	[tilespmem:s4], [sflag:$0x1] =	stream.indirect_vreg.gather [hbm4b:s3+s2], $0x80, v3, vm0, $0xb8;
	[tilespmem:$0x12180] =	vst v63  }
0x14f: {  	v3 =	vld [tilespmem:$0xB0];
	_ =	sdelay $0x4  }
0x150: {  	v57 =	vshll.u32 v3, $0x1  }
0x151: {  	v3 =	vand.u32 $0x7, v3;
	v4 =	vand.u32 $0xFFFFFFF0, v57  }
0x152: {  	v3 =	vor.u32 v3, v4  }
0x153: {  	v4 =	vperm.xlane v3, v0;
	_ =	sdelay $0x1  }
0x154: {  	v3 =	vperm.xlane v3, v2;
	v4 =	vadd.s32 v1, v4;
	_ =	sdelay $0x1  }
0x155: {  	v3 =	vadd.s32 v1, v3;
	_ =	sdelay $0x2  }
0x156: {  	[tilespmem:s18], [sflag:$0x1] =	stream.indirect_vreg.gather [hbm4b:s3+s2], $0x80, v4, vm0, $0xb8;
	[tilespmem:$0x12180] =	vst v63  }
0x157: {  	_ = 	snop  }
0x158: {  	[tilespmem:s9], [sflag:$0x1] =	stream.indirect_vreg.gather [hbm4b:s3+s2], $0x80, v3, vm0, $0xb8;
	[tilespmem:$0x12180] =	vst v63  }
0x159: {  	v3 =	vld [tilespmem:$0xC0];
	_ =	sdelay $0x4  }
0x15a: {  	v58 =	vshll.u32 v3, $0x1  }
0x15b: {  	v3 =	vand.u32 $0x7, v3;
	v4 =	vand.u32 $0xFFFFFFF0, v58  }
0x15c: {  	v3 =	vor.u32 v3, v4  }
0x15d: {  	v4 =	vperm.xlane v3, v0;
	_ =	sdelay $0x1  }
0x15e: {  	v3 =	vperm.xlane v3, v2;
	v4 =	vadd.s32 v1, v4;
	_ =	sdelay $0x1  }
0x15f: {  	v3 =	vadd.s32 v1, v3;
	_ =	sdelay $0x1  }
0x160: {  	s20 =	simm.s32 $0xC180  }
0x161: {  	[tilespmem:s20], [sflag:$0x1] =	stream.indirect_vreg.gather [hbm4b:s3+s2], $0x80, v4, vm0, $0xb8;
	[tilespmem:$0x12180] =	vst v63  }
0x162: {  	s20 =	simm.s32 $0xC980  }
0x163: {  	[tilespmem:s20], [sflag:$0x1] =	stream.indirect_vreg.gather [hbm4b:s3+s2], $0x80, v3, vm0, $0xb8;
	[tilespmem:$0x12180] =	vst v63  }
0x164: {  	v3 =	vld [tilespmem:$0xD0];
	_ =	sdelay $0x4  }
0x165: {  	v59 =	vshll.u32 v3, $0x1  }
0x166: {  	v3 =	vand.u32 $0x7, v3;
	v4 =	vand.u32 $0xFFFFFFF0, v59  }
0x167: {  	v3 =	vor.u32 v3, v4  }
0x168: {  	v4 =	vperm.xlane v3, v0;
	_ =	sdelay $0x1  }
0x169: {  	v3 =	vperm.xlane v3, v2;
	v4 =	vadd.s32 v1, v4;
	_ =	sdelay $0x1  }
0x16a: {  	v3 =	vadd.s32 v1, v3;
	_ =	sdelay $0x1  }
0x16b: {  	s20 =	simm.s32 $0xD180  }
0x16c: {  	[tilespmem:s20], [sflag:$0x1] =	stream.indirect_vreg.gather [hbm4b:s3+s2], $0x80, v4, vm0, $0xb8;
	[tilespmem:$0x12180] =	vst v63  }
0x16d: {  	s20 =	simm.s32 $0xD980  }
0x16e: {  	[tilespmem:s20], [sflag:$0x1] =	stream.indirect_vreg.gather [hbm4b:s3+s2], $0x80, v3, vm0, $0xb8;
	[tilespmem:$0x12180] =	vst v63  }
0x16f: {  	v3 =	vld [tilespmem:$0xE0];
	_ =	sdelay $0x4  }
0x170: {  	v60 =	vshll.u32 v3, $0x1  }
0x171: {  	v3 =	vand.u32 $0x7, v3;
	v4 =	vand.u32 $0xFFFFFFF0, v60  }
0x172: {  	v3 =	vor.u32 v3, v4  }
0x173: {  	v4 =	vperm.xlane v3, v0;
	_ =	sdelay $0x1  }
0x174: {  	v3 =	vperm.xlane v3, v2;
	v4 =	vadd.s32 v1, v4;
	_ =	sdelay $0x1  }
0x175: {  	v3 =	vadd.s32 v1, v3;
	_ =	sdelay $0x1  }
0x176: {  	s20 =	simm.s32 $0xE180  }
0x177: {  	[tilespmem:s20], [sflag:$0x1] =	stream.indirect_vreg.gather [hbm4b:s3+s2], $0x80, v4, vm0, $0xb8;
	[tilespmem:$0x12180] =	vst v63  }
0x178: {  	s20 =	simm.s32 $0xE980  }
0x179: {  	[tilespmem:s20], [sflag:$0x1] =	stream.indirect_vreg.gather [hbm4b:s3+s2], $0x80, v3, vm0, $0xb8;
	[tilespmem:$0x12180] =	vst v63  }
0x17a: {  	v3 =	vld [tilespmem:$0xF0];
	_ =	sdelay $0x4  }
0x17b: {  	v61 =	vshll.u32 v3, $0x1  }
0x17c: {  	v3 =	vand.u32 $0x7, v3;
	v4 =	vand.u32 $0xFFFFFFF0, v61  }
0x17d: {  	v3 =	vor.u32 v3, v4  }
0x17e: {  	v4 =	vperm.xlane v3, v0;
	_ =	sdelay $0x1  }
0x17f: {  	v3 =	vperm.xlane v3, v2;
	v4 =	vadd.s32 v1, v4;
	_ =	sdelay $0x1  }
0x180: {  	v3 =	vadd.s32 v1, v3;
	_ =	sdelay $0x1  }
0x181: {  	s20 =	simm.s32 $0xF180  }
0x182: {  	[tilespmem:s20], [sflag:$0x1] =	stream.indirect_vreg.gather [hbm4b:s3+s2], $0x80, v4, vm0, $0xb8;
	[tilespmem:$0x12180] =	vst v63  }
0x183: {  	s20 =	simm.s32 $0xF980  }
0x184: {  	[tilespmem:s20], [sflag:$0x1] =	stream.indirect_vreg.gather [hbm4b:s3+s2], $0x80, v3, vm0, $0xb8;
	[tilespmem:$0x12180] =	vst v63  }
0x185: {  	v3 =	vld [tilespmem:$0x100];
	_ =	sdelay $0x4  }
0x186: {  	v62 =	vshll.u32 v3, $0x1  }
0x187: {  	v3 =	vand.u32 $0x7, v3;
	v4 =	vand.u32 $0xFFFFFFF0, v62  }
0x188: {  	v3 =	vor.u32 v3, v4  }
0x189: {  	v4 =	vperm.xlane v3, v0;
	_ =	sdelay $0x1  }
0x18a: {  	v3 =	vperm.xlane v3, v2;
	v4 =	vadd.s32 v1, v4;
	_ =	sdelay $0x1  }
0x18b: {  	v3 =	vadd.s32 v1, v3;
	_ =	sdelay $0x1  }
0x18c: {  	s20 =	simm.s32 $0x10180  }
0x18d: {  	[tilespmem:s20], [sflag:$0x1] =	stream.indirect_vreg.gather [hbm4b:s3+s2], $0x80, v4, vm0, $0xb8;
	[tilespmem:$0x12180] =	vst v63  }
0x18e: {  	s20 =	simm.s32 $0x10980  }
0x18f: {  	[tilespmem:s20], [sflag:$0x1] =	stream.indirect_vreg.gather [hbm4b:s3+s2], $0x80, v3, vm0, $0xb8;
	[tilespmem:$0x12180] =	vst v63  }
0x190: {  	v3 =	vld [tilespmem:$0x110];
	_ =	sdelay $0x4  }
0x191: {  	v63 =	vshll.u32 v3, $0x1  }
0x192: {  	v3 =	vand.u32 $0x7, v3;
	v4 =	vand.u32 $0xFFFFFFF0, v63  }
0x193: {  	v3 =	vor.u32 v3, v4  }
0x194: {  	v4 =	vperm.xlane v3, v0;
	_ =	sdelay $0x1  }
0x195: {  	v3 =	vperm.xlane v3, v2;
	v4 =	vadd.s32 v1, v4;
	_ =	sdelay $0x1  }
0x196: {  	v3 =	vadd.s32 v1, v3;
	_ =	sdelay $0x1  }
0x197: {  	s20 =	simm.s32 $0x11180  }
0x198: {  	[tilespmem:s20], [sflag:$0x1] =	stream.indirect_vreg.gather [hbm4b:s3+s2], $0x80, v4, vm0, $0xb8;
	[tilespmem:$0x12180] =	vst v63  }
0x199: {  	s20 =	simm.s32 $0x11980  }
0x19a: {  	[tilespmem:s20], [sflag:$0x1] =	stream.indirect_vreg.gather [hbm4b:s3+s2], $0x80, v3, vm0, $0xb8;
	[tilespmem:$0x12180] =	vst v63  }
0x19b: {  	_ =	swait.ge [sflag:s19], $0x12000  }
0x19c: {  	p0 =	sne.s32 s5, $0x1;
	s21 =	simm.s32 $0x180;
	[sflag:s19] =	ssyncset.done $0x0  }
.Ltmp0:
0x19d: {  	s0 =	rddreg [dreg:$0x5];
	[sflag:s19] =	ssyncadd.s32 $0xFFFEE000;
	(pc) =	sbr.rel @p0 .LBB2_1-.Ltmp0, $4  }
0x19e: {  	[hbm4b:s0+s2] =	stream.linear.scatter [tilespmem:s21], [sflag:$0x2], $0x12000, $0x38;
	[tilespmem:$0x12180] =	vst v63  }
0x19f: {  	_ =	swait.ge [sflag:s8], $0x12000  }
0x1a0: {  	[sflag:s8] =	ssyncset.done $0x0  }
0x1a1: {  	s5 =	sadd.s32 $0xFFFFFFFF, s5;
	[sflag:s8] =	ssyncadd.s32 $0xFFFEE000  }
0x1a2: {  	_ =	sfence.sel $0x180000  }
0x1a3: {  	[bflag:$0x0] =	sbarrier.arrive $0xFFFF  }
0x1a4: {  	_ =	strace $0x90000047  }
0x1a5: {  	s0 =	stileid.u32;
	[bflag:$0x2] =	sbarrier.arrive $0xFFFF  }
0x1a6: {  	p0 =	sne.s32 s0, $0x0;
	s0 =	rddreg [dreg:$0x2]  }
0x1a7: {  	s0 =	sadd.s32 @!p0 $0x100000, s0  }
0x1a8: {  	[sflag:s0] =	ssyncadd.tile.s32 @!p0 $0x1;
	_ =	shalt  }
.Lfunc_end2:
_tile_overlayer_lowered:
.L_overlay_start_2:
0x1a9: {  	(tag) =	ssettag $0x2  }
0x1aa: {  	s0 =	rddreg [dreg:$0x0];
	s2 =	stileid.u32  }
0x1ab: {  	s1 =	rddreg [dreg:$0x1];
	p0 =	sne.s32 s2, $0x0  }
0x1ac: {  	s3 =	rddreg [dreg:$0x2];
	[bflag:$0x3] =	sbarrier.arrive $0xFFFF;
	s2 =	simm.s32 @!p0 $0x1C02  }
0x1ad: {  	[timem:s3], [sflag:s2] =	dma.local @!p0 [hbm:s0], s1  }
0x1ae: {  	s0 =	simm.s32 @!p0 $0x2  }
0x1af: {  	_ =	swait.ge @!p0 [sflag:s0], s1  }
0x1b0: {  	s1 =	ssub.s32 @!p0 $0x0, s1;
	[sflag:s0] =	ssyncset.done @!p0 $0x0  }
0x1b1: {  	[sflag:s0] =	ssyncadd.s32 @!p0 s1  }
0x1b2: {  	[bflag:$0x3] =	sbarrier.arrive $0xFFFF  }
0x1b3: {  	_ =	shalt  }

// kernel: kernel.14.cloned.1.call-start
scs
__scs_entry_jumppad:
0x0: {  	(pc) =	sbr.rel $0x88, $3  }
0x1: {  	(tag) =	ssettag $0x0;
	lr =	simm.s32 $0x1  }
0x2: {  	[smem:$0x3F9F] =	sst lr;
	_ =	strace $0xD0000000  }
0x3: {  	_ = 	snop  }
0x4: {  	_ = 	snop  }
0x5: {  	_ = 	snop  }
0x6: {  	_ = 	snop  }
0x7: {  	_ = 	snop  }
__scs_overlays_trampoline_lowered:
0x8: {  	[smem:$0x3FAE] =	sst s0  }
0x9: {  	[smem:$0x3FAF] =	sst s1  }
0xa: {  	[smem:$0x3FB0] =	sst s2  }
0xb: {  	[smem:$0x3FB1] =	sst s3  }
0xc: {  	[smem:$0x3FB2] =	sst s4  }
0xd: {  	[smem:$0x3FB3] =	sst s5  }
0xe: {  	[smem:$0x3FB4] =	sst s6  }
0xf: {  	[smem:$0x3FB5] =	sst s7  }
0x10: {  	[smem:$0x3FB6] =	sst s8  }
0x11: {  	[smem:$0x3FB7] =	sst s9;
	s0 =	simm.s32 @!p0 $0x0  }
0x12: {  	s1 =	sld [smem:$0x3F9D];
	s0 =	simm.s32 @p0 $0x1  }
0x13: {  	[smem:$0x3FB8] =	sst s0;
	s0 =	simm.s32 @!p1 $0x0  }
0x14: {  	s2 =	sld [smem:$0x3F9C];
	s0 =	simm.s32 @p1 $0x1  }
0x15: {  	[smem:$0x3FB9] =	sst s0;
	s0 =	simm.s32 @!p2 $0x0  }
0x16: {  	s3 =	sld [smem:$0x3FDB];
	s0 =	simm.s32 @p2 $0x1  }
0x17: {  	s4 =	simm.s32 $0x1BF5;
	[smem:$0x3FBB] =	sst s0  }
0x18: {  	s0 =	sld [smem:$0x3F9E];
	_ =	swait.ge [sflag:s4], $0x0  }
0x19: {  	s7 =	sld [smem:$0x3F9F]  }
0x1a: {  	s8 =	sadd.s32 $0xFFFFE003, lr  }
0x1b: {  	s9 =	sadd.s32 $0xFFFFFEF7, lr;
	s5 =	simm.s32 $0xFFFFFFFF;
	p2 =	slt.u32 s8, $0xFFFFF086  }
0x1c: {  	p1 =	slt.u32 s9, $0xF7A;
	s5 =	simm.s32 @!p2 $0x0  }
0x1d: {  	s5 =	simm.s32 @p1 $0x1;
	p0 =	seq.s32 s7, s2  }
0x1e: {  	s7 =	smul.u32 @!p0 $0xF7A, s2;
	p2 =	seq.s32 @!p0 s5, $0x0  }
0x1f: {  	s9 =	smul.u32 $0xF7A, s1;
	s8 =	simm.s32 @!p0 $0x1BF5;
	p2 =	por !p2, p0  }
0x20: {  	[sflag:s8] =	ssyncset.s32 @!p0 $0xFFFFF086;
	s6 =	sadd.s32 @!p0 s3, s7;
	s7 =	simm.s32 @!p0 $0x108  }
0x21: {  	s3 =	sadd.s32 s3, s9;
	s6 =	sadd.s32 @!p0 $0x88, s6;
	s7 =	simm.s32 @p2 $0x1082  }
0x22: {  	[simem:s7], [sflag:s8] =	dma.local @!p0 [hbm:s6], $0xF7A  }
0x23: {  	s9 =	sor.u32 $0xD0000000, s2;
	s6 =	simm.s32 $0x108;
	_ =	swait.ge @!p0 [sflag:s8], $0x0  }
0x24: {  	s3 =	sadd.s32 $0x88, s3;
	s6 =	simm.s32 @!p1 $0x1082;
	[sflag:s4] =	ssyncset.s32 $0xFFFFF086  }
0x25: {  	[simem:s6], [sflag:s4] =	dma.local [hbm:s3], $0xF7A  }
0x26: {  	[smem:$0x3F9F] =	sst s1;
	(tag) =	ssettag s2;
	_ =	strace s9  }
0x27: {  	s1 =	sld [smem:$0x3FAF]  }
0x28: {  	s2 =	sld [smem:$0x3FB0]  }
0x29: {  	s4 =	sld [smem:$0x3FB2]  }
0x2a: {  	p0 =	seq.s32 s5, $0x0;
	s5 =	sld [smem:$0x3FB3]  }
0x2b: {  	s6 =	sld [smem:$0x3FB4]  }
0x2c: {  	s7 =	sld [smem:$0x3FB5]  }
0x2d: {  	s3 =	simm.s32 $0x108;
	s8 =	sld [smem:$0x3FB6]  }
0x2e: {  	s3 =	simm.s32 @!p0 $0x1082;
	s9 =	sld [smem:$0x3FB7]  }
0x2f: {  	lr =	sadd.s32 s0, s3;
	s0 =	sld [smem:$0x3FAE]  }
0x30: {  	s3 =	sld [smem:$0x3FB1]  }
0x31: {  	[smem:$0x3FBA] =	sst s10  }
0x32: {  	s10 =	sld [smem:$0x3FB8];
	_ =	sdelay $0x3  }
0x33: {  	p0 =	seq.s32 s10, $0x1;
	s10 =	sld [smem:$0x3FBA];
	_ =	sdelay $0x3  }
0x34: {  	[smem:$0x3FBA] =	sst s10  }
0x35: {  	s10 =	sld [smem:$0x3FB9];
	_ =	sdelay $0x3  }
0x36: {  	p1 =	seq.s32 s10, $0x1;
	s10 =	sld [smem:$0x3FBA];
	_ =	sdelay $0x3  }
0x37: {  	[smem:$0x3FBA] =	sst s10  }
0x38: {  	s10 =	sld [smem:$0x3FBB]  }
0x39: {  	_ = 	snop;
	(pc) =	sbr.ind lr, $3  }
0x3a: {  	_ = 	snop  }
0x3b: {  	_ = 	snop  }
0x3c: {  	p2 =	seq.s32 s10, $0x1;
	s10 =	sld [smem:$0x3FBA]  }
0x3d: {  	_ =	shalt  }
0x3e: {  	_ =	shalt  }
0x3f: {  	_ =	shalt  }
0x40: {  	_ =	shalt  }
0x41: {  	_ =	shalt  }
0x42: {  	_ =	shalt  }
0x43: {  	_ =	shalt  }
0x44: {  	_ =	shalt  }
0x45: {  	_ =	shalt  }
0x46: {  	_ =	shalt  }
0x47: {  	_ =	shalt  }
0x48: {  	_ =	shalt  }
0x49: {  	_ =	shalt  }
0x4a: {  	_ =	shalt  }
0x4b: {  	_ =	shalt  }
0x4c: {  	_ =	shalt  }
0x4d: {  	_ =	shalt  }
0x4e: {  	_ =	shalt  }
0x4f: {  	_ =	shalt  }
0x50: {  	_ =	shalt  }
0x51: {  	_ =	shalt  }
0x52: {  	_ =	shalt  }
0x53: {  	_ =	shalt  }
0x54: {  	_ =	shalt  }
0x55: {  	_ =	shalt  }
0x56: {  	_ =	shalt  }
0x57: {  	_ =	shalt  }
0x58: {  	_ =	shalt  }
0x59: {  	_ =	shalt  }
0x5a: {  	_ =	shalt  }
0x5b: {  	_ =	shalt  }
0x5c: {  	_ =	shalt  }
0x5d: {  	_ =	shalt  }
0x5e: {  	_ =	shalt  }
0x5f: {  	_ =	shalt  }
0x60: {  	_ =	shalt  }
0x61: {  	_ =	shalt  }
0x62: {  	_ =	shalt  }
0x63: {  	_ =	shalt  }
0x64: {  	_ =	shalt  }
0x65: {  	_ =	shalt  }
0x66: {  	_ =	shalt  }
0x67: {  	_ =	shalt  }
0x68: {  	_ =	shalt  }
0x69: {  	_ =	shalt  }
0x6a: {  	_ =	shalt  }
0x6b: {  	_ =	shalt  }
0x6c: {  	_ =	shalt  }
0x6d: {  	_ =	shalt  }
0x6e: {  	_ =	shalt  }
0x6f: {  	_ =	shalt  }
0x70: {  	_ =	shalt  }
0x71: {  	_ =	shalt  }
0x72: {  	_ =	shalt  }
0x73: {  	_ =	shalt  }
0x74: {  	_ =	shalt  }
0x75: {  	_ =	shalt  }
0x76: {  	_ =	shalt  }
0x77: {  	_ =	shalt  }
0x78: {  	_ =	shalt  }
0x79: {  	_ =	shalt  }
0x7a: {  	_ =	shalt  }
0x7b: {  	_ =	shalt  }
0x7c: {  	_ =	shalt  }
0x7d: {  	_ =	shalt  }
0x7e: {  	_ =	shalt  }
0x7f: {  	_ =	shalt  }
0x80: {  	_ =	shalt  }
0x81: {  	_ =	shalt  }
0x82: {  	_ =	shalt  }
0x83: {  	_ =	shalt  }
0x84: {  	_ =	shalt  }
0x85: {  	_ =	shalt  }
0x86: {  	_ =	shalt  }
0x87: {  	_ =	shalt  }
.Lfunc_end0:
.L_simem_size_0:
called_computation.1_lowered:
.L_overlay_start_0:
0x88: {  	s2 =	sld [smem:$0x3FD9]  }
0x89: {  	s3 =	sld [smem:$0x3FFE];
	_ =	sdelay $0x1  }
0x8a: {  	s1 =	srdreg.scid  }
0x8b: {  	s0 =	sand.u32 $0x1, s1  }
0x8c: {  	s14 =	sshll.u32 s0, $0xA;
	s2 =	sadd.s32 s3, s2  }
0x8d: {  	s2 =	sadd.s32 s2, s14  }
0x8e: {  	[smem:$0x3FC6] =	sst s2  }
0x8f: {  	_ = 	snop  }
0x90: {  	s2 =	sld [smem:$0x3FD0];
	_ =	sdelay $0x2  }
0x91: {  	s15 =	simm.s32 $0xA;
	s4 =	simm.s32 $0x10  }
0x92: {  	[smem:s4], [sflag:s15] =	dma.local [hbm:s2], $0x1  }
0x93: {  	_ =	swait.eq [sflag:s15], $0x1  }
0x94: {  	[sflag:s15] =	ssyncset.done $0x0  }
0x95: {  	[sflag:s15] =	ssyncadd.s32 $0xFFFFFFFF  }
0x96: {  	s16 =	sld [smem:$0x12];
	(tm) =	ssettm $0x1  }
0x97: {  	s17 =	sld [smem:$0x3FFB];
	_ =	sdelay $0x3  }
0x98: {  	_ =	strace s17  }
0x99: {  	s3 =	sld [smem:$0x3FFC];
	_ =	sdelay $0x3  }
0x9a: {  	_ =	strace s3  }
0x9b: {  	s3 =	sld [smem:$0x3FFD];
	_ =	sdelay $0x3  }
0x9c: {  	_ =	strace s3  }
0x9d: {  	_ =	strace $0x8FFFFFFF  }
0x9e: {  	s18 =	sld [smem:$0x3FDB];
	_ =	sdelay $0x1  }
0x9f: {  	s19 =	simm.s32 $_scs_section_size  }
0xa0: {  	s5 =	simm.s32 $_size__tile_overlayer_lowered;
	s6 =	simm.s32 $_tile_overlayer_lowered  }
0xa1: {  	s22 =	simm.s32 $0x1BFF;
	s21 =	sshll.u32 s6, $0x1;
	s3 =	sadd.s32 s19, s18  }
0xa2: {  	s7 =	simm.s32 $0x0;
	s20 =	sshll.u32 s5, $0x1;
	s5 =	sadd.s32 s21, s3  }
0xa3: {  	[timem:s7], [sflag:s22] =	dma.local [hbm:s5], s20  }
0xa4: {  	_ =	swait.ge [sflag:s22], s20  }
0xa5: {  	s4 =	ssub.s32 $0x0, s20;
	[sflag:s22] =	ssyncset.done $0x0  }
0xa6: {  	[sflag:s22] =	ssyncadd.s32 s4;
	_ =	sdelay $0x1  }
0xa7: {  	s23 =	simm.s32 $0x1B8B  }
0xa8: {  	_ =	swait.ge [sflag:s23], $0x1  }
0xa9: {  	[sflag:s23] =	ssyncset.done $0x0  }
0xaa: {  	s25 =	simm.s32 $0x1B8E;
	s24 =	sld [smem:$0x3FFE];
	[sflag:s23] =	ssyncadd.s32 $0xFFFFFFFF  }
0xab: {  	s26 =	simm.s32 $execute0_lowered;
	[smem:$0x3FD2] =	sst s25  }
0xac: {  	s5 =	sshll.u32 s26, $0x1;
	_ =	strace $0x80000049;
	[dreg:$0x1] =	wrdreg $0xFFFFFFFF  }
0xad: {  	s28 =	simm.s32 $_size_execute0_lowered;
	s3 =	sadd.s32 s3, s5;
	[dreg:$0x0] =	wrdreg $0x0  }
0xae: {  	s5 =	sshll.u32 s28, $0x1;
	[dreg:$0x2] =	wrdreg s3  }
0xaf: {  	[dreg:$0x3] =	wrdreg s5  }
0xb0: {  	[dreg:$0x4] =	wrdreg $0xC0  }
0xb1: {  	_ =	task [dreg:s7], $0x5FFFF  }
0xb2: {  	[dreg:$0x1] =	wrdreg $0xFFFFFFFF  }
0xb3: {  	[dreg:$0x0] =	wrdreg $0x60  }
0xb4: {  	[dreg:$0x2] =	wrdreg s24  }
0xb5: {  	[dreg:$0x3] =	wrdreg s16  }
0xb6: {  	[dreg:$0x4] =	wrdreg $0x9  }
0xb7: {  	_ =	task.clear_ibuf [dreg:s7], $0x5FFFF;
	_ =	strace $0x90000049  }
0xb8: {  	s29 =	simm.s32 $0x9;
	_ =	strace $0x8000004B  }
0xb9: {  	_ =	swait.ge [sflag:s29], $0x1  }
0xba: {  	[sflag:s29] =	ssyncadd.s32 $0xFFFFFFFF  }
0xbb: {  	_ =	strace $0x9000004B  }
0xbc: {  	_ =	sfence  }
0xbd: {  	s30 =	sld [smem:$0x0];
	_ =	sdelay $0x2  }
0xbe: {  	s31 =	sshll.u32 s1, $0xD;
	s1 =	sshrl.u32 s1, $0x2  }
0xbf: {  	s3 =	sand.u32 $0x4000, s31;
	s1 =	sadd.s32 s1, s30  }
0xc0: {  	s0 =	sor.u32 s3, s0;
	s1 =	sshll.u32 s1, $0x11  }
0xc1: {  	s0 =	sor.u32 s1, s0  }
0xc2: {  	s0 =	sadd.s32 $0x8F2B, s0  }
0xc3: {  	[sflag:s0] =	ssyncadd.remote.s32 $0x1  }
0xc4: {  	_ =	sfence.sel $0xFFFF  }
0xc5: {  	[dreg:$0x0] =	wrdreg $0xFFFFFFFF;
	(pc) =	sbr.abs _section_cstart, $3  }
0xc6: {  	[dreg:$0x1] =	wrdreg $0xFFFFFFFF  }
0xc7: {  	_ =	task.clear_ibuf [dreg:s7], $0x2FFFF;
	_ =	strace $0x9FFFFFFF  }
0xc8: {  	(tm) =	ssettm $0x7FFFFFFF  }
0xc9: {  	_ =	shalt  }
tec
execute0_lowered:
.L_overlay_start_1:
0x0: {  	(tag) =	ssettag $0x1  }
0x1: {  	s0 =	srdreg.scid  }
0x2: {  	s2 =	stileid.u32;
	s1 =	rddreg [dreg:$0x0]  }
0x3: {  	s4 =	rddreg [dreg:$0x1];
	s19 =	simm.s32 $0x1;
	s22 =	simm.s32 $0x100  }
0x4: {  	s23 =	simm.s32 $0x980;
	s28 =	simm.s32 $0x2980;
	s29 =	simm.s32 $0x3180  }
0x5: {  	s30 =	simm.s32 $0x3980;
	s31 =	simm.s32 $0x4180;
	s10 =	simm.s32 $0x6980  }
0x6: {  	s11 =	simm.s32 $0x7180;
	s12 =	simm.s32 $0x7980;
	s13 =	simm.s32 $0x8180  }
0x7: {  	s14 =	simm.s32 $0x8980;
	s0 =	sand.u32 $0x1, s0;
	s2 =	sshll.u32 s2, $0x1  }
0x8: {  	s15 =	simm.s32 $0x9180;
	s16 =	simm.s32 $0x9980;
	s3 =	sor.u32 s0, s2  }
0x9: {  	s17 =	simm.s32 $0xA180;
	s18 =	simm.s32 $0xB180;
	s5 =	smul.u32 $0x60, s3  }
0xa: {  	s2 =	simm.s32 $0x0;
	s0 =	ssub.s32 $0x2, s0;
	s6 =	smul.u32 $0x4800, s3  }
0xb: {  	[smem:$0x7FF] =	sst s2;
	s7 =	smul.u32 $0x24000, s3;
	s3 =	sadd.s32 $0x1C3C00, s1  }
0xc: {  	s1 =	sadd.s32 $0x283C00, s1;
	s8 =	sshrl.u32 s0, $0x1;
	_ =	strace $0x8000004A  }
0xd: {  	s0 =	ssub.s32 s0, s8;
	s8 =	simm.s32 $0x2;
	s9 =	sadd.s32 s4, s5  }
0xe: {  	s24 =	sadd.s32 s1, s6;
	s25 =	sshrl.u32 s7, $0x3;
	s5 =	smax.u32 s0, $0x1  }
0xf: {  	s6 =	simm.s32 $0x5980;
	s7 =	simm.s32 $0x6180;
	[dreg:$0x3] =	wrdreg s24  }
0x10: {  	s4 =	simm.s32 $0xA980;
	[dreg:$0x6] =	wrdreg s9;
	s26 =	sadd.s32 $0x10, s9  }
0x11: {  	v2 =	vlaneseq.u32;
	s1 =	sadd.s32 s1, s25;
	s24 =	simm.s32 $0x1180;
	s25 =	simm.s32 $0x1980  }
0x12: {  	vm0 =	vmmov $0xffff;
	v1 =	vshrl.u32 v2, $0x3;
	s9 =	simm.s32 $0xB980;
	[dreg:$0x4] =	wrdreg s26;
	s1 =	sadd.s32 $0x2400, s1  }
0x13: {  	v0 =	vand.u32 $0x7, v2;
	v2 =	vor.u32 $0x8, v2;
	v1 =	vmul.u32 $0x8, v1;
	s26 =	simm.s32 $0x2180;
	[dreg:$0x5] =	wrdreg s1;
	s1 =	simm.s32 $0x4980  }
.LBB2_1:
0x14: {  	s20 =	rddreg [dreg:$0x6];
	s21 =	simm.s32 $0x80  }
0x15: {  	[tilespmem:s2], [sflag:$0x2] =	stream.strided.gather [hbm4b:s20+s21], $0x180, s22, s21, $0x38;
	[tilespmem:$0x12180] =	vst v63  }
0x16: {  	_ =	swait.ge [sflag:s8], $0x180  }
0x17: {  	[sflag:s8] =	ssyncset.done $0x0  }
0x18: {  	[sflag:s8] =	ssyncadd.s32 $0xFFFFFE80  }
0x19: {  	v3 =	vld [tilespmem:$0x0];
	_ =	sdelay $0x4  }
0x1a: {  	v4 =	vshll.u32 v3, $0x1  }
0x1b: {  	v3 =	vand.u32 $0x7, v3;
	v4 =	vand.u32 $0xFFFFFFF0, v4  }
0x1c: {  	v3 =	vor.u32 v3, v4  }
0x1d: {  	v4 =	vperm.xlane v3, v0;
	_ =	sdelay $0x1  }
0x1e: {  	v3 =	vperm.xlane v3, v2;
	v4 =	vadd.s32 v1, v4;
	_ =	sdelay $0x1  }
0x1f: {  	v3 =	vadd.s32 v1, v3;
	_ =	sdelay $0x1  }
0x20: {  	s0 =	simm.s32 $0x180  }
0x21: {  	[tilespmem:s0], [sflag:$0x1] =	stream.indirect_vreg.gather [hbm4b:s3+s2], $0x80, v4, vm0, $0xb8;
	[tilespmem:$0x12180] =	vst v63  }
0x22: {  	_ = 	snop  }
0x23: {  	[tilespmem:s23], [sflag:$0x1] =	stream.indirect_vreg.gather [hbm4b:s3+s2], $0x80, v3, vm0, $0xb8;
	[tilespmem:$0x12180] =	vst v63  }
0x24: {  	v3 =	vld [tilespmem:$0x10];
	_ =	sdelay $0x4  }
0x25: {  	v29 =	vshll.u32 v3, $0x1  }
0x26: {  	v3 =	vand.u32 $0x7, v3;
	v4 =	vand.u32 $0xFFFFFFF0, v29  }
0x27: {  	v3 =	vor.u32 v3, v4  }
0x28: {  	v4 =	vperm.xlane v3, v0;
	_ =	sdelay $0x1  }
0x29: {  	v3 =	vperm.xlane v3, v2;
	v4 =	vadd.s32 v1, v4;
	_ =	sdelay $0x1  }
0x2a: {  	v3 =	vadd.s32 v1, v3;
	_ =	sdelay $0x2  }
0x2b: {  	[tilespmem:s24], [sflag:$0x1] =	stream.indirect_vreg.gather [hbm4b:s3+s2], $0x80, v4, vm0, $0xb8;
	[tilespmem:$0x12180] =	vst v63  }
0x2c: {  	_ = 	snop  }
0x2d: {  	[tilespmem:s25], [sflag:$0x1] =	stream.indirect_vreg.gather [hbm4b:s3+s2], $0x80, v3, vm0, $0xb8;
	[tilespmem:$0x12180] =	vst v63  }
0x2e: {  	v3 =	vld [tilespmem:$0x20];
	_ =	sdelay $0x4  }
0x2f: {  	v30 =	vshll.u32 v3, $0x1  }
0x30: {  	v3 =	vand.u32 $0x7, v3;
	v4 =	vand.u32 $0xFFFFFFF0, v30  }
0x31: {  	v3 =	vor.u32 v3, v4  }
0x32: {  	v4 =	vperm.xlane v3, v0;
	_ =	sdelay $0x1  }
0x33: {  	v3 =	vperm.xlane v3, v2;
	v4 =	vadd.s32 v1, v4;
	_ =	sdelay $0x1  }
0x34: {  	v3 =	vadd.s32 v1, v3;
	_ =	sdelay $0x2  }
0x35: {  	[tilespmem:s26], [sflag:$0x1] =	stream.indirect_vreg.gather [hbm4b:s3+s2], $0x80, v4, vm0, $0xb8;
	[tilespmem:$0x12180] =	vst v63  }
0x36: {  	_ = 	snop  }
0x37: {  	[tilespmem:s28], [sflag:$0x1] =	stream.indirect_vreg.gather [hbm4b:s3+s2], $0x80, v3, vm0, $0xb8;
	[tilespmem:$0x12180] =	vst v63  }
0x38: {  	v3 =	vld [tilespmem:$0x30];
	_ =	sdelay $0x4  }
0x39: {  	v31 =	vshll.u32 v3, $0x1  }
0x3a: {  	v3 =	vand.u32 $0x7, v3;
	v4 =	vand.u32 $0xFFFFFFF0, v31  }
0x3b: {  	v3 =	vor.u32 v3, v4  }
0x3c: {  	v4 =	vperm.xlane v3, v0;
	_ =	sdelay $0x1  }
0x3d: {  	v3 =	vperm.xlane v3, v2;
	v4 =	vadd.s32 v1, v4;
	_ =	sdelay $0x1  }
0x3e: {  	v3 =	vadd.s32 v1, v3;
	_ =	sdelay $0x2  }
0x3f: {  	[tilespmem:s29], [sflag:$0x1] =	stream.indirect_vreg.gather [hbm4b:s3+s2], $0x80, v4, vm0, $0xb8;
	[tilespmem:$0x12180] =	vst v63  }
0x40: {  	_ = 	snop  }
0x41: {  	[tilespmem:s30], [sflag:$0x1] =	stream.indirect_vreg.gather [hbm4b:s3+s2], $0x80, v3, vm0, $0xb8;
	[tilespmem:$0x12180] =	vst v63  }
0x42: {  	v3 =	vld [tilespmem:$0x40];
	_ =	sdelay $0x4  }
0x43: {  	v32 =	vshll.u32 v3, $0x1  }
0x44: {  	v3 =	vand.u32 $0x7, v3;
	v4 =	vand.u32 $0xFFFFFFF0, v32  }
0x45: {  	v3 =	vor.u32 v3, v4  }
0x46: {  	v4 =	vperm.xlane v3, v0;
	_ =	sdelay $0x1  }
0x47: {  	v3 =	vperm.xlane v3, v2;
	v4 =	vadd.s32 v1, v4;
	_ =	sdelay $0x1  }
0x48: {  	v3 =	vadd.s32 v1, v3;
	_ =	sdelay $0x2  }
0x49: {  	[tilespmem:s31], [sflag:$0x1] =	stream.indirect_vreg.gather [hbm4b:s3+s2], $0x80, v4, vm0, $0xb8;
	[tilespmem:$0x12180] =	vst v63  }
0x4a: {  	_ = 	snop  }
0x4b: {  	[tilespmem:s1], [sflag:$0x1] =	stream.indirect_vreg.gather [hbm4b:s3+s2], $0x80, v3, vm0, $0xb8;
	[tilespmem:$0x12180] =	vst v63  }
0x4c: {  	v3 =	vld [tilespmem:$0x50];
	_ =	sdelay $0x4  }
0x4d: {  	v33 =	vshll.u32 v3, $0x1  }
0x4e: {  	v3 =	vand.u32 $0x7, v3;
	v4 =	vand.u32 $0xFFFFFFF0, v33  }
0x4f: {  	v3 =	vor.u32 v3, v4  }
0x50: {  	v4 =	vperm.xlane v3, v0;
	_ =	sdelay $0x1  }
0x51: {  	v3 =	vperm.xlane v3, v2;
	v4 =	vadd.s32 v1, v4;
	_ =	sdelay $0x1  }
0x52: {  	v3 =	vadd.s32 v1, v3;
	_ =	sdelay $0x1  }
0x53: {  	s20 =	simm.s32 $0x5180  }
0x54: {  	[tilespmem:s20], [sflag:$0x1] =	stream.indirect_vreg.gather [hbm4b:s3+s2], $0x80, v4, vm0, $0xb8;
	[tilespmem:$0x12180] =	vst v63  }
0x55: {  	_ = 	snop  }
0x56: {  	[tilespmem:s6], [sflag:$0x1] =	stream.indirect_vreg.gather [hbm4b:s3+s2], $0x80, v3, vm0, $0xb8;
	[tilespmem:$0x12180] =	vst v63  }
0x57: {  	v3 =	vld [tilespmem:$0x60];
	_ =	sdelay $0x4  }
0x58: {  	v34 =	vshll.u32 v3, $0x1  }
0x59: {  	v3 =	vand.u32 $0x7, v3;
	v4 =	vand.u32 $0xFFFFFFF0, v34  }
0x5a: {  	v3 =	vor.u32 v3, v4  }
0x5b: {  	v4 =	vperm.xlane v3, v0;
	_ =	sdelay $0x1  }
0x5c: {  	v3 =	vperm.xlane v3, v2;
	v4 =	vadd.s32 v1, v4;
	_ =	sdelay $0x1  }
0x5d: {  	v3 =	vadd.s32 v1, v3;
	_ =	sdelay $0x2  }
0x5e: {  	[tilespmem:s7], [sflag:$0x1] =	stream.indirect_vreg.gather [hbm4b:s3+s2], $0x80, v4, vm0, $0xb8;
	[tilespmem:$0x12180] =	vst v63  }
0x5f: {  	_ = 	snop  }
0x60: {  	[tilespmem:s10], [sflag:$0x1] =	stream.indirect_vreg.gather [hbm4b:s3+s2], $0x80, v3, vm0, $0xb8;
	[tilespmem:$0x12180] =	vst v63  }
0x61: {  	v3 =	vld [tilespmem:$0x70];
	_ =	sdelay $0x4  }
0x62: {  	v35 =	vshll.u32 v3, $0x1  }
0x63: {  	v3 =	vand.u32 $0x7, v3;
	v4 =	vand.u32 $0xFFFFFFF0, v35  }
0x64: {  	v3 =	vor.u32 v3, v4  }
0x65: {  	v4 =	vperm.xlane v3, v0;
	_ =	sdelay $0x1  }
0x66: {  	v3 =	vperm.xlane v3, v2;
	v4 =	vadd.s32 v1, v4;
	_ =	sdelay $0x1  }
0x67: {  	v3 =	vadd.s32 v1, v3;
	_ =	sdelay $0x2  }
0x68: {  	[tilespmem:s11], [sflag:$0x1] =	stream.indirect_vreg.gather [hbm4b:s3+s2], $0x80, v4, vm0, $0xb8;
	[tilespmem:$0x12180] =	vst v63  }
0x69: {  	_ = 	snop  }
0x6a: {  	[tilespmem:s12], [sflag:$0x1] =	stream.indirect_vreg.gather [hbm4b:s3+s2], $0x80, v3, vm0, $0xb8;
	[tilespmem:$0x12180] =	vst v63  }
0x6b: {  	v3 =	vld [tilespmem:$0x80];
	_ =	sdelay $0x4  }
0x6c: {  	v36 =	vshll.u32 v3, $0x1  }
0x6d: {  	v3 =	vand.u32 $0x7, v3;
	v4 =	vand.u32 $0xFFFFFFF0, v36  }
0x6e: {  	v3 =	vor.u32 v3, v4  }
0x6f: {  	v4 =	vperm.xlane v3, v0;
	_ =	sdelay $0x1  }
0x70: {  	v3 =	vperm.xlane v3, v2;
	v4 =	vadd.s32 v1, v4;
	_ =	sdelay $0x1  }
0x71: {  	v3 =	vadd.s32 v1, v3;
	_ =	sdelay $0x2  }
0x72: {  	[tilespmem:s13], [sflag:$0x1] =	stream.indirect_vreg.gather [hbm4b:s3+s2], $0x80, v4, vm0, $0xb8;
	[tilespmem:$0x12180] =	vst v63  }
0x73: {  	_ = 	snop  }
0x74: {  	[tilespmem:s14], [sflag:$0x1] =	stream.indirect_vreg.gather [hbm4b:s3+s2], $0x80, v3, vm0, $0xb8;
	[tilespmem:$0x12180] =	vst v63  }
0x75: {  	v3 =	vld [tilespmem:$0x90];
	_ =	sdelay $0x4  }
0x76: {  	v37 =	vshll.u32 v3, $0x1  }
0x77: {  	v3 =	vand.u32 $0x7, v3;
	v4 =	vand.u32 $0xFFFFFFF0, v37  }
0x78: {  	v3 =	vor.u32 v3, v4  }
0x79: {  	v4 =	vperm.xlane v3, v0;
	_ =	sdelay $0x1  }
0x7a: {  	v3 =	vperm.xlane v3, v2;
	v4 =	vadd.s32 v1, v4;
	_ =	sdelay $0x1  }
0x7b: {  	v3 =	vadd.s32 v1, v3;
	_ =	sdelay $0x2  }
0x7c: {  	[tilespmem:s15], [sflag:$0x1] =	stream.indirect_vreg.gather [hbm4b:s3+s2], $0x80, v4, vm0, $0xb8;
	[tilespmem:$0x12180] =	vst v63  }
0x7d: {  	_ = 	snop  }
0x7e: {  	[tilespmem:s16], [sflag:$0x1] =	stream.indirect_vreg.gather [hbm4b:s3+s2], $0x80, v3, vm0, $0xb8;
	[tilespmem:$0x12180] =	vst v63  }
0x7f: {  	v3 =	vld [tilespmem:$0xA0];
	_ =	sdelay $0x4  }
0x80: {  	v38 =	vshll.u32 v3, $0x1  }
0x81: {  	v3 =	vand.u32 $0x7, v3;
	v4 =	vand.u32 $0xFFFFFFF0, v38  }
0x82: {  	v3 =	vor.u32 v3, v4  }
0x83: {  	v4 =	vperm.xlane v3, v0;
	_ =	sdelay $0x1  }
0x84: {  	v3 =	vperm.xlane v3, v2;
	v4 =	vadd.s32 v1, v4;
	_ =	sdelay $0x1  }
0x85: {  	v3 =	vadd.s32 v1, v3;
	_ =	sdelay $0x2  }
0x86: {  	[tilespmem:s17], [sflag:$0x1] =	stream.indirect_vreg.gather [hbm4b:s3+s2], $0x80, v4, vm0, $0xb8;
	[tilespmem:$0x12180] =	vst v63  }
0x87: {  	_ = 	snop  }
0x88: {  	[tilespmem:s4], [sflag:$0x1] =	stream.indirect_vreg.gather [hbm4b:s3+s2], $0x80, v3, vm0, $0xb8;
	[tilespmem:$0x12180] =	vst v63  }
0x89: {  	v3 =	vld [tilespmem:$0xB0];
	_ =	sdelay $0x4  }
0x8a: {  	v39 =	vshll.u32 v3, $0x1  }
0x8b: {  	v3 =	vand.u32 $0x7, v3;
	v4 =	vand.u32 $0xFFFFFFF0, v39  }
0x8c: {  	v3 =	vor.u32 v3, v4  }
0x8d: {  	v4 =	vperm.xlane v3, v0;
	_ =	sdelay $0x1  }
0x8e: {  	v3 =	vperm.xlane v3, v2;
	v4 =	vadd.s32 v1, v4;
	_ =	sdelay $0x1  }
0x8f: {  	v3 =	vadd.s32 v1, v3;
	_ =	sdelay $0x2  }
0x90: {  	[tilespmem:s18], [sflag:$0x1] =	stream.indirect_vreg.gather [hbm4b:s3+s2], $0x80, v4, vm0, $0xb8;
	[tilespmem:$0x12180] =	vst v63  }
0x91: {  	_ = 	snop  }
0x92: {  	[tilespmem:s9], [sflag:$0x1] =	stream.indirect_vreg.gather [hbm4b:s3+s2], $0x80, v3, vm0, $0xb8;
	[tilespmem:$0x12180] =	vst v63  }
0x93: {  	v3 =	vld [tilespmem:$0xC0];
	_ =	sdelay $0x4  }
0x94: {  	v40 =	vshll.u32 v3, $0x1  }
0x95: {  	v3 =	vand.u32 $0x7, v3;
	v4 =	vand.u32 $0xFFFFFFF0, v40  }
0x96: {  	v3 =	vor.u32 v3, v4  }
0x97: {  	v4 =	vperm.xlane v3, v0;
	_ =	sdelay $0x1  }
0x98: {  	v3 =	vperm.xlane v3, v2;
	v4 =	vadd.s32 v1, v4;
	_ =	sdelay $0x1  }
0x99: {  	v3 =	vadd.s32 v1, v3;
	_ =	sdelay $0x1  }
0x9a: {  	s20 =	simm.s32 $0xC180  }
0x9b: {  	[tilespmem:s20], [sflag:$0x1] =	stream.indirect_vreg.gather [hbm4b:s3+s2], $0x80, v4, vm0, $0xb8;
	[tilespmem:$0x12180] =	vst v63  }
0x9c: {  	s20 =	simm.s32 $0xC980  }
0x9d: {  	[tilespmem:s20], [sflag:$0x1] =	stream.indirect_vreg.gather [hbm4b:s3+s2], $0x80, v3, vm0, $0xb8;
	[tilespmem:$0x12180] =	vst v63  }
0x9e: {  	v3 =	vld [tilespmem:$0xD0];
	_ =	sdelay $0x4  }
0x9f: {  	v41 =	vshll.u32 v3, $0x1  }
0xa0: {  	v3 =	vand.u32 $0x7, v3;
	v4 =	vand.u32 $0xFFFFFFF0, v41  }
0xa1: {  	v3 =	vor.u32 v3, v4  }
0xa2: {  	v4 =	vperm.xlane v3, v0;
	_ =	sdelay $0x1  }
0xa3: {  	v3 =	vperm.xlane v3, v2;
	v4 =	vadd.s32 v1, v4;
	_ =	sdelay $0x1  }
0xa4: {  	v3 =	vadd.s32 v1, v3;
	_ =	sdelay $0x1  }
0xa5: {  	s20 =	simm.s32 $0xD180  }
0xa6: {  	[tilespmem:s20], [sflag:$0x1] =	stream.indirect_vreg.gather [hbm4b:s3+s2], $0x80, v4, vm0, $0xb8;
	[tilespmem:$0x12180] =	vst v63  }
0xa7: {  	s20 =	simm.s32 $0xD980  }
0xa8: {  	[tilespmem:s20], [sflag:$0x1] =	stream.indirect_vreg.gather [hbm4b:s3+s2], $0x80, v3, vm0, $0xb8;
	[tilespmem:$0x12180] =	vst v63  }
0xa9: {  	v3 =	vld [tilespmem:$0xE0];
	_ =	sdelay $0x4  }
0xaa: {  	v42 =	vshll.u32 v3, $0x1  }
0xab: {  	v3 =	vand.u32 $0x7, v3;
	v4 =	vand.u32 $0xFFFFFFF0, v42  }
0xac: {  	v3 =	vor.u32 v3, v4  }
0xad: {  	v4 =	vperm.xlane v3, v0;
	_ =	sdelay $0x1  }
0xae: {  	v3 =	vperm.xlane v3, v2;
	v4 =	vadd.s32 v1, v4;
	_ =	sdelay $0x1  }
0xaf: {  	v3 =	vadd.s32 v1, v3;
	_ =	sdelay $0x1  }
0xb0: {  	s20 =	simm.s32 $0xE180  }
0xb1: {  	[tilespmem:s20], [sflag:$0x1] =	stream.indirect_vreg.gather [hbm4b:s3+s2], $0x80, v4, vm0, $0xb8;
	[tilespmem:$0x12180] =	vst v63  }
0xb2: {  	s20 =	simm.s32 $0xE980  }
0xb3: {  	[tilespmem:s20], [sflag:$0x1] =	stream.indirect_vreg.gather [hbm4b:s3+s2], $0x80, v3, vm0, $0xb8;
	[tilespmem:$0x12180] =	vst v63  }
0xb4: {  	v3 =	vld [tilespmem:$0xF0];
	_ =	sdelay $0x4  }
0xb5: {  	v43 =	vshll.u32 v3, $0x1  }
0xb6: {  	v3 =	vand.u32 $0x7, v3;
	v4 =	vand.u32 $0xFFFFFFF0, v43  }
0xb7: {  	v3 =	vor.u32 v3, v4  }
0xb8: {  	v4 =	vperm.xlane v3, v0;
	_ =	sdelay $0x1  }
0xb9: {  	v3 =	vperm.xlane v3, v2;
	v4 =	vadd.s32 v1, v4;
	_ =	sdelay $0x1  }
0xba: {  	v3 =	vadd.s32 v1, v3;
	_ =	sdelay $0x1  }
0xbb: {  	s20 =	simm.s32 $0xF180  }
0xbc: {  	[tilespmem:s20], [sflag:$0x1] =	stream.indirect_vreg.gather [hbm4b:s3+s2], $0x80, v4, vm0, $0xb8;
	[tilespmem:$0x12180] =	vst v63  }
0xbd: {  	s20 =	simm.s32 $0xF980  }
0xbe: {  	[tilespmem:s20], [sflag:$0x1] =	stream.indirect_vreg.gather [hbm4b:s3+s2], $0x80, v3, vm0, $0xb8;
	[tilespmem:$0x12180] =	vst v63  }
0xbf: {  	v3 =	vld [tilespmem:$0x100];
	_ =	sdelay $0x4  }
0xc0: {  	v44 =	vshll.u32 v3, $0x1  }
0xc1: {  	v3 =	vand.u32 $0x7, v3;
	v4 =	vand.u32 $0xFFFFFFF0, v44  }
0xc2: {  	v3 =	vor.u32 v3, v4  }
0xc3: {  	v4 =	vperm.xlane v3, v0;
	_ =	sdelay $0x1  }
0xc4: {  	v3 =	vperm.xlane v3, v2;
	v4 =	vadd.s32 v1, v4;
	_ =	sdelay $0x1  }
0xc5: {  	v3 =	vadd.s32 v1, v3;
	_ =	sdelay $0x1  }
0xc6: {  	s20 =	simm.s32 $0x10180  }
0xc7: {  	[tilespmem:s20], [sflag:$0x1] =	stream.indirect_vreg.gather [hbm4b:s3+s2], $0x80, v4, vm0, $0xb8;
	[tilespmem:$0x12180] =	vst v63  }
0xc8: {  	s20 =	simm.s32 $0x10980  }
0xc9: {  	[tilespmem:s20], [sflag:$0x1] =	stream.indirect_vreg.gather [hbm4b:s3+s2], $0x80, v3, vm0, $0xb8;
	[tilespmem:$0x12180] =	vst v63  }
0xca: {  	v3 =	vld [tilespmem:$0x110];
	_ =	sdelay $0x4  }
0xcb: {  	v45 =	vshll.u32 v3, $0x1  }
0xcc: {  	v3 =	vand.u32 $0x7, v3;
	v4 =	vand.u32 $0xFFFFFFF0, v45  }
0xcd: {  	v3 =	vor.u32 v3, v4  }
0xce: {  	v4 =	vperm.xlane v3, v0;
	_ =	sdelay $0x1  }
0xcf: {  	v3 =	vperm.xlane v3, v2;
	v4 =	vadd.s32 v1, v4;
	_ =	sdelay $0x1  }
0xd0: {  	v3 =	vadd.s32 v1, v3;
	_ =	sdelay $0x1  }
0xd1: {  	s20 =	simm.s32 $0x11180  }
0xd2: {  	[tilespmem:s20], [sflag:$0x1] =	stream.indirect_vreg.gather [hbm4b:s3+s2], $0x80, v4, vm0, $0xb8;
	[tilespmem:$0x12180] =	vst v63  }
0xd3: {  	s20 =	simm.s32 $0x11980  }
0xd4: {  	[tilespmem:s20], [sflag:$0x1] =	stream.indirect_vreg.gather [hbm4b:s3+s2], $0x80, v3, vm0, $0xb8;
	[tilespmem:$0x12180] =	vst v63  }
0xd5: {  	_ =	swait.ge [sflag:s19], $0x12000  }
0xd6: {  	[sflag:s19] =	ssyncset.done $0x0  }
0xd7: {  	s0 =	simm.s32 $0x180;
	s20 =	rddreg [dreg:$0x3];
	[sflag:s19] =	ssyncadd.s32 $0xFFFEE000  }
0xd8: {  	[hbm4b:s20+s2] =	stream.linear.scatter [tilespmem:s0], [sflag:$0x2], $0x12000, $0x38;
	[tilespmem:$0x12180] =	vst v63  }
0xd9: {  	_ =	swait.ge [sflag:s8], $0x12000  }
0xda: {  	[sflag:s8] =	ssyncset.done $0x0  }
0xdb: {  	s20 =	rddreg [dreg:$0x4];
	[sflag:s8] =	ssyncadd.s32 $0xFFFEE000  }
0xdc: {  	[tilespmem:s2], [sflag:$0x2] =	stream.strided.gather [hbm4b:s20+s21], $0x180, s22, s21, $0x38;
	[tilespmem:$0x12180] =	vst v63  }
0xdd: {  	_ =	swait.ge [sflag:s8], $0x180  }
0xde: {  	[sflag:s8] =	ssyncset.done $0x0  }
0xdf: {  	[sflag:s8] =	ssyncadd.s32 $0xFFFFFE80  }
0xe0: {  	v3 =	vld [tilespmem:$0x0];
	_ =	sdelay $0x4  }
0xe1: {  	v46 =	vshll.u32 v3, $0x1  }
0xe2: {  	v3 =	vand.u32 $0x7, v3;
	v4 =	vand.u32 $0xFFFFFFF0, v46  }
0xe3: {  	v3 =	vor.u32 v3, v4  }
0xe4: {  	v4 =	vperm.xlane v3, v0;
	_ =	sdelay $0x1  }
0xe5: {  	v3 =	vperm.xlane v3, v2;
	v4 =	vadd.s32 v1, v4;
	_ =	sdelay $0x1  }
0xe6: {  	v3 =	vadd.s32 v1, v3;
	_ =	sdelay $0x2  }
0xe7: {  	[tilespmem:s0], [sflag:$0x1] =	stream.indirect_vreg.gather [hbm4b:s3+s2], $0x80, v4, vm0, $0xb8;
	[tilespmem:$0x12180] =	vst v63  }
0xe8: {  	_ = 	snop  }
0xe9: {  	[tilespmem:s23], [sflag:$0x1] =	stream.indirect_vreg.gather [hbm4b:s3+s2], $0x80, v3, vm0, $0xb8;
	[tilespmem:$0x12180] =	vst v63  }
0xea: {  	v3 =	vld [tilespmem:$0x10];
	_ =	sdelay $0x4  }
0xeb: {  	v47 =	vshll.u32 v3, $0x1  }
0xec: {  	v3 =	vand.u32 $0x7, v3;
	v4 =	vand.u32 $0xFFFFFFF0, v47  }
0xed: {  	v3 =	vor.u32 v3, v4  }
0xee: {  	v4 =	vperm.xlane v3, v0;
	_ =	sdelay $0x1  }
0xef: {  	v3 =	vperm.xlane v3, v2;
	v4 =	vadd.s32 v1, v4;
	_ =	sdelay $0x1  }
0xf0: {  	v3 =	vadd.s32 v1, v3;
	_ =	sdelay $0x2  }
0xf1: {  	[tilespmem:s24], [sflag:$0x1] =	stream.indirect_vreg.gather [hbm4b:s3+s2], $0x80, v4, vm0, $0xb8;
	[tilespmem:$0x12180] =	vst v63  }
0xf2: {  	_ = 	snop  }
0xf3: {  	[tilespmem:s25], [sflag:$0x1] =	stream.indirect_vreg.gather [hbm4b:s3+s2], $0x80, v3, vm0, $0xb8;
	[tilespmem:$0x12180] =	vst v63  }
0xf4: {  	v3 =	vld [tilespmem:$0x20];
	_ =	sdelay $0x4  }
0xf5: {  	v48 =	vshll.u32 v3, $0x1  }
0xf6: {  	v3 =	vand.u32 $0x7, v3;
	v4 =	vand.u32 $0xFFFFFFF0, v48  }
0xf7: {  	v3 =	vor.u32 v3, v4  }
0xf8: {  	v4 =	vperm.xlane v3, v0;
	_ =	sdelay $0x1  }
0xf9: {  	v3 =	vperm.xlane v3, v2;
	v4 =	vadd.s32 v1, v4;
	_ =	sdelay $0x1  }
0xfa: {  	v3 =	vadd.s32 v1, v3;
	_ =	sdelay $0x2  }
0xfb: {  	[tilespmem:s26], [sflag:$0x1] =	stream.indirect_vreg.gather [hbm4b:s3+s2], $0x80, v4, vm0, $0xb8;
	[tilespmem:$0x12180] =	vst v63  }
0xfc: {  	_ = 	snop  }
0xfd: {  	[tilespmem:s28], [sflag:$0x1] =	stream.indirect_vreg.gather [hbm4b:s3+s2], $0x80, v3, vm0, $0xb8;
	[tilespmem:$0x12180] =	vst v63  }
0xfe: {  	v3 =	vld [tilespmem:$0x30];
	_ =	sdelay $0x4  }
0xff: {  	v49 =	vshll.u32 v3, $0x1  }
0x100: {  	v3 =	vand.u32 $0x7, v3;
	v4 =	vand.u32 $0xFFFFFFF0, v49  }
0x101: {  	v3 =	vor.u32 v3, v4  }
0x102: {  	v4 =	vperm.xlane v3, v0;
	_ =	sdelay $0x1  }
0x103: {  	v3 =	vperm.xlane v3, v2;
	v4 =	vadd.s32 v1, v4;
	_ =	sdelay $0x1  }
0x104: {  	v3 =	vadd.s32 v1, v3;
	_ =	sdelay $0x2  }
0x105: {  	[tilespmem:s29], [sflag:$0x1] =	stream.indirect_vreg.gather [hbm4b:s3+s2], $0x80, v4, vm0, $0xb8;
	[tilespmem:$0x12180] =	vst v63  }
0x106: {  	_ = 	snop  }
0x107: {  	[tilespmem:s30], [sflag:$0x1] =	stream.indirect_vreg.gather [hbm4b:s3+s2], $0x80, v3, vm0, $0xb8;
	[tilespmem:$0x12180] =	vst v63  }
0x108: {  	v3 =	vld [tilespmem:$0x40];
	_ =	sdelay $0x4  }
0x109: {  	v50 =	vshll.u32 v3, $0x1  }
0x10a: {  	v3 =	vand.u32 $0x7, v3;
	v4 =	vand.u32 $0xFFFFFFF0, v50  }
0x10b: {  	v3 =	vor.u32 v3, v4  }
0x10c: {  	v4 =	vperm.xlane v3, v0;
	_ =	sdelay $0x1  }
0x10d: {  	v3 =	vperm.xlane v3, v2;
	v4 =	vadd.s32 v1, v4;
	_ =	sdelay $0x1  }
0x10e: {  	v3 =	vadd.s32 v1, v3;
	_ =	sdelay $0x2  }
0x10f: {  	[tilespmem:s31], [sflag:$0x1] =	stream.indirect_vreg.gather [hbm4b:s3+s2], $0x80, v4, vm0, $0xb8;
	[tilespmem:$0x12180] =	vst v63  }
0x110: {  	_ = 	snop  }
0x111: {  	[tilespmem:s1], [sflag:$0x1] =	stream.indirect_vreg.gather [hbm4b:s3+s2], $0x80, v3, vm0, $0xb8;
	[tilespmem:$0x12180] =	vst v63  }
0x112: {  	v3 =	vld [tilespmem:$0x50];
	_ =	sdelay $0x4  }
0x113: {  	v51 =	vshll.u32 v3, $0x1  }
0x114: {  	v3 =	vand.u32 $0x7, v3;
	v4 =	vand.u32 $0xFFFFFFF0, v51  }
0x115: {  	v3 =	vor.u32 v3, v4  }
0x116: {  	v4 =	vperm.xlane v3, v0;
	_ =	sdelay $0x1  }
0x117: {  	v3 =	vperm.xlane v3, v2;
	v4 =	vadd.s32 v1, v4;
	_ =	sdelay $0x1  }
0x118: {  	v3 =	vadd.s32 v1, v3;
	_ =	sdelay $0x1  }
0x119: {  	s20 =	simm.s32 $0x5180  }
0x11a: {  	[tilespmem:s20], [sflag:$0x1] =	stream.indirect_vreg.gather [hbm4b:s3+s2], $0x80, v4, vm0, $0xb8;
	[tilespmem:$0x12180] =	vst v63  }
0x11b: {  	_ = 	snop  }
0x11c: {  	[tilespmem:s6], [sflag:$0x1] =	stream.indirect_vreg.gather [hbm4b:s3+s2], $0x80, v3, vm0, $0xb8;
	[tilespmem:$0x12180] =	vst v63  }
0x11d: {  	v3 =	vld [tilespmem:$0x60];
	_ =	sdelay $0x4  }
0x11e: {  	v52 =	vshll.u32 v3, $0x1  }
0x11f: {  	v3 =	vand.u32 $0x7, v3;
	v4 =	vand.u32 $0xFFFFFFF0, v52  }
0x120: {  	v3 =	vor.u32 v3, v4  }
0x121: {  	v4 =	vperm.xlane v3, v0;
	_ =	sdelay $0x1  }
0x122: {  	v3 =	vperm.xlane v3, v2;
	v4 =	vadd.s32 v1, v4;
	_ =	sdelay $0x1  }
0x123: {  	v3 =	vadd.s32 v1, v3;
	_ =	sdelay $0x2  }
0x124: {  	[tilespmem:s7], [sflag:$0x1] =	stream.indirect_vreg.gather [hbm4b:s3+s2], $0x80, v4, vm0, $0xb8;
	[tilespmem:$0x12180] =	vst v63  }
0x125: {  	_ = 	snop  }
0x126: {  	[tilespmem:s10], [sflag:$0x1] =	stream.indirect_vreg.gather [hbm4b:s3+s2], $0x80, v3, vm0, $0xb8;
	[tilespmem:$0x12180] =	vst v63  }
0x127: {  	v3 =	vld [tilespmem:$0x70];
	_ =	sdelay $0x4  }
0x128: {  	v53 =	vshll.u32 v3, $0x1  }
0x129: {  	v3 =	vand.u32 $0x7, v3;
	v4 =	vand.u32 $0xFFFFFFF0, v53  }
0x12a: {  	v3 =	vor.u32 v3, v4  }
0x12b: {  	v4 =	vperm.xlane v3, v0;
	_ =	sdelay $0x1  }
0x12c: {  	v3 =	vperm.xlane v3, v2;
	v4 =	vadd.s32 v1, v4;
	_ =	sdelay $0x1  }
0x12d: {  	v3 =	vadd.s32 v1, v3;
	_ =	sdelay $0x2  }
0x12e: {  	[tilespmem:s11], [sflag:$0x1] =	stream.indirect_vreg.gather [hbm4b:s3+s2], $0x80, v4, vm0, $0xb8;
	[tilespmem:$0x12180] =	vst v63  }
0x12f: {  	_ = 	snop  }
0x130: {  	[tilespmem:s12], [sflag:$0x1] =	stream.indirect_vreg.gather [hbm4b:s3+s2], $0x80, v3, vm0, $0xb8;
	[tilespmem:$0x12180] =	vst v63  }
0x131: {  	v3 =	vld [tilespmem:$0x80];
	_ =	sdelay $0x4  }
0x132: {  	v54 =	vshll.u32 v3, $0x1  }
0x133: {  	v3 =	vand.u32 $0x7, v3;
	v4 =	vand.u32 $0xFFFFFFF0, v54  }
0x134: {  	v3 =	vor.u32 v3, v4  }
0x135: {  	v4 =	vperm.xlane v3, v0;
	_ =	sdelay $0x1  }
0x136: {  	v3 =	vperm.xlane v3, v2;
	v4 =	vadd.s32 v1, v4;
	_ =	sdelay $0x1  }
0x137: {  	v3 =	vadd.s32 v1, v3;
	_ =	sdelay $0x2  }
0x138: {  	[tilespmem:s13], [sflag:$0x1] =	stream.indirect_vreg.gather [hbm4b:s3+s2], $0x80, v4, vm0, $0xb8;
	[tilespmem:$0x12180] =	vst v63  }
0x139: {  	_ = 	snop  }
0x13a: {  	[tilespmem:s14], [sflag:$0x1] =	stream.indirect_vreg.gather [hbm4b:s3+s2], $0x80, v3, vm0, $0xb8;
	[tilespmem:$0x12180] =	vst v63  }
0x13b: {  	v3 =	vld [tilespmem:$0x90];
	_ =	sdelay $0x4  }
0x13c: {  	v55 =	vshll.u32 v3, $0x1  }
0x13d: {  	v3 =	vand.u32 $0x7, v3;
	v4 =	vand.u32 $0xFFFFFFF0, v55  }
0x13e: {  	v3 =	vor.u32 v3, v4  }
0x13f: {  	v4 =	vperm.xlane v3, v0;
	_ =	sdelay $0x1  }
0x140: {  	v3 =	vperm.xlane v3, v2;
	v4 =	vadd.s32 v1, v4;
	_ =	sdelay $0x1  }
0x141: {  	v3 =	vadd.s32 v1, v3;
	_ =	sdelay $0x2  }
0x142: {  	[tilespmem:s15], [sflag:$0x1] =	stream.indirect_vreg.gather [hbm4b:s3+s2], $0x80, v4, vm0, $0xb8;
	[tilespmem:$0x12180] =	vst v63  }
0x143: {  	_ = 	snop  }
0x144: {  	[tilespmem:s16], [sflag:$0x1] =	stream.indirect_vreg.gather [hbm4b:s3+s2], $0x80, v3, vm0, $0xb8;
	[tilespmem:$0x12180] =	vst v63  }
0x145: {  	v3 =	vld [tilespmem:$0xA0];
	_ =	sdelay $0x4  }
0x146: {  	v56 =	vshll.u32 v3, $0x1  }
0x147: {  	v3 =	vand.u32 $0x7, v3;
	v4 =	vand.u32 $0xFFFFFFF0, v56  }
0x148: {  	v3 =	vor.u32 v3, v4  }
0x149: {  	v4 =	vperm.xlane v3, v0;
	_ =	sdelay $0x1  }
0x14a: {  	v3 =	vperm.xlane v3, v2;
	v4 =	vadd.s32 v1, v4;
	_ =	sdelay $0x1  }
0x14b: {  	v3 =	vadd.s32 v1, v3;
	_ =	sdelay $0x2  }
0x14c: {  	[tilespmem:s17], [sflag:$0x1] =	stream.indirect_vreg.gather [hbm4b:s3+s2], $0x80, v4, vm0, $0xb8;
	[tilespmem:$0x12180] =	vst v63  }
0x14d: {  	_ = 	snop  }
0x14e: {  	[tilespmem:s4], [sflag:$0x1] =	stream.indirect_vreg.gather [hbm4b:s3+s2], $0x80, v3, vm0, $0xb8;
	[tilespmem:$0x12180] =	vst v63  }
0x14f: {  	v3 =	vld [tilespmem:$0xB0];
	_ =	sdelay $0x4  }
0x150: {  	v57 =	vshll.u32 v3, $0x1  }
0x151: {  	v3 =	vand.u32 $0x7, v3;
	v4 =	vand.u32 $0xFFFFFFF0, v57  }
0x152: {  	v3 =	vor.u32 v3, v4  }
0x153: {  	v4 =	vperm.xlane v3, v0;
	_ =	sdelay $0x1  }
0x154: {  	v3 =	vperm.xlane v3, v2;
	v4 =	vadd.s32 v1, v4;
	_ =	sdelay $0x1  }
0x155: {  	v3 =	vadd.s32 v1, v3;
	_ =	sdelay $0x2  }
0x156: {  	[tilespmem:s18], [sflag:$0x1] =	stream.indirect_vreg.gather [hbm4b:s3+s2], $0x80, v4, vm0, $0xb8;
	[tilespmem:$0x12180] =	vst v63  }
0x157: {  	_ = 	snop  }
0x158: {  	[tilespmem:s9], [sflag:$0x1] =	stream.indirect_vreg.gather [hbm4b:s3+s2], $0x80, v3, vm0, $0xb8;
	[tilespmem:$0x12180] =	vst v63  }
0x159: {  	v3 =	vld [tilespmem:$0xC0];
	_ =	sdelay $0x4  }
0x15a: {  	v58 =	vshll.u32 v3, $0x1  }
0x15b: {  	v3 =	vand.u32 $0x7, v3;
	v4 =	vand.u32 $0xFFFFFFF0, v58  }
0x15c: {  	v3 =	vor.u32 v3, v4  }
0x15d: {  	v4 =	vperm.xlane v3, v0;
	_ =	sdelay $0x1  }
0x15e: {  	v3 =	vperm.xlane v3, v2;
	v4 =	vadd.s32 v1, v4;
	_ =	sdelay $0x1  }
0x15f: {  	v3 =	vadd.s32 v1, v3;
	_ =	sdelay $0x1  }
0x160: {  	s20 =	simm.s32 $0xC180  }
0x161: {  	[tilespmem:s20], [sflag:$0x1] =	stream.indirect_vreg.gather [hbm4b:s3+s2], $0x80, v4, vm0, $0xb8;
	[tilespmem:$0x12180] =	vst v63  }
0x162: {  	s20 =	simm.s32 $0xC980  }
0x163: {  	[tilespmem:s20], [sflag:$0x1] =	stream.indirect_vreg.gather [hbm4b:s3+s2], $0x80, v3, vm0, $0xb8;
	[tilespmem:$0x12180] =	vst v63  }
0x164: {  	v3 =	vld [tilespmem:$0xD0];
	_ =	sdelay $0x4  }
0x165: {  	v59 =	vshll.u32 v3, $0x1  }
0x166: {  	v3 =	vand.u32 $0x7, v3;
	v4 =	vand.u32 $0xFFFFFFF0, v59  }
0x167: {  	v3 =	vor.u32 v3, v4  }
0x168: {  	v4 =	vperm.xlane v3, v0;
	_ =	sdelay $0x1  }
0x169: {  	v3 =	vperm.xlane v3, v2;
	v4 =	vadd.s32 v1, v4;
	_ =	sdelay $0x1  }
0x16a: {  	v3 =	vadd.s32 v1, v3;
	_ =	sdelay $0x1  }
0x16b: {  	s20 =	simm.s32 $0xD180  }
0x16c: {  	[tilespmem:s20], [sflag:$0x1] =	stream.indirect_vreg.gather [hbm4b:s3+s2], $0x80, v4, vm0, $0xb8;
	[tilespmem:$0x12180] =	vst v63  }
0x16d: {  	s20 =	simm.s32 $0xD980  }
0x16e: {  	[tilespmem:s20], [sflag:$0x1] =	stream.indirect_vreg.gather [hbm4b:s3+s2], $0x80, v3, vm0, $0xb8;
	[tilespmem:$0x12180] =	vst v63  }
0x16f: {  	v3 =	vld [tilespmem:$0xE0];
	_ =	sdelay $0x4  }
0x170: {  	v60 =	vshll.u32 v3, $0x1  }
0x171: {  	v3 =	vand.u32 $0x7, v3;
	v4 =	vand.u32 $0xFFFFFFF0, v60  }
0x172: {  	v3 =	vor.u32 v3, v4  }
0x173: {  	v4 =	vperm.xlane v3, v0;
	_ =	sdelay $0x1  }
0x174: {  	v3 =	vperm.xlane v3, v2;
	v4 =	vadd.s32 v1, v4;
	_ =	sdelay $0x1  }
0x175: {  	v3 =	vadd.s32 v1, v3;
	_ =	sdelay $0x1  }
0x176: {  	s20 =	simm.s32 $0xE180  }
0x177: {  	[tilespmem:s20], [sflag:$0x1] =	stream.indirect_vreg.gather [hbm4b:s3+s2], $0x80, v4, vm0, $0xb8;
	[tilespmem:$0x12180] =	vst v63  }
0x178: {  	s20 =	simm.s32 $0xE980  }
0x179: {  	[tilespmem:s20], [sflag:$0x1] =	stream.indirect_vreg.gather [hbm4b:s3+s2], $0x80, v3, vm0, $0xb8;
	[tilespmem:$0x12180] =	vst v63  }
0x17a: {  	v3 =	vld [tilespmem:$0xF0];
	_ =	sdelay $0x4  }
0x17b: {  	v61 =	vshll.u32 v3, $0x1  }
0x17c: {  	v3 =	vand.u32 $0x7, v3;
	v4 =	vand.u32 $0xFFFFFFF0, v61  }
0x17d: {  	v3 =	vor.u32 v3, v4  }
0x17e: {  	v4 =	vperm.xlane v3, v0;
	_ =	sdelay $0x1  }
0x17f: {  	v3 =	vperm.xlane v3, v2;
	v4 =	vadd.s32 v1, v4;
	_ =	sdelay $0x1  }
0x180: {  	v3 =	vadd.s32 v1, v3;
	_ =	sdelay $0x1  }
0x181: {  	s20 =	simm.s32 $0xF180  }
0x182: {  	[tilespmem:s20], [sflag:$0x1] =	stream.indirect_vreg.gather [hbm4b:s3+s2], $0x80, v4, vm0, $0xb8;
	[tilespmem:$0x12180] =	vst v63  }
0x183: {  	s20 =	simm.s32 $0xF980  }
0x184: {  	[tilespmem:s20], [sflag:$0x1] =	stream.indirect_vreg.gather [hbm4b:s3+s2], $0x80, v3, vm0, $0xb8;
	[tilespmem:$0x12180] =	vst v63  }
0x185: {  	v3 =	vld [tilespmem:$0x100];
	_ =	sdelay $0x4  }
0x186: {  	v62 =	vshll.u32 v3, $0x1  }
0x187: {  	v3 =	vand.u32 $0x7, v3;
	v4 =	vand.u32 $0xFFFFFFF0, v62  }
0x188: {  	v3 =	vor.u32 v3, v4  }
0x189: {  	v4 =	vperm.xlane v3, v0;
	_ =	sdelay $0x1  }
0x18a: {  	v3 =	vperm.xlane v3, v2;
	v4 =	vadd.s32 v1, v4;
	_ =	sdelay $0x1  }
0x18b: {  	v3 =	vadd.s32 v1, v3;
	_ =	sdelay $0x1  }
0x18c: {  	s20 =	simm.s32 $0x10180  }
0x18d: {  	[tilespmem:s20], [sflag:$0x1] =	stream.indirect_vreg.gather [hbm4b:s3+s2], $0x80, v4, vm0, $0xb8;
	[tilespmem:$0x12180] =	vst v63  }
0x18e: {  	s20 =	simm.s32 $0x10980  }
0x18f: {  	[tilespmem:s20], [sflag:$0x1] =	stream.indirect_vreg.gather [hbm4b:s3+s2], $0x80, v3, vm0, $0xb8;
	[tilespmem:$0x12180] =	vst v63  }
0x190: {  	v3 =	vld [tilespmem:$0x110];
	_ =	sdelay $0x4  }
0x191: {  	v63 =	vshll.u32 v3, $0x1  }
0x192: {  	v3 =	vand.u32 $0x7, v3;
	v4 =	vand.u32 $0xFFFFFFF0, v63  }
0x193: {  	v3 =	vor.u32 v3, v4  }
0x194: {  	v4 =	vperm.xlane v3, v0;
	_ =	sdelay $0x1  }
0x195: {  	v3 =	vperm.xlane v3, v2;
	v4 =	vadd.s32 v1, v4;
	_ =	sdelay $0x1  }
0x196: {  	v3 =	vadd.s32 v1, v3;
	_ =	sdelay $0x1  }
0x197: {  	s20 =	simm.s32 $0x11180  }
0x198: {  	[tilespmem:s20], [sflag:$0x1] =	stream.indirect_vreg.gather [hbm4b:s3+s2], $0x80, v4, vm0, $0xb8;
	[tilespmem:$0x12180] =	vst v63  }
0x199: {  	s20 =	simm.s32 $0x11980  }
0x19a: {  	[tilespmem:s20], [sflag:$0x1] =	stream.indirect_vreg.gather [hbm4b:s3+s2], $0x80, v3, vm0, $0xb8;
	[tilespmem:$0x12180] =	vst v63  }
0x19b: {  	_ =	swait.ge [sflag:s19], $0x12000  }
0x19c: {  	p0 =	sne.s32 s5, $0x1;
	s21 =	simm.s32 $0x180;
	[sflag:s19] =	ssyncset.done $0x0  }
.Ltmp0:
0x19d: {  	s0 =	rddreg [dreg:$0x5];
	[sflag:s19] =	ssyncadd.s32 $0xFFFEE000;
	(pc) =	sbr.rel @p0 .LBB2_1-.Ltmp0, $4  }
0x19e: {  	[hbm4b:s0+s2] =	stream.linear.scatter [tilespmem:s21], [sflag:$0x2], $0x12000, $0x38;
	[tilespmem:$0x12180] =	vst v63  }
0x19f: {  	_ =	swait.ge [sflag:s8], $0x12000  }
0x1a0: {  	[sflag:s8] =	ssyncset.done $0x0  }
0x1a1: {  	s5 =	sadd.s32 $0xFFFFFFFF, s5;
	[sflag:s8] =	ssyncadd.s32 $0xFFFEE000  }
0x1a2: {  	_ =	sfence.sel $0x180000  }
0x1a3: {  	[bflag:$0x0] =	sbarrier.arrive $0xFFFF  }
0x1a4: {  	_ =	strace $0x9000004A  }
0x1a5: {  	s0 =	stileid.u32;
	[bflag:$0x2] =	sbarrier.arrive $0xFFFF  }
0x1a6: {  	p0 =	sne.s32 s0, $0x0;
	s0 =	rddreg [dreg:$0x2]  }
0x1a7: {  	s0 =	sadd.s32 @!p0 $0x100000, s0  }
0x1a8: {  	[sflag:s0] =	ssyncadd.tile.s32 @!p0 $0x1;
	_ =	shalt  }
.Lfunc_end2:
_tile_overlayer_lowered:
.L_overlay_start_2:
0x1a9: {  	(tag) =	ssettag $0x2  }
0x1aa: {  	s0 =	rddreg [dreg:$0x0];
	s2 =	stileid.u32  }
0x1ab: {  	s1 =	rddreg [dreg:$0x1];
	p0 =	sne.s32 s2, $0x0  }
0x1ac: {  	s3 =	rddreg [dreg:$0x2];
	[bflag:$0x3] =	sbarrier.arrive $0xFFFF;
	s2 =	simm.s32 @!p0 $0x1C02  }
0x1ad: {  	[timem:s3], [sflag:s2] =	dma.local @!p0 [hbm:s0], s1  }
0x1ae: {  	s0 =	simm.s32 @!p0 $0x2  }
0x1af: {  	_ =	swait.ge @!p0 [sflag:s0], s1  }
0x1b0: {  	s1 =	ssub.s32 @!p0 $0x0, s1;
	[sflag:s0] =	ssyncset.done @!p0 $0x0  }
0x1b1: {  	[sflag:s0] =	ssyncadd.s32 @!p0 s1  }
0x1b2: {  	[bflag:$0x3] =	sbarrier.arrive $0xFFFF  }
0x1b3: {  	_ =	shalt  }

// kernel: kernel.17.cloned.1.call-start
scs
__scs_entry_jumppad:
0x0: {  	(pc) =	sbr.rel $0x88, $3  }
0x1: {  	(tag) =	ssettag $0x0;
	lr =	simm.s32 $0x1  }
0x2: {  	[smem:$0x3F9F] =	sst lr;
	_ =	strace $0xD0000000  }
0x3: {  	_ = 	snop  }
0x4: {  	_ = 	snop  }
0x5: {  	_ = 	snop  }
0x6: {  	_ = 	snop  }
0x7: {  	_ = 	snop  }
__scs_overlays_trampoline_lowered:
0x8: {  	[smem:$0x3FAE] =	sst s0  }
0x9: {  	[smem:$0x3FAF] =	sst s1  }
0xa: {  	[smem:$0x3FB0] =	sst s2  }
0xb: {  	[smem:$0x3FB1] =	sst s3  }
0xc: {  	[smem:$0x3FB2] =	sst s4  }
0xd: {  	[smem:$0x3FB3] =	sst s5  }
0xe: {  	[smem:$0x3FB4] =	sst s6  }
0xf: {  	[smem:$0x3FB5] =	sst s7  }
0x10: {  	[smem:$0x3FB6] =	sst s8  }
0x11: {  	[smem:$0x3FB7] =	sst s9;
	s0 =	simm.s32 @!p0 $0x0  }
0x12: {  	s1 =	sld [smem:$0x3F9D];
	s0 =	simm.s32 @p0 $0x1  }
0x13: {  	[smem:$0x3FB8] =	sst s0;
	s0 =	simm.s32 @!p1 $0x0  }
0x14: {  	s2 =	sld [smem:$0x3F9C];
	s0 =	simm.s32 @p1 $0x1  }
0x15: {  	[smem:$0x3FB9] =	sst s0;
	s0 =	simm.s32 @!p2 $0x0  }
0x16: {  	s3 =	sld [smem:$0x3FDB];
	s0 =	simm.s32 @p2 $0x1  }
0x17: {  	s4 =	simm.s32 $0x1BF5;
	[smem:$0x3FBB] =	sst s0  }
0x18: {  	s0 =	sld [smem:$0x3F9E];
	_ =	swait.ge [sflag:s4], $0x0  }
0x19: {  	s7 =	sld [smem:$0x3F9F]  }
0x1a: {  	s8 =	sadd.s32 $0xFFFFE003, lr  }
0x1b: {  	s9 =	sadd.s32 $0xFFFFFEF7, lr;
	s5 =	simm.s32 $0xFFFFFFFF;
	p2 =	slt.u32 s8, $0xFFFFF086  }
0x1c: {  	p1 =	slt.u32 s9, $0xF7A;
	s5 =	simm.s32 @!p2 $0x0  }
0x1d: {  	s5 =	simm.s32 @p1 $0x1;
	p0 =	seq.s32 s7, s2  }
0x1e: {  	s7 =	smul.u32 @!p0 $0xF7A, s2;
	p2 =	seq.s32 @!p0 s5, $0x0  }
0x1f: {  	s9 =	smul.u32 $0xF7A, s1;
	s8 =	simm.s32 @!p0 $0x1BF5;
	p2 =	por !p2, p0  }
0x20: {  	[sflag:s8] =	ssyncset.s32 @!p0 $0xFFFFF086;
	s6 =	sadd.s32 @!p0 s3, s7;
	s7 =	simm.s32 @!p0 $0x108  }
0x21: {  	s3 =	sadd.s32 s3, s9;
	s6 =	sadd.s32 @!p0 $0x88, s6;
	s7 =	simm.s32 @p2 $0x1082  }
0x22: {  	[simem:s7], [sflag:s8] =	dma.local @!p0 [hbm:s6], $0xF7A  }
0x23: {  	s9 =	sor.u32 $0xD0000000, s2;
	s6 =	simm.s32 $0x108;
	_ =	swait.ge @!p0 [sflag:s8], $0x0  }
0x24: {  	s3 =	sadd.s32 $0x88, s3;
	s6 =	simm.s32 @!p1 $0x1082;
	[sflag:s4] =	ssyncset.s32 $0xFFFFF086  }
0x25: {  	[simem:s6], [sflag:s4] =	dma.local [hbm:s3], $0xF7A  }
0x26: {  	[smem:$0x3F9F] =	sst s1;
	(tag) =	ssettag s2;
	_ =	strace s9  }
0x27: {  	s1 =	sld [smem:$0x3FAF]  }
0x28: {  	s2 =	sld [smem:$0x3FB0]  }
0x29: {  	s4 =	sld [smem:$0x3FB2]  }
0x2a: {  	p0 =	seq.s32 s5, $0x0;
	s5 =	sld [smem:$0x3FB3]  }
0x2b: {  	s6 =	sld [smem:$0x3FB4]  }
0x2c: {  	s7 =	sld [smem:$0x3FB5]  }
0x2d: {  	s3 =	simm.s32 $0x108;
	s8 =	sld [smem:$0x3FB6]  }
0x2e: {  	s3 =	simm.s32 @!p0 $0x1082;
	s9 =	sld [smem:$0x3FB7]  }
0x2f: {  	lr =	sadd.s32 s0, s3;
	s0 =	sld [smem:$0x3FAE]  }
0x30: {  	s3 =	sld [smem:$0x3FB1]  }
0x31: {  	[smem:$0x3FBA] =	sst s10  }
0x32: {  	s10 =	sld [smem:$0x3FB8];
	_ =	sdelay $0x3  }
0x33: {  	p0 =	seq.s32 s10, $0x1;
	s10 =	sld [smem:$0x3FBA];
	_ =	sdelay $0x3  }
0x34: {  	[smem:$0x3FBA] =	sst s10  }
0x35: {  	s10 =	sld [smem:$0x3FB9];
	_ =	sdelay $0x3  }
0x36: {  	p1 =	seq.s32 s10, $0x1;
	s10 =	sld [smem:$0x3FBA];
	_ =	sdelay $0x3  }
0x37: {  	[smem:$0x3FBA] =	sst s10  }
0x38: {  	s10 =	sld [smem:$0x3FBB]  }
0x39: {  	_ = 	snop;
	(pc) =	sbr.ind lr, $3  }
0x3a: {  	_ = 	snop  }
0x3b: {  	_ = 	snop  }
0x3c: {  	p2 =	seq.s32 s10, $0x1;
	s10 =	sld [smem:$0x3FBA]  }
0x3d: {  	_ =	shalt  }
0x3e: {  	_ =	shalt  }
0x3f: {  	_ =	shalt  }
0x40: {  	_ =	shalt  }
0x41: {  	_ =	shalt  }
0x42: {  	_ =	shalt  }
0x43: {  	_ =	shalt  }
0x44: {  	_ =	shalt  }
0x45: {  	_ =	shalt  }
0x46: {  	_ =	shalt  }
0x47: {  	_ =	shalt  }
0x48: {  	_ =	shalt  }
0x49: {  	_ =	shalt  }
0x4a: {  	_ =	shalt  }
0x4b: {  	_ =	shalt  }
0x4c: {  	_ =	shalt  }
0x4d: {  	_ =	shalt  }
0x4e: {  	_ =	shalt  }
0x4f: {  	_ =	shalt  }
0x50: {  	_ =	shalt  }
0x51: {  	_ =	shalt  }
0x52: {  	_ =	shalt  }
0x53: {  	_ =	shalt  }
0x54: {  	_ =	shalt  }
0x55: {  	_ =	shalt  }
0x56: {  	_ =	shalt  }
0x57: {  	_ =	shalt  }
0x58: {  	_ =	shalt  }
0x59: {  	_ =	shalt  }
0x5a: {  	_ =	shalt  }
0x5b: {  	_ =	shalt  }
0x5c: {  	_ =	shalt  }
0x5d: {  	_ =	shalt  }
0x5e: {  	_ =	shalt  }
0x5f: {  	_ =	shalt  }
0x60: {  	_ =	shalt  }
0x61: {  	_ =	shalt  }
0x62: {  	_ =	shalt  }
0x63: {  	_ =	shalt  }
0x64: {  	_ =	shalt  }
0x65: {  	_ =	shalt  }
0x66: {  	_ =	shalt  }
0x67: {  	_ =	shalt  }
0x68: {  	_ =	shalt  }
0x69: {  	_ =	shalt  }
0x6a: {  	_ =	shalt  }
0x6b: {  	_ =	shalt  }
0x6c: {  	_ =	shalt  }
0x6d: {  	_ =	shalt  }
0x6e: {  	_ =	shalt  }
0x6f: {  	_ =	shalt  }
0x70: {  	_ =	shalt  }
0x71: {  	_ =	shalt  }
0x72: {  	_ =	shalt  }
0x73: {  	_ =	shalt  }
0x74: {  	_ =	shalt  }
0x75: {  	_ =	shalt  }
0x76: {  	_ =	shalt  }
0x77: {  	_ =	shalt  }
0x78: {  	_ =	shalt  }
0x79: {  	_ =	shalt  }
0x7a: {  	_ =	shalt  }
0x7b: {  	_ =	shalt  }
0x7c: {  	_ =	shalt  }
0x7d: {  	_ =	shalt  }
0x7e: {  	_ =	shalt  }
0x7f: {  	_ =	shalt  }
0x80: {  	_ =	shalt  }
0x81: {  	_ =	shalt  }
0x82: {  	_ =	shalt  }
0x83: {  	_ =	shalt  }
0x84: {  	_ =	shalt  }
0x85: {  	_ =	shalt  }
0x86: {  	_ =	shalt  }
0x87: {  	_ =	shalt  }
.Lfunc_end0:
.L_simem_size_0:
called_computation.2_lowered:
.L_overlay_start_0:
0x88: {  	s2 =	sld [smem:$0x3FD9]  }
0x89: {  	s3 =	sld [smem:$0x3FFE];
	_ =	sdelay $0x1  }
0x8a: {  	s1 =	srdreg.scid  }
0x8b: {  	s0 =	sand.u32 $0x1, s1  }
0x8c: {  	s14 =	sshll.u32 s0, $0xA;
	s2 =	sadd.s32 s3, s2  }
0x8d: {  	s2 =	sadd.s32 s2, s14  }
0x8e: {  	[smem:$0x3FC6] =	sst s2  }
0x8f: {  	_ = 	snop  }
0x90: {  	s2 =	sld [smem:$0x3FD0];
	_ =	sdelay $0x2  }
0x91: {  	s15 =	simm.s32 $0xA;
	s4 =	simm.s32 $0x10  }
0x92: {  	[smem:s4], [sflag:s15] =	dma.local [hbm:s2], $0x1  }
0x93: {  	_ =	swait.eq [sflag:s15], $0x1  }
0x94: {  	[sflag:s15] =	ssyncset.done $0x0  }
0x95: {  	[sflag:s15] =	ssyncadd.s32 $0xFFFFFFFF  }
0x96: {  	s16 =	sld [smem:$0x12];
	(tm) =	ssettm $0x1  }
0x97: {  	s17 =	sld [smem:$0x3FFB];
	_ =	sdelay $0x3  }
0x98: {  	_ =	strace s17  }
0x99: {  	s3 =	sld [smem:$0x3FFC];
	_ =	sdelay $0x3  }
0x9a: {  	_ =	strace s3  }
0x9b: {  	s3 =	sld [smem:$0x3FFD];
	_ =	sdelay $0x3  }
0x9c: {  	_ =	strace s3  }
0x9d: {  	_ =	strace $0x8FFFFFFF  }
0x9e: {  	s18 =	sld [smem:$0x3FDB];
	_ =	sdelay $0x1  }
0x9f: {  	s19 =	simm.s32 $_scs_section_size  }
0xa0: {  	s5 =	simm.s32 $_size__tile_overlayer_lowered;
	s6 =	simm.s32 $_tile_overlayer_lowered  }
0xa1: {  	s22 =	simm.s32 $0x1BFF;
	s21 =	sshll.u32 s6, $0x1;
	s3 =	sadd.s32 s19, s18  }
0xa2: {  	s7 =	simm.s32 $0x0;
	s20 =	sshll.u32 s5, $0x1;
	s5 =	sadd.s32 s21, s3  }
0xa3: {  	[timem:s7], [sflag:s22] =	dma.local [hbm:s5], s20  }
0xa4: {  	_ =	swait.ge [sflag:s22], s20  }
0xa5: {  	s4 =	ssub.s32 $0x0, s20;
	[sflag:s22] =	ssyncset.done $0x0  }
0xa6: {  	[sflag:s22] =	ssyncadd.s32 s4;
	_ =	sdelay $0x1  }
0xa7: {  	s23 =	simm.s32 $0x1B8B  }
0xa8: {  	_ =	swait.ge [sflag:s23], $0x1  }
0xa9: {  	[sflag:s23] =	ssyncset.done $0x0  }
0xaa: {  	s25 =	simm.s32 $0x1B8E;
	s24 =	sld [smem:$0x3FFE];
	[sflag:s23] =	ssyncadd.s32 $0xFFFFFFFF  }
0xab: {  	s26 =	simm.s32 $execute0_lowered;
	[smem:$0x3FD2] =	sst s25  }
0xac: {  	s5 =	sshll.u32 s26, $0x1;
	_ =	strace $0x8000004C;
	[dreg:$0x1] =	wrdreg $0xFFFFFFFF  }
0xad: {  	s28 =	simm.s32 $_size_execute0_lowered;
	s3 =	sadd.s32 s3, s5;
	[dreg:$0x0] =	wrdreg $0x0  }
0xae: {  	s5 =	sshll.u32 s28, $0x1;
	[dreg:$0x2] =	wrdreg s3  }
0xaf: {  	[dreg:$0x3] =	wrdreg s5  }
0xb0: {  	[dreg:$0x4] =	wrdreg $0xC0  }
0xb1: {  	_ =	task [dreg:s7], $0x5FFFF  }
0xb2: {  	[dreg:$0x1] =	wrdreg $0xFFFFFFFF  }
0xb3: {  	[dreg:$0x0] =	wrdreg $0x60  }
0xb4: {  	[dreg:$0x2] =	wrdreg s24  }
0xb5: {  	[dreg:$0x3] =	wrdreg s16  }
0xb6: {  	[dreg:$0x4] =	wrdreg $0x9  }
0xb7: {  	_ =	task.clear_ibuf [dreg:s7], $0x5FFFF;
	_ =	strace $0x9000004C  }
0xb8: {  	s29 =	simm.s32 $0x9;
	_ =	strace $0x8000004E  }
0xb9: {  	_ =	swait.ge [sflag:s29], $0x1  }
0xba: {  	[sflag:s29] =	ssyncadd.s32 $0xFFFFFFFF  }
0xbb: {  	_ =	strace $0x9000004E  }
0xbc: {  	_ =	sfence  }
0xbd: {  	s30 =	sld [smem:$0x0];
	_ =	sdelay $0x2  }
0xbe: {  	s31 =	sshll.u32 s1, $0xD;
	s1 =	sshrl.u32 s1, $0x2  }
0xbf: {  	s3 =	sand.u32 $0x4000, s31;
	s1 =	sadd.s32 s1, s30  }
0xc0: {  	s0 =	sor.u32 s3, s0;
	s1 =	sshll.u32 s1, $0x11  }
0xc1: {  	s0 =	sor.u32 s1, s0  }
0xc2: {  	s0 =	sadd.s32 $0x8F2B, s0  }
0xc3: {  	[sflag:s0] =	ssyncadd.remote.s32 $0x1  }
0xc4: {  	_ =	sfence.sel $0xFFFF  }
0xc5: {  	[dreg:$0x0] =	wrdreg $0xFFFFFFFF;
	(pc) =	sbr.abs _section_cstart, $3  }
0xc6: {  	[dreg:$0x1] =	wrdreg $0xFFFFFFFF  }
0xc7: {  	_ =	task.clear_ibuf [dreg:s7], $0x2FFFF;
	_ =	strace $0x9FFFFFFF  }
0xc8: {  	(tm) =	ssettm $0x7FFFFFFF  }
0xc9: {  	_ =	shalt  }
tec
execute0_lowered:
.L_overlay_start_1:
0x0: {  	(tag) =	ssettag $0x1  }
0x1: {  	s0 =	srdreg.scid  }
0x2: {  	s2 =	stileid.u32;
	s1 =	rddreg [dreg:$0x0]  }
0x3: {  	s4 =	rddreg [dreg:$0x1];
	s19 =	simm.s32 $0x1;
	s22 =	simm.s32 $0x100  }
0x4: {  	s23 =	simm.s32 $0x980;
	s28 =	simm.s32 $0x2980;
	s29 =	simm.s32 $0x3180  }
0x5: {  	s30 =	simm.s32 $0x3980;
	s31 =	simm.s32 $0x4180;
	s10 =	simm.s32 $0x6980  }
0x6: {  	s11 =	simm.s32 $0x7180;
	s12 =	simm.s32 $0x7980;
	s13 =	simm.s32 $0x8180  }
0x7: {  	s14 =	simm.s32 $0x8980;
	s0 =	sand.u32 $0x1, s0;
	s2 =	sshll.u32 s2, $0x1  }
0x8: {  	s15 =	simm.s32 $0x9180;
	s16 =	simm.s32 $0x9980;
	s3 =	sor.u32 s0, s2  }
0x9: {  	s17 =	simm.s32 $0xA180;
	s18 =	simm.s32 $0xB180;
	s5 =	smul.u32 $0x60, s3  }
0xa: {  	s2 =	simm.s32 $0x0;
	s0 =	ssub.s32 $0x2, s0;
	s6 =	smul.u32 $0x4800, s3  }
0xb: {  	[smem:$0x7FF] =	sst s2;
	s7 =	smul.u32 $0x24000, s3;
	s3 =	sadd.s32 $0x203C00, s1  }
0xc: {  	s1 =	sadd.s32 $0x94800, s1;
	s8 =	sshrl.u32 s0, $0x1;
	_ =	strace $0x8000004D  }
0xd: {  	s0 =	ssub.s32 s0, s8;
	s8 =	simm.s32 $0x2;
	s9 =	sadd.s32 s4, s5  }
0xe: {  	s24 =	sadd.s32 s1, s6;
	s25 =	sshrl.u32 s7, $0x3;
	s5 =	smax.u32 s0, $0x1  }
0xf: {  	s6 =	simm.s32 $0x5980;
	s7 =	simm.s32 $0x6180;
	[dreg:$0x3] =	wrdreg s24  }
0x10: {  	s4 =	simm.s32 $0xA980;
	[dreg:$0x6] =	wrdreg s9;
	s26 =	sadd.s32 $0x10, s9  }
0x11: {  	v2 =	vlaneseq.u32;
	s1 =	sadd.s32 s1, s25;
	s24 =	simm.s32 $0x1180;
	s25 =	simm.s32 $0x1980  }
0x12: {  	vm0 =	vmmov $0xffff;
	v1 =	vshrl.u32 v2, $0x3;
	s9 =	simm.s32 $0xB980;
	[dreg:$0x4] =	wrdreg s26;
	s1 =	sadd.s32 $0x2400, s1  }
0x13: {  	v0 =	vand.u32 $0x7, v2;
	v2 =	vor.u32 $0x8, v2;
	v1 =	vmul.u32 $0x8, v1;
	s26 =	simm.s32 $0x2180;
	[dreg:$0x5] =	wrdreg s1;
	s1 =	simm.s32 $0x4980  }
.LBB2_1:
0x14: {  	s20 =	rddreg [dreg:$0x6];
	s21 =	simm.s32 $0x80  }
0x15: {  	[tilespmem:s2], [sflag:$0x2] =	stream.strided.gather [hbm4b:s20+s21], $0x180, s22, s21, $0x38;
	[tilespmem:$0x12180] =	vst v63  }
0x16: {  	_ =	swait.ge [sflag:s8], $0x180  }
0x17: {  	[sflag:s8] =	ssyncset.done $0x0  }
0x18: {  	[sflag:s8] =	ssyncadd.s32 $0xFFFFFE80  }
0x19: {  	v3 =	vld [tilespmem:$0x0];
	_ =	sdelay $0x4  }
0x1a: {  	v4 =	vshll.u32 v3, $0x1  }
0x1b: {  	v3 =	vand.u32 $0x7, v3;
	v4 =	vand.u32 $0xFFFFFFF0, v4  }
0x1c: {  	v3 =	vor.u32 v3, v4  }
0x1d: {  	v4 =	vperm.xlane v3, v0;
	_ =	sdelay $0x1  }
0x1e: {  	v3 =	vperm.xlane v3, v2;
	v4 =	vadd.s32 v1, v4;
	_ =	sdelay $0x1  }
0x1f: {  	v3 =	vadd.s32 v1, v3;
	_ =	sdelay $0x1  }
0x20: {  	s0 =	simm.s32 $0x180  }
0x21: {  	[tilespmem:s0], [sflag:$0x1] =	stream.indirect_vreg.gather [hbm4b:s3+s2], $0x80, v4, vm0, $0xb8;
	[tilespmem:$0x12180] =	vst v63  }
0x22: {  	_ = 	snop  }
0x23: {  	[tilespmem:s23], [sflag:$0x1] =	stream.indirect_vreg.gather [hbm4b:s3+s2], $0x80, v3, vm0, $0xb8;
	[tilespmem:$0x12180] =	vst v63  }
0x24: {  	v3 =	vld [tilespmem:$0x10];
	_ =	sdelay $0x4  }
0x25: {  	v29 =	vshll.u32 v3, $0x1  }
0x26: {  	v3 =	vand.u32 $0x7, v3;
	v4 =	vand.u32 $0xFFFFFFF0, v29  }
0x27: {  	v3 =	vor.u32 v3, v4  }
0x28: {  	v4 =	vperm.xlane v3, v0;
	_ =	sdelay $0x1  }
0x29: {  	v3 =	vperm.xlane v3, v2;
	v4 =	vadd.s32 v1, v4;
	_ =	sdelay $0x1  }
0x2a: {  	v3 =	vadd.s32 v1, v3;
	_ =	sdelay $0x2  }
0x2b: {  	[tilespmem:s24], [sflag:$0x1] =	stream.indirect_vreg.gather [hbm4b:s3+s2], $0x80, v4, vm0, $0xb8;
	[tilespmem:$0x12180] =	vst v63  }
0x2c: {  	_ = 	snop  }
0x2d: {  	[tilespmem:s25], [sflag:$0x1] =	stream.indirect_vreg.gather [hbm4b:s3+s2], $0x80, v3, vm0, $0xb8;
	[tilespmem:$0x12180] =	vst v63  }
0x2e: {  	v3 =	vld [tilespmem:$0x20];
	_ =	sdelay $0x4  }
0x2f: {  	v30 =	vshll.u32 v3, $0x1  }
0x30: {  	v3 =	vand.u32 $0x7, v3;
	v4 =	vand.u32 $0xFFFFFFF0, v30  }
0x31: {  	v3 =	vor.u32 v3, v4  }
0x32: {  	v4 =	vperm.xlane v3, v0;
	_ =	sdelay $0x1  }
0x33: {  	v3 =	vperm.xlane v3, v2;
	v4 =	vadd.s32 v1, v4;
	_ =	sdelay $0x1  }
0x34: {  	v3 =	vadd.s32 v1, v3;
	_ =	sdelay $0x2  }
0x35: {  	[tilespmem:s26], [sflag:$0x1] =	stream.indirect_vreg.gather [hbm4b:s3+s2], $0x80, v4, vm0, $0xb8;
	[tilespmem:$0x12180] =	vst v63  }
0x36: {  	_ = 	snop  }
0x37: {  	[tilespmem:s28], [sflag:$0x1] =	stream.indirect_vreg.gather [hbm4b:s3+s2], $0x80, v3, vm0, $0xb8;
	[tilespmem:$0x12180] =	vst v63  }
0x38: {  	v3 =	vld [tilespmem:$0x30];
	_ =	sdelay $0x4  }
0x39: {  	v31 =	vshll.u32 v3, $0x1  }
0x3a: {  	v3 =	vand.u32 $0x7, v3;
	v4 =	vand.u32 $0xFFFFFFF0, v31  }
0x3b: {  	v3 =	vor.u32 v3, v4  }
0x3c: {  	v4 =	vperm.xlane v3, v0;
	_ =	sdelay $0x1  }
0x3d: {  	v3 =	vperm.xlane v3, v2;
	v4 =	vadd.s32 v1, v4;
	_ =	sdelay $0x1  }
0x3e: {  	v3 =	vadd.s32 v1, v3;
	_ =	sdelay $0x2  }
0x3f: {  	[tilespmem:s29], [sflag:$0x1] =	stream.indirect_vreg.gather [hbm4b:s3+s2], $0x80, v4, vm0, $0xb8;
	[tilespmem:$0x12180] =	vst v63  }
0x40: {  	_ = 	snop  }
0x41: {  	[tilespmem:s30], [sflag:$0x1] =	stream.indirect_vreg.gather [hbm4b:s3+s2], $0x80, v3, vm0, $0xb8;
	[tilespmem:$0x12180] =	vst v63  }
0x42: {  	v3 =	vld [tilespmem:$0x40];
	_ =	sdelay $0x4  }
0x43: {  	v32 =	vshll.u32 v3, $0x1  }
0x44: {  	v3 =	vand.u32 $0x7, v3;
	v4 =	vand.u32 $0xFFFFFFF0, v32  }
0x45: {  	v3 =	vor.u32 v3, v4  }
0x46: {  	v4 =	vperm.xlane v3, v0;
	_ =	sdelay $0x1  }
0x47: {  	v3 =	vperm.xlane v3, v2;
	v4 =	vadd.s32 v1, v4;
	_ =	sdelay $0x1  }
0x48: {  	v3 =	vadd.s32 v1, v3;
	_ =	sdelay $0x2  }
0x49: {  	[tilespmem:s31], [sflag:$0x1] =	stream.indirect_vreg.gather [hbm4b:s3+s2], $0x80, v4, vm0, $0xb8;
	[tilespmem:$0x12180] =	vst v63  }
0x4a: {  	_ = 	snop  }
0x4b: {  	[tilespmem:s1], [sflag:$0x1] =	stream.indirect_vreg.gather [hbm4b:s3+s2], $0x80, v3, vm0, $0xb8;
	[tilespmem:$0x12180] =	vst v63  }
0x4c: {  	v3 =	vld [tilespmem:$0x50];
	_ =	sdelay $0x4  }
0x4d: {  	v33 =	vshll.u32 v3, $0x1  }
0x4e: {  	v3 =	vand.u32 $0x7, v3;
	v4 =	vand.u32 $0xFFFFFFF0, v33  }
0x4f: {  	v3 =	vor.u32 v3, v4  }
0x50: {  	v4 =	vperm.xlane v3, v0;
	_ =	sdelay $0x1  }
0x51: {  	v3 =	vperm.xlane v3, v2;
	v4 =	vadd.s32 v1, v4;
	_ =	sdelay $0x1  }
0x52: {  	v3 =	vadd.s32 v1, v3;
	_ =	sdelay $0x1  }
0x53: {  	s20 =	simm.s32 $0x5180  }
0x54: {  	[tilespmem:s20], [sflag:$0x1] =	stream.indirect_vreg.gather [hbm4b:s3+s2], $0x80, v4, vm0, $0xb8;
	[tilespmem:$0x12180] =	vst v63  }
0x55: {  	_ = 	snop  }
0x56: {  	[tilespmem:s6], [sflag:$0x1] =	stream.indirect_vreg.gather [hbm4b:s3+s2], $0x80, v3, vm0, $0xb8;
	[tilespmem:$0x12180] =	vst v63  }
0x57: {  	v3 =	vld [tilespmem:$0x60];
	_ =	sdelay $0x4  }
0x58: {  	v34 =	vshll.u32 v3, $0x1  }
0x59: {  	v3 =	vand.u32 $0x7, v3;
	v4 =	vand.u32 $0xFFFFFFF0, v34  }
0x5a: {  	v3 =	vor.u32 v3, v4  }
0x5b: {  	v4 =	vperm.xlane v3, v0;
	_ =	sdelay $0x1  }
0x5c: {  	v3 =	vperm.xlane v3, v2;
	v4 =	vadd.s32 v1, v4;
	_ =	sdelay $0x1  }
0x5d: {  	v3 =	vadd.s32 v1, v3;
	_ =	sdelay $0x2  }
0x5e: {  	[tilespmem:s7], [sflag:$0x1] =	stream.indirect_vreg.gather [hbm4b:s3+s2], $0x80, v4, vm0, $0xb8;
	[tilespmem:$0x12180] =	vst v63  }
0x5f: {  	_ = 	snop  }
0x60: {  	[tilespmem:s10], [sflag:$0x1] =	stream.indirect_vreg.gather [hbm4b:s3+s2], $0x80, v3, vm0, $0xb8;
	[tilespmem:$0x12180] =	vst v63  }
0x61: {  	v3 =	vld [tilespmem:$0x70];
	_ =	sdelay $0x4  }
0x62: {  	v35 =	vshll.u32 v3, $0x1  }
0x63: {  	v3 =	vand.u32 $0x7, v3;
	v4 =	vand.u32 $0xFFFFFFF0, v35  }
0x64: {  	v3 =	vor.u32 v3, v4  }
0x65: {  	v4 =	vperm.xlane v3, v0;
	_ =	sdelay $0x1  }
0x66: {  	v3 =	vperm.xlane v3, v2;
	v4 =	vadd.s32 v1, v4;
	_ =	sdelay $0x1  }
0x67: {  	v3 =	vadd.s32 v1, v3;
	_ =	sdelay $0x2  }
0x68: {  	[tilespmem:s11], [sflag:$0x1] =	stream.indirect_vreg.gather [hbm4b:s3+s2], $0x80, v4, vm0, $0xb8;
	[tilespmem:$0x12180] =	vst v63  }
0x69: {  	_ = 	snop  }
0x6a: {  	[tilespmem:s12], [sflag:$0x1] =	stream.indirect_vreg.gather [hbm4b:s3+s2], $0x80, v3, vm0, $0xb8;
	[tilespmem:$0x12180] =	vst v63  }
0x6b: {  	v3 =	vld [tilespmem:$0x80];
	_ =	sdelay $0x4  }
0x6c: {  	v36 =	vshll.u32 v3, $0x1  }
0x6d: {  	v3 =	vand.u32 $0x7, v3;
	v4 =	vand.u32 $0xFFFFFFF0, v36  }
0x6e: {  	v3 =	vor.u32 v3, v4  }
0x6f: {  	v4 =	vperm.xlane v3, v0;
	_ =	sdelay $0x1  }
0x70: {  	v3 =	vperm.xlane v3, v2;
	v4 =	vadd.s32 v1, v4;
	_ =	sdelay $0x1  }
0x71: {  	v3 =	vadd.s32 v1, v3;
	_ =	sdelay $0x2  }
0x72: {  	[tilespmem:s13], [sflag:$0x1] =	stream.indirect_vreg.gather [hbm4b:s3+s2], $0x80, v4, vm0, $0xb8;
	[tilespmem:$0x12180] =	vst v63  }
0x73: {  	_ = 	snop  }
0x74: {  	[tilespmem:s14], [sflag:$0x1] =	stream.indirect_vreg.gather [hbm4b:s3+s2], $0x80, v3, vm0, $0xb8;
	[tilespmem:$0x12180] =	vst v63  }
0x75: {  	v3 =	vld [tilespmem:$0x90];
	_ =	sdelay $0x4  }
0x76: {  	v37 =	vshll.u32 v3, $0x1  }
0x77: {  	v3 =	vand.u32 $0x7, v3;
	v4 =	vand.u32 $0xFFFFFFF0, v37  }
0x78: {  	v3 =	vor.u32 v3, v4  }
0x79: {  	v4 =	vperm.xlane v3, v0;
	_ =	sdelay $0x1  }
0x7a: {  	v3 =	vperm.xlane v3, v2;
	v4 =	vadd.s32 v1, v4;
	_ =	sdelay $0x1  }
0x7b: {  	v3 =	vadd.s32 v1, v3;
	_ =	sdelay $0x2  }
0x7c: {  	[tilespmem:s15], [sflag:$0x1] =	stream.indirect_vreg.gather [hbm4b:s3+s2], $0x80, v4, vm0, $0xb8;
	[tilespmem:$0x12180] =	vst v63  }
0x7d: {  	_ = 	snop  }
0x7e: {  	[tilespmem:s16], [sflag:$0x1] =	stream.indirect_vreg.gather [hbm4b:s3+s2], $0x80, v3, vm0, $0xb8;
	[tilespmem:$0x12180] =	vst v63  }
0x7f: {  	v3 =	vld [tilespmem:$0xA0];
	_ =	sdelay $0x4  }
0x80: {  	v38 =	vshll.u32 v3, $0x1  }
0x81: {  	v3 =	vand.u32 $0x7, v3;
	v4 =	vand.u32 $0xFFFFFFF0, v38  }
0x82: {  	v3 =	vor.u32 v3, v4  }
0x83: {  	v4 =	vperm.xlane v3, v0;
	_ =	sdelay $0x1  }
0x84: {  	v3 =	vperm.xlane v3, v2;
	v4 =	vadd.s32 v1, v4;
	_ =	sdelay $0x1  }
0x85: {  	v3 =	vadd.s32 v1, v3;
	_ =	sdelay $0x2  }
0x86: {  	[tilespmem:s17], [sflag:$0x1] =	stream.indirect_vreg.gather [hbm4b:s3+s2], $0x80, v4, vm0, $0xb8;
	[tilespmem:$0x12180] =	vst v63  }
0x87: {  	_ = 	snop  }
0x88: {  	[tilespmem:s4], [sflag:$0x1] =	stream.indirect_vreg.gather [hbm4b:s3+s2], $0x80, v3, vm0, $0xb8;
	[tilespmem:$0x12180] =	vst v63  }
0x89: {  	v3 =	vld [tilespmem:$0xB0];
	_ =	sdelay $0x4  }
0x8a: {  	v39 =	vshll.u32 v3, $0x1  }
0x8b: {  	v3 =	vand.u32 $0x7, v3;
	v4 =	vand.u32 $0xFFFFFFF0, v39  }
0x8c: {  	v3 =	vor.u32 v3, v4  }
0x8d: {  	v4 =	vperm.xlane v3, v0;
	_ =	sdelay $0x1  }
0x8e: {  	v3 =	vperm.xlane v3, v2;
	v4 =	vadd.s32 v1, v4;
	_ =	sdelay $0x1  }
0x8f: {  	v3 =	vadd.s32 v1, v3;
	_ =	sdelay $0x2  }
0x90: {  	[tilespmem:s18], [sflag:$0x1] =	stream.indirect_vreg.gather [hbm4b:s3+s2], $0x80, v4, vm0, $0xb8;
	[tilespmem:$0x12180] =	vst v63  }
0x91: {  	_ = 	snop  }
0x92: {  	[tilespmem:s9], [sflag:$0x1] =	stream.indirect_vreg.gather [hbm4b:s3+s2], $0x80, v3, vm0, $0xb8;
	[tilespmem:$0x12180] =	vst v63  }
0x93: {  	v3 =	vld [tilespmem:$0xC0];
	_ =	sdelay $0x4  }
0x94: {  	v40 =	vshll.u32 v3, $0x1  }
0x95: {  	v3 =	vand.u32 $0x7, v3;
	v4 =	vand.u32 $0xFFFFFFF0, v40  }
0x96: {  	v3 =	vor.u32 v3, v4  }
0x97: {  	v4 =	vperm.xlane v3, v0;
	_ =	sdelay $0x1  }
0x98: {  	v3 =	vperm.xlane v3, v2;
	v4 =	vadd.s32 v1, v4;
	_ =	sdelay $0x1  }
0x99: {  	v3 =	vadd.s32 v1, v3;
	_ =	sdelay $0x1  }
0x9a: {  	s20 =	simm.s32 $0xC180  }
0x9b: {  	[tilespmem:s20], [sflag:$0x1] =	stream.indirect_vreg.gather [hbm4b:s3+s2], $0x80, v4, vm0, $0xb8;
	[tilespmem:$0x12180] =	vst v63  }
0x9c: {  	s20 =	simm.s32 $0xC980  }
0x9d: {  	[tilespmem:s20], [sflag:$0x1] =	stream.indirect_vreg.gather [hbm4b:s3+s2], $0x80, v3, vm0, $0xb8;
	[tilespmem:$0x12180] =	vst v63  }
0x9e: {  	v3 =	vld [tilespmem:$0xD0];
	_ =	sdelay $0x4  }
0x9f: {  	v41 =	vshll.u32 v3, $0x1  }
0xa0: {  	v3 =	vand.u32 $0x7, v3;
	v4 =	vand.u32 $0xFFFFFFF0, v41  }
0xa1: {  	v3 =	vor.u32 v3, v4  }
0xa2: {  	v4 =	vperm.xlane v3, v0;
	_ =	sdelay $0x1  }
0xa3: {  	v3 =	vperm.xlane v3, v2;
	v4 =	vadd.s32 v1, v4;
	_ =	sdelay $0x1  }
0xa4: {  	v3 =	vadd.s32 v1, v3;
	_ =	sdelay $0x1  }
0xa5: {  	s20 =	simm.s32 $0xD180  }
0xa6: {  	[tilespmem:s20], [sflag:$0x1] =	stream.indirect_vreg.gather [hbm4b:s3+s2], $0x80, v4, vm0, $0xb8;
	[tilespmem:$0x12180] =	vst v63  }
0xa7: {  	s20 =	simm.s32 $0xD980  }
0xa8: {  	[tilespmem:s20], [sflag:$0x1] =	stream.indirect_vreg.gather [hbm4b:s3+s2], $0x80, v3, vm0, $0xb8;
	[tilespmem:$0x12180] =	vst v63  }
0xa9: {  	v3 =	vld [tilespmem:$0xE0];
	_ =	sdelay $0x4  }
0xaa: {  	v42 =	vshll.u32 v3, $0x1  }
0xab: {  	v3 =	vand.u32 $0x7, v3;
	v4 =	vand.u32 $0xFFFFFFF0, v42  }
0xac: {  	v3 =	vor.u32 v3, v4  }
0xad: {  	v4 =	vperm.xlane v3, v0;
	_ =	sdelay $0x1  }
0xae: {  	v3 =	vperm.xlane v3, v2;
	v4 =	vadd.s32 v1, v4;
	_ =	sdelay $0x1  }
0xaf: {  	v3 =	vadd.s32 v1, v3;
	_ =	sdelay $0x1  }
0xb0: {  	s20 =	simm.s32 $0xE180  }
0xb1: {  	[tilespmem:s20], [sflag:$0x1] =	stream.indirect_vreg.gather [hbm4b:s3+s2], $0x80, v4, vm0, $0xb8;
	[tilespmem:$0x12180] =	vst v63  }
0xb2: {  	s20 =	simm.s32 $0xE980  }
0xb3: {  	[tilespmem:s20], [sflag:$0x1] =	stream.indirect_vreg.gather [hbm4b:s3+s2], $0x80, v3, vm0, $0xb8;
	[tilespmem:$0x12180] =	vst v63  }
0xb4: {  	v3 =	vld [tilespmem:$0xF0];
	_ =	sdelay $0x4  }
0xb5: {  	v43 =	vshll.u32 v3, $0x1  }
0xb6: {  	v3 =	vand.u32 $0x7, v3;
	v4 =	vand.u32 $0xFFFFFFF0, v43  }
0xb7: {  	v3 =	vor.u32 v3, v4  }
0xb8: {  	v4 =	vperm.xlane v3, v0;
	_ =	sdelay $0x1  }
0xb9: {  	v3 =	vperm.xlane v3, v2;
	v4 =	vadd.s32 v1, v4;
	_ =	sdelay $0x1  }
0xba: {  	v3 =	vadd.s32 v1, v3;
	_ =	sdelay $0x1  }
0xbb: {  	s20 =	simm.s32 $0xF180  }
0xbc: {  	[tilespmem:s20], [sflag:$0x1] =	stream.indirect_vreg.gather [hbm4b:s3+s2], $0x80, v4, vm0, $0xb8;
	[tilespmem:$0x12180] =	vst v63  }
0xbd: {  	s20 =	simm.s32 $0xF980  }
0xbe: {  	[tilespmem:s20], [sflag:$0x1] =	stream.indirect_vreg.gather [hbm4b:s3+s2], $0x80, v3, vm0, $0xb8;
	[tilespmem:$0x12180] =	vst v63  }
0xbf: {  	v3 =	vld [tilespmem:$0x100];
	_ =	sdelay $0x4  }
0xc0: {  	v44 =	vshll.u32 v3, $0x1  }
0xc1: {  	v3 =	vand.u32 $0x7, v3;
	v4 =	vand.u32 $0xFFFFFFF0, v44  }
0xc2: {  	v3 =	vor.u32 v3, v4  }
0xc3: {  	v4 =	vperm.xlane v3, v0;
	_ =	sdelay $0x1  }
0xc4: {  	v3 =	vperm.xlane v3, v2;
	v4 =	vadd.s32 v1, v4;
	_ =	sdelay $0x1  }
0xc5: {  	v3 =	vadd.s32 v1, v3;
	_ =	sdelay $0x1  }
0xc6: {  	s20 =	simm.s32 $0x10180  }
0xc7: {  	[tilespmem:s20], [sflag:$0x1] =	stream.indirect_vreg.gather [hbm4b:s3+s2], $0x80, v4, vm0, $0xb8;
	[tilespmem:$0x12180] =	vst v63  }
0xc8: {  	s20 =	simm.s32 $0x10980  }
0xc9: {  	[tilespmem:s20], [sflag:$0x1] =	stream.indirect_vreg.gather [hbm4b:s3+s2], $0x80, v3, vm0, $0xb8;
	[tilespmem:$0x12180] =	vst v63  }
0xca: {  	v3 =	vld [tilespmem:$0x110];
	_ =	sdelay $0x4  }
0xcb: {  	v45 =	vshll.u32 v3, $0x1  }
0xcc: {  	v3 =	vand.u32 $0x7, v3;
	v4 =	vand.u32 $0xFFFFFFF0, v45  }
0xcd: {  	v3 =	vor.u32 v3, v4  }
0xce: {  	v4 =	vperm.xlane v3, v0;
	_ =	sdelay $0x1  }
0xcf: {  	v3 =	vperm.xlane v3, v2;
	v4 =	vadd.s32 v1, v4;
	_ =	sdelay $0x1  }
0xd0: {  	v3 =	vadd.s32 v1, v3;
	_ =	sdelay $0x1  }
0xd1: {  	s20 =	simm.s32 $0x11180  }
0xd2: {  	[tilespmem:s20], [sflag:$0x1] =	stream.indirect_vreg.gather [hbm4b:s3+s2], $0x80, v4, vm0, $0xb8;
	[tilespmem:$0x12180] =	vst v63  }
0xd3: {  	s20 =	simm.s32 $0x11980  }
0xd4: {  	[tilespmem:s20], [sflag:$0x1] =	stream.indirect_vreg.gather [hbm4b:s3+s2], $0x80, v3, vm0, $0xb8;
	[tilespmem:$0x12180] =	vst v63  }
0xd5: {  	_ =	swait.ge [sflag:s19], $0x12000  }
0xd6: {  	[sflag:s19] =	ssyncset.done $0x0  }
0xd7: {  	s0 =	simm.s32 $0x180;
	s20 =	rddreg [dreg:$0x3];
	[sflag:s19] =	ssyncadd.s32 $0xFFFEE000  }
0xd8: {  	[hbm4b:s20+s2] =	stream.linear.scatter [tilespmem:s0], [sflag:$0x2], $0x12000, $0x38;
	[tilespmem:$0x12180] =	vst v63  }
0xd9: {  	_ =	swait.ge [sflag:s8], $0x12000  }
0xda: {  	[sflag:s8] =	ssyncset.done $0x0  }
0xdb: {  	s20 =	rddreg [dreg:$0x4];
	[sflag:s8] =	ssyncadd.s32 $0xFFFEE000  }
0xdc: {  	[tilespmem:s2], [sflag:$0x2] =	stream.strided.gather [hbm4b:s20+s21], $0x180, s22, s21, $0x38;
	[tilespmem:$0x12180] =	vst v63  }
0xdd: {  	_ =	swait.ge [sflag:s8], $0x180  }
0xde: {  	[sflag:s8] =	ssyncset.done $0x0  }
0xdf: {  	[sflag:s8] =	ssyncadd.s32 $0xFFFFFE80  }
0xe0: {  	v3 =	vld [tilespmem:$0x0];
	_ =	sdelay $0x4  }
0xe1: {  	v46 =	vshll.u32 v3, $0x1  }
0xe2: {  	v3 =	vand.u32 $0x7, v3;
	v4 =	vand.u32 $0xFFFFFFF0, v46  }
0xe3: {  	v3 =	vor.u32 v3, v4  }
0xe4: {  	v4 =	vperm.xlane v3, v0;
	_ =	sdelay $0x1  }
0xe5: {  	v3 =	vperm.xlane v3, v2;
	v4 =	vadd.s32 v1, v4;
	_ =	sdelay $0x1  }
0xe6: {  	v3 =	vadd.s32 v1, v3;
	_ =	sdelay $0x2  }
0xe7: {  	[tilespmem:s0], [sflag:$0x1] =	stream.indirect_vreg.gather [hbm4b:s3+s2], $0x80, v4, vm0, $0xb8;
	[tilespmem:$0x12180] =	vst v63  }
0xe8: {  	_ = 	snop  }
0xe9: {  	[tilespmem:s23], [sflag:$0x1] =	stream.indirect_vreg.gather [hbm4b:s3+s2], $0x80, v3, vm0, $0xb8;
	[tilespmem:$0x12180] =	vst v63  }
0xea: {  	v3 =	vld [tilespmem:$0x10];
	_ =	sdelay $0x4  }
0xeb: {  	v47 =	vshll.u32 v3, $0x1  }
0xec: {  	v3 =	vand.u32 $0x7, v3;
	v4 =	vand.u32 $0xFFFFFFF0, v47  }
0xed: {  	v3 =	vor.u32 v3, v4  }
0xee: {  	v4 =	vperm.xlane v3, v0;
	_ =	sdelay $0x1  }
0xef: {  	v3 =	vperm.xlane v3, v2;
	v4 =	vadd.s32 v1, v4;
	_ =	sdelay $0x1  }
0xf0: {  	v3 =	vadd.s32 v1, v3;
	_ =	sdelay $0x2  }
0xf1: {  	[tilespmem:s24], [sflag:$0x1] =	stream.indirect_vreg.gather [hbm4b:s3+s2], $0x80, v4, vm0, $0xb8;
	[tilespmem:$0x12180] =	vst v63  }
0xf2: {  	_ = 	snop  }
0xf3: {  	[tilespmem:s25], [sflag:$0x1] =	stream.indirect_vreg.gather [hbm4b:s3+s2], $0x80, v3, vm0, $0xb8;
	[tilespmem:$0x12180] =	vst v63  }
0xf4: {  	v3 =	vld [tilespmem:$0x20];
	_ =	sdelay $0x4  }
0xf5: {  	v48 =	vshll.u32 v3, $0x1  }
0xf6: {  	v3 =	vand.u32 $0x7, v3;
	v4 =	vand.u32 $0xFFFFFFF0, v48  }
0xf7: {  	v3 =	vor.u32 v3, v4  }
0xf8: {  	v4 =	vperm.xlane v3, v0;
	_ =	sdelay $0x1  }
0xf9: {  	v3 =	vperm.xlane v3, v2;
	v4 =	vadd.s32 v1, v4;
	_ =	sdelay $0x1  }
0xfa: {  	v3 =	vadd.s32 v1, v3;
	_ =	sdelay $0x2  }
0xfb: {  	[tilespmem:s26], [sflag:$0x1] =	stream.indirect_vreg.gather [hbm4b:s3+s2], $0x80, v4, vm0, $0xb8;
	[tilespmem:$0x12180] =	vst v63  }
0xfc: {  	_ = 	snop  }
0xfd: {  	[tilespmem:s28], [sflag:$0x1] =	stream.indirect_vreg.gather [hbm4b:s3+s2], $0x80, v3, vm0, $0xb8;
	[tilespmem:$0x12180] =	vst v63  }
0xfe: {  	v3 =	vld [tilespmem:$0x30];
	_ =	sdelay $0x4  }
0xff: {  	v49 =	vshll.u32 v3, $0x1  }
0x100: {  	v3 =	vand.u32 $0x7, v3;
	v4 =	vand.u32 $0xFFFFFFF0, v49  }
0x101: {  	v3 =	vor.u32 v3, v4  }
0x102: {  	v4 =	vperm.xlane v3, v0;
	_ =	sdelay $0x1  }
0x103: {  	v3 =	vperm.xlane v3, v2;
	v4 =	vadd.s32 v1, v4;
	_ =	sdelay $0x1  }
0x104: {  	v3 =	vadd.s32 v1, v3;
	_ =	sdelay $0x2  }
0x105: {  	[tilespmem:s29], [sflag:$0x1] =	stream.indirect_vreg.gather [hbm4b:s3+s2], $0x80, v4, vm0, $0xb8;
	[tilespmem:$0x12180] =	vst v63  }
0x106: {  	_ = 	snop  }
0x107: {  	[tilespmem:s30], [sflag:$0x1] =	stream.indirect_vreg.gather [hbm4b:s3+s2], $0x80, v3, vm0, $0xb8;
	[tilespmem:$0x12180] =	vst v63  }
0x108: {  	v3 =	vld [tilespmem:$0x40];
	_ =	sdelay $0x4  }
0x109: {  	v50 =	vshll.u32 v3, $0x1  }
0x10a: {  	v3 =	vand.u32 $0x7, v3;
	v4 =	vand.u32 $0xFFFFFFF0, v50  }
0x10b: {  	v3 =	vor.u32 v3, v4  }
0x10c: {  	v4 =	vperm.xlane v3, v0;
	_ =	sdelay $0x1  }
0x10d: {  	v3 =	vperm.xlane v3, v2;
	v4 =	vadd.s32 v1, v4;
	_ =	sdelay $0x1  }
0x10e: {  	v3 =	vadd.s32 v1, v3;
	_ =	sdelay $0x2  }
0x10f: {  	[tilespmem:s31], [sflag:$0x1] =	stream.indirect_vreg.gather [hbm4b:s3+s2], $0x80, v4, vm0, $0xb8;
	[tilespmem:$0x12180] =	vst v63  }
0x110: {  	_ = 	snop  }
0x111: {  	[tilespmem:s1], [sflag:$0x1] =	stream.indirect_vreg.gather [hbm4b:s3+s2], $0x80, v3, vm0, $0xb8;
	[tilespmem:$0x12180] =	vst v63  }
0x112: {  	v3 =	vld [tilespmem:$0x50];
	_ =	sdelay $0x4  }
0x113: {  	v51 =	vshll.u32 v3, $0x1  }
0x114: {  	v3 =	vand.u32 $0x7, v3;
	v4 =	vand.u32 $0xFFFFFFF0, v51  }
0x115: {  	v3 =	vor.u32 v3, v4  }
0x116: {  	v4 =	vperm.xlane v3, v0;
	_ =	sdelay $0x1  }
0x117: {  	v3 =	vperm.xlane v3, v2;
	v4 =	vadd.s32 v1, v4;
	_ =	sdelay $0x1  }
0x118: {  	v3 =	vadd.s32 v1, v3;
	_ =	sdelay $0x1  }
0x119: {  	s20 =	simm.s32 $0x5180  }
0x11a: {  	[tilespmem:s20], [sflag:$0x1] =	stream.indirect_vreg.gather [hbm4b:s3+s2], $0x80, v4, vm0, $0xb8;
	[tilespmem:$0x12180] =	vst v63  }
0x11b: {  	_ = 	snop  }
0x11c: {  	[tilespmem:s6], [sflag:$0x1] =	stream.indirect_vreg.gather [hbm4b:s3+s2], $0x80, v3, vm0, $0xb8;
	[tilespmem:$0x12180] =	vst v63  }
0x11d: {  	v3 =	vld [tilespmem:$0x60];
	_ =	sdelay $0x4  }
0x11e: {  	v52 =	vshll.u32 v3, $0x1  }
0x11f: {  	v3 =	vand.u32 $0x7, v3;
	v4 =	vand.u32 $0xFFFFFFF0, v52  }
0x120: {  	v3 =	vor.u32 v3, v4  }
0x121: {  	v4 =	vperm.xlane v3, v0;
	_ =	sdelay $0x1  }
0x122: {  	v3 =	vperm.xlane v3, v2;
	v4 =	vadd.s32 v1, v4;
	_ =	sdelay $0x1  }
0x123: {  	v3 =	vadd.s32 v1, v3;
	_ =	sdelay $0x2  }
0x124: {  	[tilespmem:s7], [sflag:$0x1] =	stream.indirect_vreg.gather [hbm4b:s3+s2], $0x80, v4, vm0, $0xb8;
	[tilespmem:$0x12180] =	vst v63  }
0x125: {  	_ = 	snop  }
0x126: {  	[tilespmem:s10], [sflag:$0x1] =	stream.indirect_vreg.gather [hbm4b:s3+s2], $0x80, v3, vm0, $0xb8;
	[tilespmem:$0x12180] =	vst v63  }
0x127: {  	v3 =	vld [tilespmem:$0x70];
	_ =	sdelay $0x4  }
0x128: {  	v53 =	vshll.u32 v3, $0x1  }
0x129: {  	v3 =	vand.u32 $0x7, v3;
	v4 =	vand.u32 $0xFFFFFFF0, v53  }
0x12a: {  	v3 =	vor.u32 v3, v4  }
0x12b: {  	v4 =	vperm.xlane v3, v0;
	_ =	sdelay $0x1  }
0x12c: {  	v3 =	vperm.xlane v3, v2;
	v4 =	vadd.s32 v1, v4;
	_ =	sdelay $0x1  }
0x12d: {  	v3 =	vadd.s32 v1, v3;
	_ =	sdelay $0x2  }
0x12e: {  	[tilespmem:s11], [sflag:$0x1] =	stream.indirect_vreg.gather [hbm4b:s3+s2], $0x80, v4, vm0, $0xb8;
	[tilespmem:$0x12180] =	vst v63  }
0x12f: {  	_ = 	snop  }
0x130: {  	[tilespmem:s12], [sflag:$0x1] =	stream.indirect_vreg.gather [hbm4b:s3+s2], $0x80, v3, vm0, $0xb8;
	[tilespmem:$0x12180] =	vst v63  }
0x131: {  	v3 =	vld [tilespmem:$0x80];
	_ =	sdelay $0x4  }
0x132: {  	v54 =	vshll.u32 v3, $0x1  }
0x133: {  	v3 =	vand.u32 $0x7, v3;
	v4 =	vand.u32 $0xFFFFFFF0, v54  }
0x134: {  	v3 =	vor.u32 v3, v4  }
0x135: {  	v4 =	vperm.xlane v3, v0;
	_ =	sdelay $0x1  }
0x136: {  	v3 =	vperm.xlane v3, v2;
	v4 =	vadd.s32 v1, v4;
	_ =	sdelay $0x1  }
0x137: {  	v3 =	vadd.s32 v1, v3;
	_ =	sdelay $0x2  }
0x138: {  	[tilespmem:s13], [sflag:$0x1] =	stream.indirect_vreg.gather [hbm4b:s3+s2], $0x80, v4, vm0, $0xb8;
	[tilespmem:$0x12180] =	vst v63  }
0x139: {  	_ = 	snop  }
0x13a: {  	[tilespmem:s14], [sflag:$0x1] =	stream.indirect_vreg.gather [hbm4b:s3+s2], $0x80, v3, vm0, $0xb8;
	[tilespmem:$0x12180] =	vst v63  }
0x13b: {  	v3 =	vld [tilespmem:$0x90];
	_ =	sdelay $0x4  }
0x13c: {  	v55 =	vshll.u32 v3, $0x1  }
0x13d: {  	v3 =	vand.u32 $0x7, v3;
	v4 =	vand.u32 $0xFFFFFFF0, v55  }
0x13e: {  	v3 =	vor.u32 v3, v4  }
0x13f: {  	v4 =	vperm.xlane v3, v0;
	_ =	sdelay $0x1  }
0x140: {  	v3 =	vperm.xlane v3, v2;
	v4 =	vadd.s32 v1, v4;
	_ =	sdelay $0x1  }
0x141: {  	v3 =	vadd.s32 v1, v3;
	_ =	sdelay $0x2  }
0x142: {  	[tilespmem:s15], [sflag:$0x1] =	stream.indirect_vreg.gather [hbm4b:s3+s2], $0x80, v4, vm0, $0xb8;
	[tilespmem:$0x12180] =	vst v63  }
0x143: {  	_ = 	snop  }
0x144: {  	[tilespmem:s16], [sflag:$0x1] =	stream.indirect_vreg.gather [hbm4b:s3+s2], $0x80, v3, vm0, $0xb8;
	[tilespmem:$0x12180] =	vst v63  }
0x145: {  	v3 =	vld [tilespmem:$0xA0];
	_ =	sdelay $0x4  }
0x146: {  	v56 =	vshll.u32 v3, $0x1  }
0x147: {  	v3 =	vand.u32 $0x7, v3;
	v4 =	vand.u32 $0xFFFFFFF0, v56  }
0x148: {  	v3 =	vor.u32 v3, v4  }
0x149: {  	v4 =	vperm.xlane v3, v0;
	_ =	sdelay $0x1  }
0x14a: {  	v3 =	vperm.xlane v3, v2;
	v4 =	vadd.s32 v1, v4;
	_ =	sdelay $0x1  }
0x14b: {  	v3 =	vadd.s32 v1, v3;
	_ =	sdelay $0x2  }
0x14c: {  	[tilespmem:s17], [sflag:$0x1] =	stream.indirect_vreg.gather [hbm4b:s3+s2], $0x80, v4, vm0, $0xb8;
	[tilespmem:$0x12180] =	vst v63  }
0x14d: {  	_ = 	snop  }
0x14e: {  	[tilespmem:s4], [sflag:$0x1] =	stream.indirect_vreg.gather [hbm4b:s3+s2], $0x80, v3, vm0, $0xb8;
	[tilespmem:$0x12180] =	vst v63  }
0x14f: {  	v3 =	vld [tilespmem:$0xB0];
	_ =	sdelay $0x4  }
0x150: {  	v57 =	vshll.u32 v3, $0x1  }
0x151: {  	v3 =	vand.u32 $0x7, v3;
	v4 =	vand.u32 $0xFFFFFFF0, v57  }
0x152: {  	v3 =	vor.u32 v3, v4  }
0x153: {  	v4 =	vperm.xlane v3, v0;
	_ =	sdelay $0x1  }
0x154: {  	v3 =	vperm.xlane v3, v2;
	v4 =	vadd.s32 v1, v4;
	_ =	sdelay $0x1  }
0x155: {  	v3 =	vadd.s32 v1, v3;
	_ =	sdelay $0x2  }
0x156: {  	[tilespmem:s18], [sflag:$0x1] =	stream.indirect_vreg.gather [hbm4b:s3+s2], $0x80, v4, vm0, $0xb8;
	[tilespmem:$0x12180] =	vst v63  }
0x157: {  	_ = 	snop  }
0x158: {  	[tilespmem:s9], [sflag:$0x1] =	stream.indirect_vreg.gather [hbm4b:s3+s2], $0x80, v3, vm0, $0xb8;
	[tilespmem:$0x12180] =	vst v63  }
0x159: {  	v3 =	vld [tilespmem:$0xC0];
	_ =	sdelay $0x4  }
0x15a: {  	v58 =	vshll.u32 v3, $0x1  }
0x15b: {  	v3 =	vand.u32 $0x7, v3;
	v4 =	vand.u32 $0xFFFFFFF0, v58  }
0x15c: {  	v3 =	vor.u32 v3, v4  }
0x15d: {  	v4 =	vperm.xlane v3, v0;
	_ =	sdelay $0x1  }
0x15e: {  	v3 =	vperm.xlane v3, v2;
	v4 =	vadd.s32 v1, v4;
	_ =	sdelay $0x1  }
0x15f: {  	v3 =	vadd.s32 v1, v3;
	_ =	sdelay $0x1  }
0x160: {  	s20 =	simm.s32 $0xC180  }
0x161: {  	[tilespmem:s20], [sflag:$0x1] =	stream.indirect_vreg.gather [hbm4b:s3+s2], $0x80, v4, vm0, $0xb8;
	[tilespmem:$0x12180] =	vst v63  }
0x162: {  	s20 =	simm.s32 $0xC980  }
0x163: {  	[tilespmem:s20], [sflag:$0x1] =	stream.indirect_vreg.gather [hbm4b:s3+s2], $0x80, v3, vm0, $0xb8;
	[tilespmem:$0x12180] =	vst v63  }
0x164: {  	v3 =	vld [tilespmem:$0xD0];
	_ =	sdelay $0x4  }
0x165: {  	v59 =	vshll.u32 v3, $0x1  }
0x166: {  	v3 =	vand.u32 $0x7, v3;
	v4 =	vand.u32 $0xFFFFFFF0, v59  }
0x167: {  	v3 =	vor.u32 v3, v4  }
0x168: {  	v4 =	vperm.xlane v3, v0;
	_ =	sdelay $0x1  }
0x169: {  	v3 =	vperm.xlane v3, v2;
	v4 =	vadd.s32 v1, v4;
	_ =	sdelay $0x1  }
0x16a: {  	v3 =	vadd.s32 v1, v3;
	_ =	sdelay $0x1  }
0x16b: {  	s20 =	simm.s32 $0xD180  }
0x16c: {  	[tilespmem:s20], [sflag:$0x1] =	stream.indirect_vreg.gather [hbm4b:s3+s2], $0x80, v4, vm0, $0xb8;
	[tilespmem:$0x12180] =	vst v63  }
0x16d: {  	s20 =	simm.s32 $0xD980  }
0x16e: {  	[tilespmem:s20], [sflag:$0x1] =	stream.indirect_vreg.gather [hbm4b:s3+s2], $0x80, v3, vm0, $0xb8;
	[tilespmem:$0x12180] =	vst v63  }
0x16f: {  	v3 =	vld [tilespmem:$0xE0];
	_ =	sdelay $0x4  }
0x170: {  	v60 =	vshll.u32 v3, $0x1  }
0x171: {  	v3 =	vand.u32 $0x7, v3;
	v4 =	vand.u32 $0xFFFFFFF0, v60  }
0x172: {  	v3 =	vor.u32 v3, v4  }
0x173: {  	v4 =	vperm.xlane v3, v0;
	_ =	sdelay $0x1  }
0x174: {  	v3 =	vperm.xlane v3, v2;
	v4 =	vadd.s32 v1, v4;
	_ =	sdelay $0x1  }
0x175: {  	v3 =	vadd.s32 v1, v3;
	_ =	sdelay $0x1  }
0x176: {  	s20 =	simm.s32 $0xE180  }
0x177: {  	[tilespmem:s20], [sflag:$0x1] =	stream.indirect_vreg.gather [hbm4b:s3+s2], $0x80, v4, vm0, $0xb8;
	[tilespmem:$0x12180] =	vst v63  }
0x178: {  	s20 =	simm.s32 $0xE980  }
0x179: {  	[tilespmem:s20], [sflag:$0x1] =	stream.indirect_vreg.gather [hbm4b:s3+s2], $0x80, v3, vm0, $0xb8;
	[tilespmem:$0x12180] =	vst v63  }
0x17a: {  	v3 =	vld [tilespmem:$0xF0];
	_ =	sdelay $0x4  }
0x17b: {  	v61 =	vshll.u32 v3, $0x1  }
0x17c: {  	v3 =	vand.u32 $0x7, v3;
	v4 =	vand.u32 $0xFFFFFFF0, v61  }
0x17d: {  	v3 =	vor.u32 v3, v4  }
0x17e: {  	v4 =	vperm.xlane v3, v0;
	_ =	sdelay $0x1  }
0x17f: {  	v3 =	vperm.xlane v3, v2;
	v4 =	vadd.s32 v1, v4;
	_ =	sdelay $0x1  }
0x180: {  	v3 =	vadd.s32 v1, v3;
	_ =	sdelay $0x1  }
0x181: {  	s20 =	simm.s32 $0xF180  }
0x182: {  	[tilespmem:s20], [sflag:$0x1] =	stream.indirect_vreg.gather [hbm4b:s3+s2], $0x80, v4, vm0, $0xb8;
	[tilespmem:$0x12180] =	vst v63  }
0x183: {  	s20 =	simm.s32 $0xF980  }
0x184: {  	[tilespmem:s20], [sflag:$0x1] =	stream.indirect_vreg.gather [hbm4b:s3+s2], $0x80, v3, vm0, $0xb8;
	[tilespmem:$0x12180] =	vst v63  }
0x185: {  	v3 =	vld [tilespmem:$0x100];
	_ =	sdelay $0x4  }
0x186: {  	v62 =	vshll.u32 v3, $0x1  }
0x187: {  	v3 =	vand.u32 $0x7, v3;
	v4 =	vand.u32 $0xFFFFFFF0, v62  }
0x188: {  	v3 =	vor.u32 v3, v4  }
0x189: {  	v4 =	vperm.xlane v3, v0;
	_ =	sdelay $0x1  }
0x18a: {  	v3 =	vperm.xlane v3, v2;
	v4 =	vadd.s32 v1, v4;
	_ =	sdelay $0x1  }
0x18b: {  	v3 =	vadd.s32 v1, v3;
	_ =	sdelay $0x1  }
0x18c: {  	s20 =	simm.s32 $0x10180  }
0x18d: {  	[tilespmem:s20], [sflag:$0x1] =	stream.indirect_vreg.gather [hbm4b:s3+s2], $0x80, v4, vm0, $0xb8;
	[tilespmem:$0x12180] =	vst v63  }
0x18e: {  	s20 =	simm.s32 $0x10980  }
0x18f: {  	[tilespmem:s20], [sflag:$0x1] =	stream.indirect_vreg.gather [hbm4b:s3+s2], $0x80, v3, vm0, $0xb8;
	[tilespmem:$0x12180] =	vst v63  }
0x190: {  	v3 =	vld [tilespmem:$0x110];
	_ =	sdelay $0x4  }
0x191: {  	v63 =	vshll.u32 v3, $0x1  }
0x192: {  	v3 =	vand.u32 $0x7, v3;
	v4 =	vand.u32 $0xFFFFFFF0, v63  }
0x193: {  	v3 =	vor.u32 v3, v4  }
0x194: {  	v4 =	vperm.xlane v3, v0;
	_ =	sdelay $0x1  }
0x195: {  	v3 =	vperm.xlane v3, v2;
	v4 =	vadd.s32 v1, v4;
	_ =	sdelay $0x1  }
0x196: {  	v3 =	vadd.s32 v1, v3;
	_ =	sdelay $0x1  }
0x197: {  	s20 =	simm.s32 $0x11180  }
0x198: {  	[tilespmem:s20], [sflag:$0x1] =	stream.indirect_vreg.gather [hbm4b:s3+s2], $0x80, v4, vm0, $0xb8;
	[tilespmem:$0x12180] =	vst v63  }
0x199: {  	s20 =	simm.s32 $0x11980  }
0x19a: {  	[tilespmem:s20], [sflag:$0x1] =	stream.indirect_vreg.gather [hbm4b:s3+s2], $0x80, v3, vm0, $0xb8;
	[tilespmem:$0x12180] =	vst v63  }
0x19b: {  	_ =	swait.ge [sflag:s19], $0x12000  }
0x19c: {  	p0 =	sne.s32 s5, $0x1;
	s21 =	simm.s32 $0x180;
	[sflag:s19] =	ssyncset.done $0x0  }
.Ltmp0:
0x19d: {  	s0 =	rddreg [dreg:$0x5];
	[sflag:s19] =	ssyncadd.s32 $0xFFFEE000;
	(pc) =	sbr.rel @p0 .LBB2_1-.Ltmp0, $4  }
0x19e: {  	[hbm4b:s0+s2] =	stream.linear.scatter [tilespmem:s21], [sflag:$0x2], $0x12000, $0x38;
	[tilespmem:$0x12180] =	vst v63  }
0x19f: {  	_ =	swait.ge [sflag:s8], $0x12000  }
0x1a0: {  	[sflag:s8] =	ssyncset.done $0x0  }
0x1a1: {  	s5 =	sadd.s32 $0xFFFFFFFF, s5;
	[sflag:s8] =	ssyncadd.s32 $0xFFFEE000  }
0x1a2: {  	_ =	sfence.sel $0x180000  }
0x1a3: {  	[bflag:$0x0] =	sbarrier.arrive $0xFFFF  }
0x1a4: {  	_ =	strace $0x9000004D  }
0x1a5: {  	s0 =	stileid.u32;
	[bflag:$0x2] =	sbarrier.arrive $0xFFFF  }
0x1a6: {  	p0 =	sne.s32 s0, $0x0;
	s0 =	rddreg [dreg:$0x2]  }
0x1a7: {  	s0 =	sadd.s32 @!p0 $0x100000, s0  }
0x1a8: {  	[sflag:s0] =	ssyncadd.tile.s32 @!p0 $0x1;
	_ =	shalt  }
.Lfunc_end2:
_tile_overlayer_lowered:
.L_overlay_start_2:
0x1a9: {  	(tag) =	ssettag $0x2  }
0x1aa: {  	s0 =	rddreg [dreg:$0x0];
	s2 =	stileid.u32  }
0x1ab: {  	s1 =	rddreg [dreg:$0x1];
	p0 =	sne.s32 s2, $0x0  }
0x1ac: {  	s3 =	rddreg [dreg:$0x2];
	[bflag:$0x3] =	sbarrier.arrive $0xFFFF;
	s2 =	simm.s32 @!p0 $0x1C02  }
0x1ad: {  	[timem:s3], [sflag:s2] =	dma.local @!p0 [hbm:s0], s1  }
0x1ae: {  	s0 =	simm.s32 @!p0 $0x2  }
0x1af: {  	_ =	swait.ge @!p0 [sflag:s0], s1  }
0x1b0: {  	s1 =	ssub.s32 @!p0 $0x0, s1;
	[sflag:s0] =	ssyncset.done @!p0 $0x0  }
0x1b1: {  	[sflag:s0] =	ssyncadd.s32 @!p0 s1  }
0x1b2: {  	[bflag:$0x3] =	sbarrier.arrive $0xFFFF  }
0x1b3: {  	_ =	shalt  }

// kernel: kernel.20.cloned.1.call-start
scs
__scs_entry_jumppad:
0x0: {  	(pc) =	sbr.rel $0x88, $3  }
0x1: {  	(tag) =	ssettag $0x0;
	lr =	simm.s32 $0x1  }
0x2: {  	[smem:$0x3F9F] =	sst lr;
	_ =	strace $0xD0000000  }
0x3: {  	_ = 	snop  }
0x4: {  	_ = 	snop  }
0x5: {  	_ = 	snop  }
0x6: {  	_ = 	snop  }
0x7: {  	_ = 	snop  }
__scs_overlays_trampoline_lowered:
0x8: {  	[smem:$0x3FAE] =	sst s0  }
0x9: {  	[smem:$0x3FAF] =	sst s1  }
0xa: {  	[smem:$0x3FB0] =	sst s2  }
0xb: {  	[smem:$0x3FB1] =	sst s3  }
0xc: {  	[smem:$0x3FB2] =	sst s4  }
0xd: {  	[smem:$0x3FB3] =	sst s5  }
0xe: {  	[smem:$0x3FB4] =	sst s6  }
0xf: {  	[smem:$0x3FB5] =	sst s7  }
0x10: {  	[smem:$0x3FB6] =	sst s8  }
0x11: {  	[smem:$0x3FB7] =	sst s9;
	s0 =	simm.s32 @!p0 $0x0  }
0x12: {  	s1 =	sld [smem:$0x3F9D];
	s0 =	simm.s32 @p0 $0x1  }
0x13: {  	[smem:$0x3FB8] =	sst s0;
	s0 =	simm.s32 @!p1 $0x0  }
0x14: {  	s2 =	sld [smem:$0x3F9C];
	s0 =	simm.s32 @p1 $0x1  }
0x15: {  	[smem:$0x3FB9] =	sst s0;
	s0 =	simm.s32 @!p2 $0x0  }
0x16: {  	s3 =	sld [smem:$0x3FDB];
	s0 =	simm.s32 @p2 $0x1  }
0x17: {  	s4 =	simm.s32 $0x1BF5;
	[smem:$0x3FBB] =	sst s0  }
0x18: {  	s0 =	sld [smem:$0x3F9E];
	_ =	swait.ge [sflag:s4], $0x0  }
0x19: {  	s7 =	sld [smem:$0x3F9F]  }
0x1a: {  	s8 =	sadd.s32 $0xFFFFE003, lr  }
0x1b: {  	s9 =	sadd.s32 $0xFFFFFEF7, lr;
	s5 =	simm.s32 $0xFFFFFFFF;
	p2 =	slt.u32 s8, $0xFFFFF086  }
0x1c: {  	p1 =	slt.u32 s9, $0xF7A;
	s5 =	simm.s32 @!p2 $0x0  }
0x1d: {  	s5 =	simm.s32 @p1 $0x1;
	p0 =	seq.s32 s7, s2  }
0x1e: {  	s7 =	smul.u32 @!p0 $0xF7A, s2;
	p2 =	seq.s32 @!p0 s5, $0x0  }
0x1f: {  	s9 =	smul.u32 $0xF7A, s1;
	s8 =	simm.s32 @!p0 $0x1BF5;
	p2 =	por !p2, p0  }
0x20: {  	[sflag:s8] =	ssyncset.s32 @!p0 $0xFFFFF086;
	s6 =	sadd.s32 @!p0 s3, s7;
	s7 =	simm.s32 @!p0 $0x108  }
0x21: {  	s3 =	sadd.s32 s3, s9;
	s6 =	sadd.s32 @!p0 $0x88, s6;
	s7 =	simm.s32 @p2 $0x1082  }
0x22: {  	[simem:s7], [sflag:s8] =	dma.local @!p0 [hbm:s6], $0xF7A  }
0x23: {  	s9 =	sor.u32 $0xD0000000, s2;
	s6 =	simm.s32 $0x108;
	_ =	swait.ge @!p0 [sflag:s8], $0x0  }
0x24: {  	s3 =	sadd.s32 $0x88, s3;
	s6 =	simm.s32 @!p1 $0x1082;
	[sflag:s4] =	ssyncset.s32 $0xFFFFF086  }
0x25: {  	[simem:s6], [sflag:s4] =	dma.local [hbm:s3], $0xF7A  }
0x26: {  	[smem:$0x3F9F] =	sst s1;
	(tag) =	ssettag s2;
	_ =	strace s9  }
0x27: {  	s1 =	sld [smem:$0x3FAF]  }
0x28: {  	s2 =	sld [smem:$0x3FB0]  }
0x29: {  	s4 =	sld [smem:$0x3FB2]  }
0x2a: {  	p0 =	seq.s32 s5, $0x0;
	s5 =	sld [smem:$0x3FB3]  }
0x2b: {  	s6 =	sld [smem:$0x3FB4]  }
0x2c: {  	s7 =	sld [smem:$0x3FB5]  }
0x2d: {  	s3 =	simm.s32 $0x108;
	s8 =	sld [smem:$0x3FB6]  }
0x2e: {  	s3 =	simm.s32 @!p0 $0x1082;
	s9 =	sld [smem:$0x3FB7]  }
0x2f: {  	lr =	sadd.s32 s0, s3;
	s0 =	sld [smem:$0x3FAE]  }
0x30: {  	s3 =	sld [smem:$0x3FB1]  }
0x31: {  	[smem:$0x3FBA] =	sst s10  }
0x32: {  	s10 =	sld [smem:$0x3FB8];
	_ =	sdelay $0x3  }
0x33: {  	p0 =	seq.s32 s10, $0x1;
	s10 =	sld [smem:$0x3FBA];
	_ =	sdelay $0x3  }
0x34: {  	[smem:$0x3FBA] =	sst s10  }
0x35: {  	s10 =	sld [smem:$0x3FB9];
	_ =	sdelay $0x3  }
0x36: {  	p1 =	seq.s32 s10, $0x1;
	s10 =	sld [smem:$0x3FBA];
	_ =	sdelay $0x3  }
0x37: {  	[smem:$0x3FBA] =	sst s10  }
0x38: {  	s10 =	sld [smem:$0x3FBB]  }
0x39: {  	_ = 	snop;
	(pc) =	sbr.ind lr, $3  }
0x3a: {  	_ = 	snop  }
0x3b: {  	_ = 	snop  }
0x3c: {  	p2 =	seq.s32 s10, $0x1;
	s10 =	sld [smem:$0x3FBA]  }
0x3d: {  	_ =	shalt  }
0x3e: {  	_ =	shalt  }
0x3f: {  	_ =	shalt  }
0x40: {  	_ =	shalt  }
0x41: {  	_ =	shalt  }
0x42: {  	_ =	shalt  }
0x43: {  	_ =	shalt  }
0x44: {  	_ =	shalt  }
0x45: {  	_ =	shalt  }
0x46: {  	_ =	shalt  }
0x47: {  	_ =	shalt  }
0x48: {  	_ =	shalt  }
0x49: {  	_ =	shalt  }
0x4a: {  	_ =	shalt  }
0x4b: {  	_ =	shalt  }
0x4c: {  	_ =	shalt  }
0x4d: {  	_ =	shalt  }
0x4e: {  	_ =	shalt  }
0x4f: {  	_ =	shalt  }
0x50: {  	_ =	shalt  }
0x51: {  	_ =	shalt  }
0x52: {  	_ =	shalt  }
0x53: {  	_ =	shalt  }
0x54: {  	_ =	shalt  }
0x55: {  	_ =	shalt  }
0x56: {  	_ =	shalt  }
0x57: {  	_ =	shalt  }
0x58: {  	_ =	shalt  }
0x59: {  	_ =	shalt  }
0x5a: {  	_ =	shalt  }
0x5b: {  	_ =	shalt  }
0x5c: {  	_ =	shalt  }
0x5d: {  	_ =	shalt  }
0x5e: {  	_ =	shalt  }
0x5f: {  	_ =	shalt  }
0x60: {  	_ =	shalt  }
0x61: {  	_ =	shalt  }
0x62: {  	_ =	shalt  }
0x63: {  	_ =	shalt  }
0x64: {  	_ =	shalt  }
0x65: {  	_ =	shalt  }
0x66: {  	_ =	shalt  }
0x67: {  	_ =	shalt  }
0x68: {  	_ =	shalt  }
0x69: {  	_ =	shalt  }
0x6a: {  	_ =	shalt  }
0x6b: {  	_ =	shalt  }
0x6c: {  	_ =	shalt  }
0x6d: {  	_ =	shalt  }
0x6e: {  	_ =	shalt  }
0x6f: {  	_ =	shalt  }
0x70: {  	_ =	shalt  }
0x71: {  	_ =	shalt  }
0x72: {  	_ =	shalt  }
0x73: {  	_ =	shalt  }
0x74: {  	_ =	shalt  }
0x75: {  	_ =	shalt  }
0x76: {  	_ =	shalt  }
0x77: {  	_ =	shalt  }
0x78: {  	_ =	shalt  }
0x79: {  	_ =	shalt  }
0x7a: {  	_ =	shalt  }
0x7b: {  	_ =	shalt  }
0x7c: {  	_ =	shalt  }
0x7d: {  	_ =	shalt  }
0x7e: {  	_ =	shalt  }
0x7f: {  	_ =	shalt  }
0x80: {  	_ =	shalt  }
0x81: {  	_ =	shalt  }
0x82: {  	_ =	shalt  }
0x83: {  	_ =	shalt  }
0x84: {  	_ =	shalt  }
0x85: {  	_ =	shalt  }
0x86: {  	_ =	shalt  }
0x87: {  	_ =	shalt  }
.Lfunc_end0:
.L_simem_size_0:
called_computation.3_lowered:
.L_overlay_start_0:
0x88: {  	s2 =	sld [smem:$0x3FD9]  }
0x89: {  	s3 =	sld [smem:$0x3FFE];
	_ =	sdelay $0x1  }
0x8a: {  	s1 =	srdreg.scid  }
0x8b: {  	s0 =	sand.u32 $0x1, s1  }
0x8c: {  	s16 =	sshll.u32 s0, $0xA;
	s2 =	sadd.s32 s3, s2  }
0x8d: {  	s2 =	sadd.s32 s2, s16  }
0x8e: {  	[smem:$0x3FC6] =	sst s2  }
0x8f: {  	_ = 	snop  }
0x90: {  	(tm) =	ssettm $0x1  }
0x91: {  	s17 =	sld [smem:$0x3FFB];
	_ =	sdelay $0x3  }
0x92: {  	_ =	strace s17  }
0x93: {  	s2 =	sld [smem:$0x3FFC];
	_ =	sdelay $0x3  }
0x94: {  	_ =	strace s2  }
0x95: {  	s2 =	sld [smem:$0x3FFD];
	_ =	sdelay $0x3  }
0x96: {  	_ =	strace s2  }
0x97: {  	_ =	strace $0x8FFFFFFF  }
0x98: {  	s18 =	sld [smem:$0x3FDB];
	_ =	sdelay $0x1  }
0x99: {  	s19 =	simm.s32 $_scs_section_size  }
0x9a: {  	s4 =	simm.s32 $_size__tile_overlayer_lowered;
	s5 =	simm.s32 $_tile_overlayer_lowered  }
0x9b: {  	s22 =	simm.s32 $0x1BFF;
	s21 =	sshll.u32 s5, $0x1;
	s2 =	sadd.s32 s19, s18  }
0x9c: {  	s6 =	simm.s32 $0x0;
	s20 =	sshll.u32 s4, $0x1;
	s4 =	sadd.s32 s21, s2  }
0x9d: {  	[timem:s6], [sflag:s22] =	dma.local [hbm:s4], s20  }
0x9e: {  	_ =	swait.ge [sflag:s22], s20  }
0x9f: {  	s3 =	ssub.s32 $0x0, s20;
	[sflag:s22] =	ssyncset.done $0x0  }
0xa0: {  	[sflag:s22] =	ssyncadd.s32 s3;
	_ =	sdelay $0x1  }
0xa1: {  	s23 =	simm.s32 $0x1B8B  }
0xa2: {  	_ =	swait.ge [sflag:s23], $0x1  }
0xa3: {  	[sflag:s23] =	ssyncset.done $0x0  }
0xa4: {  	s25 =	simm.s32 $0x1B8E;
	s24 =	sld [smem:$0x3FFE];
	[sflag:s23] =	ssyncadd.s32 $0xFFFFFFFF  }
0xa5: {  	s26 =	simm.s32 $execute0_lowered;
	[smem:$0x3FD2] =	sst s25  }
0xa6: {  	s4 =	sshll.u32 s26, $0x1;
	_ =	strace $0x8000004F;
	[dreg:$0x1] =	wrdreg $0xFFFFFFFF  }
0xa7: {  	s28 =	simm.s32 $_size_execute0_lowered;
	s2 =	sadd.s32 s2, s4;
	[dreg:$0x0] =	wrdreg $0x0  }
0xa8: {  	s4 =	sshll.u32 s28, $0x1;
	[dreg:$0x2] =	wrdreg s2  }
0xa9: {  	[dreg:$0x3] =	wrdreg s4  }
0xaa: {  	[dreg:$0x4] =	wrdreg $0xC0  }
0xab: {  	_ =	task [dreg:s6], $0x5FFFF  }
0xac: {  	[dreg:$0x1] =	wrdreg $0xFFFFFFFF  }
0xad: {  	[dreg:$0x0] =	wrdreg $0x60  }
0xae: {  	[dreg:$0x2] =	wrdreg s24  }
0xaf: {  	[dreg:$0x3] =	wrdreg $0x9  }
0xb0: {  	_ =	task.clear_ibuf [dreg:s6], $0x4FFFF;
	_ =	strace $0x9000004F  }
0xb1: {  	s29 =	simm.s32 $0x9;
	_ =	strace $0x80000051  }
0xb2: {  	_ =	swait.ge [sflag:s29], $0x1  }
0xb3: {  	[sflag:s29] =	ssyncadd.s32 $0xFFFFFFFF  }
0xb4: {  	_ =	strace $0x90000051  }
0xb5: {  	_ =	sfence  }
0xb6: {  	s30 =	sld [smem:$0x0];
	_ =	sdelay $0x2  }
0xb7: {  	s31 =	sshll.u32 s1, $0xD;
	s1 =	sshrl.u32 s1, $0x2  }
0xb8: {  	s3 =	sand.u32 $0x4000, s31;
	s1 =	sadd.s32 s1, s30  }
0xb9: {  	s0 =	sor.u32 s3, s0;
	s1 =	sshll.u32 s1, $0x11  }
0xba: {  	s0 =	sor.u32 s1, s0  }
0xbb: {  	s0 =	sadd.s32 $0x8F2B, s0  }
0xbc: {  	[sflag:s0] =	ssyncadd.remote.s32 $0x1  }
0xbd: {  	_ =	sfence.sel $0xFFFF  }
0xbe: {  	[dreg:$0x0] =	wrdreg $0xFFFFFFFF;
	(pc) =	sbr.abs _section_cstart, $3  }
0xbf: {  	[dreg:$0x1] =	wrdreg $0xFFFFFFFF  }
0xc0: {  	_ =	task.clear_ibuf [dreg:s6], $0x2FFFF;
	_ =	strace $0x9FFFFFFF  }
0xc1: {  	(tm) =	ssettm $0x7FFFFFFF  }
tec
execute0_lowered:
.L_overlay_start_1:
0x0: {  	(tag) =	ssettag $0x1  }
0x1: {  	s0 =	rddreg [dreg:$0x0]  }
0x2: {  	s1 =	srdreg.scid;
	s3 =	stileid.u32  }
0x3: {  	s2 =	simm.s32 $0x0;
	s18 =	simm.s32 $0x1;
	s21 =	simm.s32 $0x100  }
0x4: {  	s22 =	simm.s32 $0x980;
	s23 =	simm.s32 $0x1180;
	s24 =	simm.s32 $0x1980  }
0x5: {  	s25 =	simm.s32 $0x2180;
	s26 =	simm.s32 $0x2980;
	s28 =	simm.s32 $0x3180  }
0x6: {  	s29 =	simm.s32 $0x3980;
	s30 =	simm.s32 $0x4180;
	s31 =	simm.s32 $0x4980  }
0x7: {  	s9 =	simm.s32 $0x7180;
	s10 =	simm.s32 $0x7980;
	s11 =	simm.s32 $0x8180  }
0x8: {  	s12 =	simm.s32 $0x8980;
	s13 =	simm.s32 $0x9180;
	s14 =	simm.s32 $0x9980  }
0x9: {  	s15 =	simm.s32 $0xA180;
	s1 =	sand.u32 $0x1, s1;
	s3 =	sshll.u32 s3, $0x1  }
0xa: {  	s16 =	simm.s32 $0xA980;
	s17 =	simm.s32 $0xB180;
	s4 =	sor.u32 s1, s3  }
0xb: {  	[smem:$0x7FF] =	sst s2;
	s1 =	ssub.s32 $0x2, s1;
	s5 =	smul.u32 $0x60, s4  }
0xc: {  	_ =	strace $0x80000050;
	s6 =	smul.u32 $0x4800, s4;
	s7 =	sshrl.u32 s1, $0x1  }
0xd: {  	s3 =	sadd.s32 $0x243C00, s0;
	s4 =	smul.u32 $0x24000, s4;
	s1 =	ssub.s32 s1, s7  }
0xe: {  	s7 =	simm.s32 $0x2;
	s5 =	sadd.s32 s5, s0;
	s0 =	sadd.s32 $0x184600, s0  }
0xf: {  	s4 =	sshrl.u32 s4, $0x3;
	s8 =	sadd.s32 $0x124800, s5;
	s6 =	sadd.s32 s0, s6  }
0x10: {  	s5 =	sadd.s32 $0x124810, s5;
	s0 =	sadd.s32 s0, s4;
	[dreg:$0x2] =	wrdreg s8  }
0x11: {  	v2 =	vlaneseq.u32;
	s4 =	smax.u32 s1, $0x1;
	s1 =	simm.s32 $0x5980;
	[dreg:$0x3] =	wrdreg s6  }
0x12: {  	vm0 =	vmmov $0xffff;
	v1 =	vshrl.u32 v2, $0x3;
	[dreg:$0x4] =	wrdreg s5;
	s0 =	sadd.s32 $0x2400, s0;
	s5 =	simm.s32 $0x6180  }
0x13: {  	v0 =	vand.u32 $0x7, v2;
	v2 =	vor.u32 $0x8, v2;
	v1 =	vmul.u32 $0x8, v1;
	s6 =	simm.s32 $0x6980;
	s8 =	simm.s32 $0xB980;
	[dreg:$0x5] =	wrdreg s0  }
.LBB2_1:
0x14: {  	s19 =	rddreg [dreg:$0x2];
	s20 =	simm.s32 $0x80  }
0x15: {  	[tilespmem:s2], [sflag:$0x2] =	stream.strided.gather [hbm4b:s19+s20], $0x180, s21, s20, $0x38;
	[tilespmem:$0x12180] =	vst v63  }
0x16: {  	_ =	swait.ge [sflag:s7], $0x180  }
0x17: {  	[sflag:s7] =	ssyncset.done $0x0  }
0x18: {  	[sflag:s7] =	ssyncadd.s32 $0xFFFFFE80  }
0x19: {  	v3 =	vld [tilespmem:$0x0];
	_ =	sdelay $0x4  }
0x1a: {  	v4 =	vshll.u32 v3, $0x1  }
0x1b: {  	v3 =	vand.u32 $0x7, v3;
	v4 =	vand.u32 $0xFFFFFFF0, v4  }
0x1c: {  	v3 =	vor.u32 v3, v4  }
0x1d: {  	v4 =	vperm.xlane v3, v0;
	_ =	sdelay $0x1  }
0x1e: {  	v3 =	vperm.xlane v3, v2;
	v4 =	vadd.s32 v1, v4;
	_ =	sdelay $0x1  }
0x1f: {  	v3 =	vadd.s32 v1, v3;
	_ =	sdelay $0x1  }
0x20: {  	s0 =	simm.s32 $0x180  }
0x21: {  	[tilespmem:s0], [sflag:$0x1] =	stream.indirect_vreg.gather [hbm4b:s3+s2], $0x80, v4, vm0, $0xb8;
	[tilespmem:$0x12180] =	vst v63  }
0x22: {  	_ = 	snop  }
0x23: {  	[tilespmem:s22], [sflag:$0x1] =	stream.indirect_vreg.gather [hbm4b:s3+s2], $0x80, v3, vm0, $0xb8;
	[tilespmem:$0x12180] =	vst v63  }
0x24: {  	v3 =	vld [tilespmem:$0x10];
	_ =	sdelay $0x4  }
0x25: {  	v29 =	vshll.u32 v3, $0x1  }
0x26: {  	v3 =	vand.u32 $0x7, v3;
	v4 =	vand.u32 $0xFFFFFFF0, v29  }
0x27: {  	v3 =	vor.u32 v3, v4  }
0x28: {  	v4 =	vperm.xlane v3, v0;
	_ =	sdelay $0x1  }
0x29: {  	v3 =	vperm.xlane v3, v2;
	v4 =	vadd.s32 v1, v4;
	_ =	sdelay $0x1  }
0x2a: {  	v3 =	vadd.s32 v1, v3;
	_ =	sdelay $0x2  }
0x2b: {  	[tilespmem:s23], [sflag:$0x1] =	stream.indirect_vreg.gather [hbm4b:s3+s2], $0x80, v4, vm0, $0xb8;
	[tilespmem:$0x12180] =	vst v63  }
0x2c: {  	_ = 	snop  }
0x2d: {  	[tilespmem:s24], [sflag:$0x1] =	stream.indirect_vreg.gather [hbm4b:s3+s2], $0x80, v3, vm0, $0xb8;
	[tilespmem:$0x12180] =	vst v63  }
0x2e: {  	v3 =	vld [tilespmem:$0x20];
	_ =	sdelay $0x4  }
0x2f: {  	v30 =	vshll.u32 v3, $0x1  }
0x30: {  	v3 =	vand.u32 $0x7, v3;
	v4 =	vand.u32 $0xFFFFFFF0, v30  }
0x31: {  	v3 =	vor.u32 v3, v4  }
0x32: {  	v4 =	vperm.xlane v3, v0;
	_ =	sdelay $0x1  }
0x33: {  	v3 =	vperm.xlane v3, v2;
	v4 =	vadd.s32 v1, v4;
	_ =	sdelay $0x1  }
0x34: {  	v3 =	vadd.s32 v1, v3;
	_ =	sdelay $0x2  }
0x35: {  	[tilespmem:s25], [sflag:$0x1] =	stream.indirect_vreg.gather [hbm4b:s3+s2], $0x80, v4, vm0, $0xb8;
	[tilespmem:$0x12180] =	vst v63  }
0x36: {  	_ = 	snop  }
0x37: {  	[tilespmem:s26], [sflag:$0x1] =	stream.indirect_vreg.gather [hbm4b:s3+s2], $0x80, v3, vm0, $0xb8;
	[tilespmem:$0x12180] =	vst v63  }
0x38: {  	v3 =	vld [tilespmem:$0x30];
	_ =	sdelay $0x4  }
0x39: {  	v31 =	vshll.u32 v3, $0x1  }
0x3a: {  	v3 =	vand.u32 $0x7, v3;
	v4 =	vand.u32 $0xFFFFFFF0, v31  }
0x3b: {  	v3 =	vor.u32 v3, v4  }
0x3c: {  	v4 =	vperm.xlane v3, v0;
	_ =	sdelay $0x1  }
0x3d: {  	v3 =	vperm.xlane v3, v2;
	v4 =	vadd.s32 v1, v4;
	_ =	sdelay $0x1  }
0x3e: {  	v3 =	vadd.s32 v1, v3;
	_ =	sdelay $0x2  }
0x3f: {  	[tilespmem:s28], [sflag:$0x1] =	stream.indirect_vreg.gather [hbm4b:s3+s2], $0x80, v4, vm0, $0xb8;
	[tilespmem:$0x12180] =	vst v63  }
0x40: {  	_ = 	snop  }
0x41: {  	[tilespmem:s29], [sflag:$0x1] =	stream.indirect_vreg.gather [hbm4b:s3+s2], $0x80, v3, vm0, $0xb8;
	[tilespmem:$0x12180] =	vst v63  }
0x42: {  	v3 =	vld [tilespmem:$0x40];
	_ =	sdelay $0x4  }
0x43: {  	v32 =	vshll.u32 v3, $0x1  }
0x44: {  	v3 =	vand.u32 $0x7, v3;
	v4 =	vand.u32 $0xFFFFFFF0, v32  }
0x45: {  	v3 =	vor.u32 v3, v4  }
0x46: {  	v4 =	vperm.xlane v3, v0;
	_ =	sdelay $0x1  }
0x47: {  	v3 =	vperm.xlane v3, v2;
	v4 =	vadd.s32 v1, v4;
	_ =	sdelay $0x1  }
0x48: {  	v3 =	vadd.s32 v1, v3;
	_ =	sdelay $0x2  }
0x49: {  	[tilespmem:s30], [sflag:$0x1] =	stream.indirect_vreg.gather [hbm4b:s3+s2], $0x80, v4, vm0, $0xb8;
	[tilespmem:$0x12180] =	vst v63  }
0x4a: {  	_ = 	snop  }
0x4b: {  	[tilespmem:s31], [sflag:$0x1] =	stream.indirect_vreg.gather [hbm4b:s3+s2], $0x80, v3, vm0, $0xb8;
	[tilespmem:$0x12180] =	vst v63  }
0x4c: {  	v3 =	vld [tilespmem:$0x50];
	_ =	sdelay $0x4  }
0x4d: {  	v33 =	vshll.u32 v3, $0x1  }
0x4e: {  	v3 =	vand.u32 $0x7, v3;
	v4 =	vand.u32 $0xFFFFFFF0, v33  }
0x4f: {  	v3 =	vor.u32 v3, v4  }
0x50: {  	v4 =	vperm.xlane v3, v0;
	_ =	sdelay $0x1  }
0x51: {  	v3 =	vperm.xlane v3, v2;
	v4 =	vadd.s32 v1, v4;
	_ =	sdelay $0x1  }
0x52: {  	v3 =	vadd.s32 v1, v3;
	_ =	sdelay $0x1  }
0x53: {  	s19 =	simm.s32 $0x5180  }
0x54: {  	[tilespmem:s19], [sflag:$0x1] =	stream.indirect_vreg.gather [hbm4b:s3+s2], $0x80, v4, vm0, $0xb8;
	[tilespmem:$0x12180] =	vst v63  }
0x55: {  	_ = 	snop  }
0x56: {  	[tilespmem:s1], [sflag:$0x1] =	stream.indirect_vreg.gather [hbm4b:s3+s2], $0x80, v3, vm0, $0xb8;
	[tilespmem:$0x12180] =	vst v63  }
0x57: {  	v3 =	vld [tilespmem:$0x60];
	_ =	sdelay $0x4  }
0x58: {  	v34 =	vshll.u32 v3, $0x1  }
0x59: {  	v3 =	vand.u32 $0x7, v3;
	v4 =	vand.u32 $0xFFFFFFF0, v34  }
0x5a: {  	v3 =	vor.u32 v3, v4  }
0x5b: {  	v4 =	vperm.xlane v3, v0;
	_ =	sdelay $0x1  }
0x5c: {  	v3 =	vperm.xlane v3, v2;
	v4 =	vadd.s32 v1, v4;
	_ =	sdelay $0x1  }
0x5d: {  	v3 =	vadd.s32 v1, v3;
	_ =	sdelay $0x2  }
0x5e: {  	[tilespmem:s5], [sflag:$0x1] =	stream.indirect_vreg.gather [hbm4b:s3+s2], $0x80, v4, vm0, $0xb8;
	[tilespmem:$0x12180] =	vst v63  }
0x5f: {  	_ = 	snop  }
0x60: {  	[tilespmem:s6], [sflag:$0x1] =	stream.indirect_vreg.gather [hbm4b:s3+s2], $0x80, v3, vm0, $0xb8;
	[tilespmem:$0x12180] =	vst v63  }
0x61: {  	v3 =	vld [tilespmem:$0x70];
	_ =	sdelay $0x4  }
0x62: {  	v35 =	vshll.u32 v3, $0x1  }
0x63: {  	v3 =	vand.u32 $0x7, v3;
	v4 =	vand.u32 $0xFFFFFFF0, v35  }
0x64: {  	v3 =	vor.u32 v3, v4  }
0x65: {  	v4 =	vperm.xlane v3, v0;
	_ =	sdelay $0x1  }
0x66: {  	v3 =	vperm.xlane v3, v2;
	v4 =	vadd.s32 v1, v4;
	_ =	sdelay $0x1  }
0x67: {  	v3 =	vadd.s32 v1, v3;
	_ =	sdelay $0x2  }
0x68: {  	[tilespmem:s9], [sflag:$0x1] =	stream.indirect_vreg.gather [hbm4b:s3+s2], $0x80, v4, vm0, $0xb8;
	[tilespmem:$0x12180] =	vst v63  }
0x69: {  	_ = 	snop  }
0x6a: {  	[tilespmem:s10], [sflag:$0x1] =	stream.indirect_vreg.gather [hbm4b:s3+s2], $0x80, v3, vm0, $0xb8;
	[tilespmem:$0x12180] =	vst v63  }
0x6b: {  	v3 =	vld [tilespmem:$0x80];
	_ =	sdelay $0x4  }
0x6c: {  	v36 =	vshll.u32 v3, $0x1  }
0x6d: {  	v3 =	vand.u32 $0x7, v3;
	v4 =	vand.u32 $0xFFFFFFF0, v36  }
0x6e: {  	v3 =	vor.u32 v3, v4  }
0x6f: {  	v4 =	vperm.xlane v3, v0;
	_ =	sdelay $0x1  }
0x70: {  	v3 =	vperm.xlane v3, v2;
	v4 =	vadd.s32 v1, v4;
	_ =	sdelay $0x1  }
0x71: {  	v3 =	vadd.s32 v1, v3;
	_ =	sdelay $0x2  }
0x72: {  	[tilespmem:s11], [sflag:$0x1] =	stream.indirect_vreg.gather [hbm4b:s3+s2], $0x80, v4, vm0, $0xb8;
	[tilespmem:$0x12180] =	vst v63  }
0x73: {  	_ = 	snop  }
0x74: {  	[tilespmem:s12], [sflag:$0x1] =	stream.indirect_vreg.gather [hbm4b:s3+s2], $0x80, v3, vm0, $0xb8;
	[tilespmem:$0x12180] =	vst v63  }
0x75: {  	v3 =	vld [tilespmem:$0x90];
	_ =	sdelay $0x4  }
0x76: {  	v37 =	vshll.u32 v3, $0x1  }
0x77: {  	v3 =	vand.u32 $0x7, v3;
	v4 =	vand.u32 $0xFFFFFFF0, v37  }
0x78: {  	v3 =	vor.u32 v3, v4  }
0x79: {  	v4 =	vperm.xlane v3, v0;
	_ =	sdelay $0x1  }
0x7a: {  	v3 =	vperm.xlane v3, v2;
	v4 =	vadd.s32 v1, v4;
	_ =	sdelay $0x1  }
0x7b: {  	v3 =	vadd.s32 v1, v3;
	_ =	sdelay $0x2  }
0x7c: {  	[tilespmem:s13], [sflag:$0x1] =	stream.indirect_vreg.gather [hbm4b:s3+s2], $0x80, v4, vm0, $0xb8;
	[tilespmem:$0x12180] =	vst v63  }
0x7d: {  	_ = 	snop  }
0x7e: {  	[tilespmem:s14], [sflag:$0x1] =	stream.indirect_vreg.gather [hbm4b:s3+s2], $0x80, v3, vm0, $0xb8;
	[tilespmem:$0x12180] =	vst v63  }
0x7f: {  	v3 =	vld [tilespmem:$0xA0];
	_ =	sdelay $0x4  }
0x80: {  	v38 =	vshll.u32 v3, $0x1  }
0x81: {  	v3 =	vand.u32 $0x7, v3;
	v4 =	vand.u32 $0xFFFFFFF0, v38  }
0x82: {  	v3 =	vor.u32 v3, v4  }
0x83: {  	v4 =	vperm.xlane v3, v0;
	_ =	sdelay $0x1  }
0x84: {  	v3 =	vperm.xlane v3, v2;
	v4 =	vadd.s32 v1, v4;
	_ =	sdelay $0x1  }
0x85: {  	v3 =	vadd.s32 v1, v3;
	_ =	sdelay $0x2  }
0x86: {  	[tilespmem:s15], [sflag:$0x1] =	stream.indirect_vreg.gather [hbm4b:s3+s2], $0x80, v4, vm0, $0xb8;
	[tilespmem:$0x12180] =	vst v63  }
0x87: {  	_ = 	snop  }
0x88: {  	[tilespmem:s16], [sflag:$0x1] =	stream.indirect_vreg.gather [hbm4b:s3+s2], $0x80, v3, vm0, $0xb8;
	[tilespmem:$0x12180] =	vst v63  }
0x89: {  	v3 =	vld [tilespmem:$0xB0];
	_ =	sdelay $0x4  }
0x8a: {  	v39 =	vshll.u32 v3, $0x1  }
0x8b: {  	v3 =	vand.u32 $0x7, v3;
	v4 =	vand.u32 $0xFFFFFFF0, v39  }
0x8c: {  	v3 =	vor.u32 v3, v4  }
0x8d: {  	v4 =	vperm.xlane v3, v0;
	_ =	sdelay $0x1  }
0x8e: {  	v3 =	vperm.xlane v3, v2;
	v4 =	vadd.s32 v1, v4;
	_ =	sdelay $0x1  }
0x8f: {  	v3 =	vadd.s32 v1, v3;
	_ =	sdelay $0x2  }
0x90: {  	[tilespmem:s17], [sflag:$0x1] =	stream.indirect_vreg.gather [hbm4b:s3+s2], $0x80, v4, vm0, $0xb8;
	[tilespmem:$0x12180] =	vst v63  }
0x91: {  	_ = 	snop  }
0x92: {  	[tilespmem:s8], [sflag:$0x1] =	stream.indirect_vreg.gather [hbm4b:s3+s2], $0x80, v3, vm0, $0xb8;
	[tilespmem:$0x12180] =	vst v63  }
0x93: {  	v3 =	vld [tilespmem:$0xC0];
	_ =	sdelay $0x4  }
0x94: {  	v40 =	vshll.u32 v3, $0x1  }
0x95: {  	v3 =	vand.u32 $0x7, v3;
	v4 =	vand.u32 $0xFFFFFFF0, v40  }
0x96: {  	v3 =	vor.u32 v3, v4  }
0x97: {  	v4 =	vperm.xlane v3, v0;
	_ =	sdelay $0x1  }
0x98: {  	v3 =	vperm.xlane v3, v2;
	v4 =	vadd.s32 v1, v4;
	_ =	sdelay $0x1  }
0x99: {  	v3 =	vadd.s32 v1, v3;
	_ =	sdelay $0x1  }
0x9a: {  	s19 =	simm.s32 $0xC180  }
0x9b: {  	[tilespmem:s19], [sflag:$0x1] =	stream.indirect_vreg.gather [hbm4b:s3+s2], $0x80, v4, vm0, $0xb8;
	[tilespmem:$0x12180] =	vst v63  }
0x9c: {  	s19 =	simm.s32 $0xC980  }
0x9d: {  	[tilespmem:s19], [sflag:$0x1] =	stream.indirect_vreg.gather [hbm4b:s3+s2], $0x80, v3, vm0, $0xb8;
	[tilespmem:$0x12180] =	vst v63  }
0x9e: {  	v3 =	vld [tilespmem:$0xD0];
	_ =	sdelay $0x4  }
0x9f: {  	v41 =	vshll.u32 v3, $0x1  }
0xa0: {  	v3 =	vand.u32 $0x7, v3;
	v4 =	vand.u32 $0xFFFFFFF0, v41  }
0xa1: {  	v3 =	vor.u32 v3, v4  }
0xa2: {  	v4 =	vperm.xlane v3, v0;
	_ =	sdelay $0x1  }
0xa3: {  	v3 =	vperm.xlane v3, v2;
	v4 =	vadd.s32 v1, v4;
	_ =	sdelay $0x1  }
0xa4: {  	v3 =	vadd.s32 v1, v3;
	_ =	sdelay $0x1  }
0xa5: {  	s19 =	simm.s32 $0xD180  }
0xa6: {  	[tilespmem:s19], [sflag:$0x1] =	stream.indirect_vreg.gather [hbm4b:s3+s2], $0x80, v4, vm0, $0xb8;
	[tilespmem:$0x12180] =	vst v63  }
0xa7: {  	s19 =	simm.s32 $0xD980  }
0xa8: {  	[tilespmem:s19], [sflag:$0x1] =	stream.indirect_vreg.gather [hbm4b:s3+s2], $0x80, v3, vm0, $0xb8;
	[tilespmem:$0x12180] =	vst v63  }
0xa9: {  	v3 =	vld [tilespmem:$0xE0];
	_ =	sdelay $0x4  }
0xaa: {  	v42 =	vshll.u32 v3, $0x1  }
0xab: {  	v3 =	vand.u32 $0x7, v3;
	v4 =	vand.u32 $0xFFFFFFF0, v42  }
0xac: {  	v3 =	vor.u32 v3, v4  }
0xad: {  	v4 =	vperm.xlane v3, v0;
	_ =	sdelay $0x1  }
0xae: {  	v3 =	vperm.xlane v3, v2;
	v4 =	vadd.s32 v1, v4;
	_ =	sdelay $0x1  }
0xaf: {  	v3 =	vadd.s32 v1, v3;
	_ =	sdelay $0x1  }
0xb0: {  	s19 =	simm.s32 $0xE180  }
0xb1: {  	[tilespmem:s19], [sflag:$0x1] =	stream.indirect_vreg.gather [hbm4b:s3+s2], $0x80, v4, vm0, $0xb8;
	[tilespmem:$0x12180] =	vst v63  }
0xb2: {  	s19 =	simm.s32 $0xE980  }
0xb3: {  	[tilespmem:s19], [sflag:$0x1] =	stream.indirect_vreg.gather [hbm4b:s3+s2], $0x80, v3, vm0, $0xb8;
	[tilespmem:$0x12180] =	vst v63  }
0xb4: {  	v3 =	vld [tilespmem:$0xF0];
	_ =	sdelay $0x4  }
0xb5: {  	v43 =	vshll.u32 v3, $0x1  }
0xb6: {  	v3 =	vand.u32 $0x7, v3;
	v4 =	vand.u32 $0xFFFFFFF0, v43  }
0xb7: {  	v3 =	vor.u32 v3, v4  }
0xb8: {  	v4 =	vperm.xlane v3, v0;
	_ =	sdelay $0x1  }
0xb9: {  	v3 =	vperm.xlane v3, v2;
	v4 =	vadd.s32 v1, v4;
	_ =	sdelay $0x1  }
0xba: {  	v3 =	vadd.s32 v1, v3;
	_ =	sdelay $0x1  }
0xbb: {  	s19 =	simm.s32 $0xF180  }
0xbc: {  	[tilespmem:s19], [sflag:$0x1] =	stream.indirect_vreg.gather [hbm4b:s3+s2], $0x80, v4, vm0, $0xb8;
	[tilespmem:$0x12180] =	vst v63  }
0xbd: {  	s19 =	simm.s32 $0xF980  }
0xbe: {  	[tilespmem:s19], [sflag:$0x1] =	stream.indirect_vreg.gather [hbm4b:s3+s2], $0x80, v3, vm0, $0xb8;
	[tilespmem:$0x12180] =	vst v63  }
0xbf: {  	v3 =	vld [tilespmem:$0x100];
	_ =	sdelay $0x4  }
0xc0: {  	v44 =	vshll.u32 v3, $0x1  }
0xc1: {  	v3 =	vand.u32 $0x7, v3;
	v4 =	vand.u32 $0xFFFFFFF0, v44  }
0xc2: {  	v3 =	vor.u32 v3, v4  }
0xc3: {  	v4 =	vperm.xlane v3, v0;
	_ =	sdelay $0x1  }
0xc4: {  	v3 =	vperm.xlane v3, v2;
	v4 =	vadd.s32 v1, v4;
	_ =	sdelay $0x1  }
0xc5: {  	v3 =	vadd.s32 v1, v3;
	_ =	sdelay $0x1  }
0xc6: {  	s19 =	simm.s32 $0x10180  }
0xc7: {  	[tilespmem:s19], [sflag:$0x1] =	stream.indirect_vreg.gather [hbm4b:s3+s2], $0x80, v4, vm0, $0xb8;
	[tilespmem:$0x12180] =	vst v63  }
0xc8: {  	s19 =	simm.s32 $0x10980  }
0xc9: {  	[tilespmem:s19], [sflag:$0x1] =	stream.indirect_vreg.gather [hbm4b:s3+s2], $0x80, v3, vm0, $0xb8;
	[tilespmem:$0x12180] =	vst v63  }
0xca: {  	v3 =	vld [tilespmem:$0x110];
	_ =	sdelay $0x4  }
0xcb: {  	v45 =	vshll.u32 v3, $0x1  }
0xcc: {  	v3 =	vand.u32 $0x7, v3;
	v4 =	vand.u32 $0xFFFFFFF0, v45  }
0xcd: {  	v3 =	vor.u32 v3, v4  }
0xce: {  	v4 =	vperm.xlane v3, v0;
	_ =	sdelay $0x1  }
0xcf: {  	v3 =	vperm.xlane v3, v2;
	v4 =	vadd.s32 v1, v4;
	_ =	sdelay $0x1  }
0xd0: {  	v3 =	vadd.s32 v1, v3;
	_ =	sdelay $0x1  }
0xd1: {  	s19 =	simm.s32 $0x11180  }
0xd2: {  	[tilespmem:s19], [sflag:$0x1] =	stream.indirect_vreg.gather [hbm4b:s3+s2], $0x80, v4, vm0, $0xb8;
	[tilespmem:$0x12180] =	vst v63  }
0xd3: {  	s19 =	simm.s32 $0x11980  }
0xd4: {  	[tilespmem:s19], [sflag:$0x1] =	stream.indirect_vreg.gather [hbm4b:s3+s2], $0x80, v3, vm0, $0xb8;
	[tilespmem:$0x12180] =	vst v63  }
0xd5: {  	_ =	swait.ge [sflag:s18], $0x12000  }
0xd6: {  	[sflag:s18] =	ssyncset.done $0x0  }
0xd7: {  	s0 =	simm.s32 $0x180;
	s19 =	rddreg [dreg:$0x3];
	[sflag:s18] =	ssyncadd.s32 $0xFFFEE000  }
0xd8: {  	[hbm4b:s19+s2] =	stream.linear.scatter [tilespmem:s0], [sflag:$0x2], $0x12000, $0x38;
	[tilespmem:$0x12180] =	vst v63  }
0xd9: {  	_ =	swait.ge [sflag:s7], $0x12000  }
0xda: {  	[sflag:s7] =	ssyncset.done $0x0  }
0xdb: {  	s19 =	rddreg [dreg:$0x4];
	[sflag:s7] =	ssyncadd.s32 $0xFFFEE000  }
0xdc: {  	[tilespmem:s2], [sflag:$0x2] =	stream.strided.gather [hbm4b:s19+s20], $0x180, s21, s20, $0x38;
	[tilespmem:$0x12180] =	vst v63  }
0xdd: {  	_ =	swait.ge [sflag:s7], $0x180  }
0xde: {  	[sflag:s7] =	ssyncset.done $0x0  }
0xdf: {  	[sflag:s7] =	ssyncadd.s32 $0xFFFFFE80  }
0xe0: {  	v3 =	vld [tilespmem:$0x0];
	_ =	sdelay $0x4  }
0xe1: {  	v46 =	vshll.u32 v3, $0x1  }
0xe2: {  	v3 =	vand.u32 $0x7, v3;
	v4 =	vand.u32 $0xFFFFFFF0, v46  }
0xe3: {  	v3 =	vor.u32 v3, v4  }
0xe4: {  	v4 =	vperm.xlane v3, v0;
	_ =	sdelay $0x1  }
0xe5: {  	v3 =	vperm.xlane v3, v2;
	v4 =	vadd.s32 v1, v4;
	_ =	sdelay $0x1  }
0xe6: {  	v3 =	vadd.s32 v1, v3;
	_ =	sdelay $0x2  }
0xe7: {  	[tilespmem:s0], [sflag:$0x1] =	stream.indirect_vreg.gather [hbm4b:s3+s2], $0x80, v4, vm0, $0xb8;
	[tilespmem:$0x12180] =	vst v63  }
0xe8: {  	_ = 	snop  }
0xe9: {  	[tilespmem:s22], [sflag:$0x1] =	stream.indirect_vreg.gather [hbm4b:s3+s2], $0x80, v3, vm0, $0xb8;
	[tilespmem:$0x12180] =	vst v63  }
0xea: {  	v3 =	vld [tilespmem:$0x10];
	_ =	sdelay $0x4  }
0xeb: {  	v47 =	vshll.u32 v3, $0x1  }
0xec: {  	v3 =	vand.u32 $0x7, v3;
	v4 =	vand.u32 $0xFFFFFFF0, v47  }
0xed: {  	v3 =	vor.u32 v3, v4  }
0xee: {  	v4 =	vperm.xlane v3, v0;
	_ =	sdelay $0x1  }
0xef: {  	v3 =	vperm.xlane v3, v2;
	v4 =	vadd.s32 v1, v4;
	_ =	sdelay $0x1  }
0xf0: {  	v3 =	vadd.s32 v1, v3;
	_ =	sdelay $0x2  }
0xf1: {  	[tilespmem:s23], [sflag:$0x1] =	stream.indirect_vreg.gather [hbm4b:s3+s2], $0x80, v4, vm0, $0xb8;
	[tilespmem:$0x12180] =	vst v63  }
0xf2: {  	_ = 	snop  }
0xf3: {  	[tilespmem:s24], [sflag:$0x1] =	stream.indirect_vreg.gather [hbm4b:s3+s2], $0x80, v3, vm0, $0xb8;
	[tilespmem:$0x12180] =	vst v63  }
0xf4: {  	v3 =	vld [tilespmem:$0x20];
	_ =	sdelay $0x4  }
0xf5: {  	v48 =	vshll.u32 v3, $0x1  }
0xf6: {  	v3 =	vand.u32 $0x7, v3;
	v4 =	vand.u32 $0xFFFFFFF0, v48  }
0xf7: {  	v3 =	vor.u32 v3, v4  }
0xf8: {  	v4 =	vperm.xlane v3, v0;
	_ =	sdelay $0x1  }
0xf9: {  	v3 =	vperm.xlane v3, v2;
	v4 =	vadd.s32 v1, v4;
	_ =	sdelay $0x1  }
0xfa: {  	v3 =	vadd.s32 v1, v3;
	_ =	sdelay $0x2  }
0xfb: {  	[tilespmem:s25], [sflag:$0x1] =	stream.indirect_vreg.gather [hbm4b:s3+s2], $0x80, v4, vm0, $0xb8;
	[tilespmem:$0x12180] =	vst v63  }
0xfc: {  	_ = 	snop  }
0xfd: {  	[tilespmem:s26], [sflag:$0x1] =	stream.indirect_vreg.gather [hbm4b:s3+s2], $0x80, v3, vm0, $0xb8;
	[tilespmem:$0x12180] =	vst v63  }
0xfe: {  	v3 =	vld [tilespmem:$0x30];
	_ =	sdelay $0x4  }
0xff: {  	v49 =	vshll.u32 v3, $0x1  }
0x100: {  	v3 =	vand.u32 $0x7, v3;
	v4 =	vand.u32 $0xFFFFFFF0, v49  }
0x101: {  	v3 =	vor.u32 v3, v4  }
0x102: {  	v4 =	vperm.xlane v3, v0;
	_ =	sdelay $0x1  }
0x103: {  	v3 =	vperm.xlane v3, v2;
	v4 =	vadd.s32 v1, v4;
	_ =	sdelay $0x1  }
0x104: {  	v3 =	vadd.s32 v1, v3;
	_ =	sdelay $0x2  }
0x105: {  	[tilespmem:s28], [sflag:$0x1] =	stream.indirect_vreg.gather [hbm4b:s3+s2], $0x80, v4, vm0, $0xb8;
	[tilespmem:$0x12180] =	vst v63  }
0x106: {  	_ = 	snop  }
0x107: {  	[tilespmem:s29], [sflag:$0x1] =	stream.indirect_vreg.gather [hbm4b:s3+s2], $0x80, v3, vm0, $0xb8;
	[tilespmem:$0x12180] =	vst v63  }
0x108: {  	v3 =	vld [tilespmem:$0x40];
	_ =	sdelay $0x4  }
0x109: {  	v50 =	vshll.u32 v3, $0x1  }
0x10a: {  	v3 =	vand.u32 $0x7, v3;
	v4 =	vand.u32 $0xFFFFFFF0, v50  }
0x10b: {  	v3 =	vor.u32 v3, v4  }
0x10c: {  	v4 =	vperm.xlane v3, v0;
	_ =	sdelay $0x1  }
0x10d: {  	v3 =	vperm.xlane v3, v2;
	v4 =	vadd.s32 v1, v4;
	_ =	sdelay $0x1  }
0x10e: {  	v3 =	vadd.s32 v1, v3;
	_ =	sdelay $0x2  }
0x10f: {  	[tilespmem:s30], [sflag:$0x1] =	stream.indirect_vreg.gather [hbm4b:s3+s2], $0x80, v4, vm0, $0xb8;
	[tilespmem:$0x12180] =	vst v63  }
0x110: {  	_ = 	snop  }
0x111: {  	[tilespmem:s31], [sflag:$0x1] =	stream.indirect_vreg.gather [hbm4b:s3+s2], $0x80, v3, vm0, $0xb8;
	[tilespmem:$0x12180] =	vst v63  }
0x112: {  	v3 =	vld [tilespmem:$0x50];
	_ =	sdelay $0x4  }
0x113: {  	v51 =	vshll.u32 v3, $0x1  }
0x114: {  	v3 =	vand.u32 $0x7, v3;
	v4 =	vand.u32 $0xFFFFFFF0, v51  }
0x115: {  	v3 =	vor.u32 v3, v4  }
0x116: {  	v4 =	vperm.xlane v3, v0;
	_ =	sdelay $0x1  }
0x117: {  	v3 =	vperm.xlane v3, v2;
	v4 =	vadd.s32 v1, v4;
	_ =	sdelay $0x1  }
0x118: {  	v3 =	vadd.s32 v1, v3;
	_ =	sdelay $0x1  }
0x119: {  	s19 =	simm.s32 $0x5180  }
0x11a: {  	[tilespmem:s19], [sflag:$0x1] =	stream.indirect_vreg.gather [hbm4b:s3+s2], $0x80, v4, vm0, $0xb8;
	[tilespmem:$0x12180] =	vst v63  }
0x11b: {  	_ = 	snop  }
0x11c: {  	[tilespmem:s1], [sflag:$0x1] =	stream.indirect_vreg.gather [hbm4b:s3+s2], $0x80, v3, vm0, $0xb8;
	[tilespmem:$0x12180] =	vst v63  }
0x11d: {  	v3 =	vld [tilespmem:$0x60];
	_ =	sdelay $0x4  }
0x11e: {  	v52 =	vshll.u32 v3, $0x1  }
0x11f: {  	v3 =	vand.u32 $0x7, v3;
	v4 =	vand.u32 $0xFFFFFFF0, v52  }
0x120: {  	v3 =	vor.u32 v3, v4  }
0x121: {  	v4 =	vperm.xlane v3, v0;
	_ =	sdelay $0x1  }
0x122: {  	v3 =	vperm.xlane v3, v2;
	v4 =	vadd.s32 v1, v4;
	_ =	sdelay $0x1  }
0x123: {  	v3 =	vadd.s32 v1, v3;
	_ =	sdelay $0x2  }
0x124: {  	[tilespmem:s5], [sflag:$0x1] =	stream.indirect_vreg.gather [hbm4b:s3+s2], $0x80, v4, vm0, $0xb8;
	[tilespmem:$0x12180] =	vst v63  }
0x125: {  	_ = 	snop  }
0x126: {  	[tilespmem:s6], [sflag:$0x1] =	stream.indirect_vreg.gather [hbm4b:s3+s2], $0x80, v3, vm0, $0xb8;
	[tilespmem:$0x12180] =	vst v63  }
0x127: {  	v3 =	vld [tilespmem:$0x70];
	_ =	sdelay $0x4  }
0x128: {  	v53 =	vshll.u32 v3, $0x1  }
0x129: {  	v3 =	vand.u32 $0x7, v3;
	v4 =	vand.u32 $0xFFFFFFF0, v53  }
0x12a: {  	v3 =	vor.u32 v3, v4  }
0x12b: {  	v4 =	vperm.xlane v3, v0;
	_ =	sdelay $0x1  }
0x12c: {  	v3 =	vperm.xlane v3, v2;
	v4 =	vadd.s32 v1, v4;
	_ =	sdelay $0x1  }
0x12d: {  	v3 =	vadd.s32 v1, v3;
	_ =	sdelay $0x2  }
0x12e: {  	[tilespmem:s9], [sflag:$0x1] =	stream.indirect_vreg.gather [hbm4b:s3+s2], $0x80, v4, vm0, $0xb8;
	[tilespmem:$0x12180] =	vst v63  }
0x12f: {  	_ = 	snop  }
0x130: {  	[tilespmem:s10], [sflag:$0x1] =	stream.indirect_vreg.gather [hbm4b:s3+s2], $0x80, v3, vm0, $0xb8;
	[tilespmem:$0x12180] =	vst v63  }
0x131: {  	v3 =	vld [tilespmem:$0x80];
	_ =	sdelay $0x4  }
0x132: {  	v54 =	vshll.u32 v3, $0x1  }
0x133: {  	v3 =	vand.u32 $0x7, v3;
	v4 =	vand.u32 $0xFFFFFFF0, v54  }
0x134: {  	v3 =	vor.u32 v3, v4  }
0x135: {  	v4 =	vperm.xlane v3, v0;
	_ =	sdelay $0x1  }
0x136: {  	v3 =	vperm.xlane v3, v2;
	v4 =	vadd.s32 v1, v4;
	_ =	sdelay $0x1  }
0x137: {  	v3 =	vadd.s32 v1, v3;
	_ =	sdelay $0x2  }
0x138: {  	[tilespmem:s11], [sflag:$0x1] =	stream.indirect_vreg.gather [hbm4b:s3+s2], $0x80, v4, vm0, $0xb8;
	[tilespmem:$0x12180] =	vst v63  }
0x139: {  	_ = 	snop  }
0x13a: {  	[tilespmem:s12], [sflag:$0x1] =	stream.indirect_vreg.gather [hbm4b:s3+s2], $0x80, v3, vm0, $0xb8;
	[tilespmem:$0x12180] =	vst v63  }
0x13b: {  	v3 =	vld [tilespmem:$0x90];
	_ =	sdelay $0x4  }
0x13c: {  	v55 =	vshll.u32 v3, $0x1  }
0x13d: {  	v3 =	vand.u32 $0x7, v3;
	v4 =	vand.u32 $0xFFFFFFF0, v55  }
0x13e: {  	v3 =	vor.u32 v3, v4  }
0x13f: {  	v4 =	vperm.xlane v3, v0;
	_ =	sdelay $0x1  }
0x140: {  	v3 =	vperm.xlane v3, v2;
	v4 =	vadd.s32 v1, v4;
	_ =	sdelay $0x1  }
0x141: {  	v3 =	vadd.s32 v1, v3;
	_ =	sdelay $0x2  }
0x142: {  	[tilespmem:s13], [sflag:$0x1] =	stream.indirect_vreg.gather [hbm4b:s3+s2], $0x80, v4, vm0, $0xb8;
	[tilespmem:$0x12180] =	vst v63  }
0x143: {  	_ = 	snop  }
0x144: {  	[tilespmem:s14], [sflag:$0x1] =	stream.indirect_vreg.gather [hbm4b:s3+s2], $0x80, v3, vm0, $0xb8;
	[tilespmem:$0x12180] =	vst v63  }
0x145: {  	v3 =	vld [tilespmem:$0xA0];
	_ =	sdelay $0x4  }
0x146: {  	v56 =	vshll.u32 v3, $0x1  }
0x147: {  	v3 =	vand.u32 $0x7, v3;
	v4 =	vand.u32 $0xFFFFFFF0, v56  }
0x148: {  	v3 =	vor.u32 v3, v4  }
0x149: {  	v4 =	vperm.xlane v3, v0;
	_ =	sdelay $0x1  }
0x14a: {  	v3 =	vperm.xlane v3, v2;
	v4 =	vadd.s32 v1, v4;
	_ =	sdelay $0x1  }
0x14b: {  	v3 =	vadd.s32 v1, v3;
	_ =	sdelay $0x2  }
0x14c: {  	[tilespmem:s15], [sflag:$0x1] =	stream.indirect_vreg.gather [hbm4b:s3+s2], $0x80, v4, vm0, $0xb8;
	[tilespmem:$0x12180] =	vst v63  }
0x14d: {  	_ = 	snop  }
0x14e: {  	[tilespmem:s16], [sflag:$0x1] =	stream.indirect_vreg.gather [hbm4b:s3+s2], $0x80, v3, vm0, $0xb8;
	[tilespmem:$0x12180] =	vst v63  }
0x14f: {  	v3 =	vld [tilespmem:$0xB0];
	_ =	sdelay $0x4  }
0x150: {  	v57 =	vshll.u32 v3, $0x1  }
0x151: {  	v3 =	vand.u32 $0x7, v3;
	v4 =	vand.u32 $0xFFFFFFF0, v57  }
0x152: {  	v3 =	vor.u32 v3, v4  }
0x153: {  	v4 =	vperm.xlane v3, v0;
	_ =	sdelay $0x1  }
0x154: {  	v3 =	vperm.xlane v3, v2;
	v4 =	vadd.s32 v1, v4;
	_ =	sdelay $0x1  }
0x155: {  	v3 =	vadd.s32 v1, v3;
	_ =	sdelay $0x2  }
0x156: {  	[tilespmem:s17], [sflag:$0x1] =	stream.indirect_vreg.gather [hbm4b:s3+s2], $0x80, v4, vm0, $0xb8;
	[tilespmem:$0x12180] =	vst v63  }
0x157: {  	_ = 	snop  }
0x158: {  	[tilespmem:s8], [sflag:$0x1] =	stream.indirect_vreg.gather [hbm4b:s3+s2], $0x80, v3, vm0, $0xb8;
	[tilespmem:$0x12180] =	vst v63  }
0x159: {  	v3 =	vld [tilespmem:$0xC0];
	_ =	sdelay $0x4  }
0x15a: {  	v58 =	vshll.u32 v3, $0x1  }
0x15b: {  	v3 =	vand.u32 $0x7, v3;
	v4 =	vand.u32 $0xFFFFFFF0, v58  }
0x15c: {  	v3 =	vor.u32 v3, v4  }
0x15d: {  	v4 =	vperm.xlane v3, v0;
	_ =	sdelay $0x1  }
0x15e: {  	v3 =	vperm.xlane v3, v2;
	v4 =	vadd.s32 v1, v4;
	_ =	sdelay $0x1  }
0x15f: {  	v3 =	vadd.s32 v1, v3;
	_ =	sdelay $0x1  }
0x160: {  	s19 =	simm.s32 $0xC180  }
0x161: {  	[tilespmem:s19], [sflag:$0x1] =	stream.indirect_vreg.gather [hbm4b:s3+s2], $0x80, v4, vm0, $0xb8;
	[tilespmem:$0x12180] =	vst v63  }
0x162: {  	s19 =	simm.s32 $0xC980  }
0x163: {  	[tilespmem:s19], [sflag:$0x1] =	stream.indirect_vreg.gather [hbm4b:s3+s2], $0x80, v3, vm0, $0xb8;
	[tilespmem:$0x12180] =	vst v63  }
0x164: {  	v3 =	vld [tilespmem:$0xD0];
	_ =	sdelay $0x4  }
0x165: {  	v59 =	vshll.u32 v3, $0x1  }
0x166: {  	v3 =	vand.u32 $0x7, v3;
	v4 =	vand.u32 $0xFFFFFFF0, v59  }
0x167: {  	v3 =	vor.u32 v3, v4  }
0x168: {  	v4 =	vperm.xlane v3, v0;
	_ =	sdelay $0x1  }
0x169: {  	v3 =	vperm.xlane v3, v2;
	v4 =	vadd.s32 v1, v4;
	_ =	sdelay $0x1  }
0x16a: {  	v3 =	vadd.s32 v1, v3;
	_ =	sdelay $0x1  }
0x16b: {  	s19 =	simm.s32 $0xD180  }
0x16c: {  	[tilespmem:s19], [sflag:$0x1] =	stream.indirect_vreg.gather [hbm4b:s3+s2], $0x80, v4, vm0, $0xb8;
	[tilespmem:$0x12180] =	vst v63  }
0x16d: {  	s19 =	simm.s32 $0xD980  }
0x16e: {  	[tilespmem:s19], [sflag:$0x1] =	stream.indirect_vreg.gather [hbm4b:s3+s2], $0x80, v3, vm0, $0xb8;
	[tilespmem:$0x12180] =	vst v63  }
0x16f: {  	v3 =	vld [tilespmem:$0xE0];
	_ =	sdelay $0x4  }
0x170: {  	v60 =	vshll.u32 v3, $0x1  }
0x171: {  	v3 =	vand.u32 $0x7, v3;
	v4 =	vand.u32 $0xFFFFFFF0, v60  }
0x172: {  	v3 =	vor.u32 v3, v4  }
0x173: {  	v4 =	vperm.xlane v3, v0;
	_ =	sdelay $0x1  }
0x174: {  	v3 =	vperm.xlane v3, v2;
	v4 =	vadd.s32 v1, v4;
	_ =	sdelay $0x1  }
0x175: {  	v3 =	vadd.s32 v1, v3;
	_ =	sdelay $0x1  }
0x176: {  	s19 =	simm.s32 $0xE180  }
0x177: {  	[tilespmem:s19], [sflag:$0x1] =	stream.indirect_vreg.gather [hbm4b:s3+s2], $0x80, v4, vm0, $0xb8;
	[tilespmem:$0x12180] =	vst v63  }
0x178: {  	s19 =	simm.s32 $0xE980  }
0x179: {  	[tilespmem:s19], [sflag:$0x1] =	stream.indirect_vreg.gather [hbm4b:s3+s2], $0x80, v3, vm0, $0xb8;
	[tilespmem:$0x12180] =	vst v63  }
0x17a: {  	v3 =	vld [tilespmem:$0xF0];
	_ =	sdelay $0x4  }
0x17b: {  	v61 =	vshll.u32 v3, $0x1  }
0x17c: {  	v3 =	vand.u32 $0x7, v3;
	v4 =	vand.u32 $0xFFFFFFF0, v61  }
0x17d: {  	v3 =	vor.u32 v3, v4  }
0x17e: {  	v4 =	vperm.xlane v3, v0;
	_ =	sdelay $0x1  }
0x17f: {  	v3 =	vperm.xlane v3, v2;
	v4 =	vadd.s32 v1, v4;
	_ =	sdelay $0x1  }
0x180: {  	v3 =	vadd.s32 v1, v3;
	_ =	sdelay $0x1  }
0x181: {  	s19 =	simm.s32 $0xF180  }
0x182: {  	[tilespmem:s19], [sflag:$0x1] =	stream.indirect_vreg.gather [hbm4b:s3+s2], $0x80, v4, vm0, $0xb8;
	[tilespmem:$0x12180] =	vst v63  }
0x183: {  	s19 =	simm.s32 $0xF980  }
0x184: {  	[tilespmem:s19], [sflag:$0x1] =	stream.indirect_vreg.gather [hbm4b:s3+s2], $0x80, v3, vm0, $0xb8;
	[tilespmem:$0x12180] =	vst v63  }
0x185: {  	v3 =	vld [tilespmem:$0x100];
	_ =	sdelay $0x4  }
0x186: {  	v62 =	vshll.u32 v3, $0x1  }
0x187: {  	v3 =	vand.u32 $0x7, v3;
	v4 =	vand.u32 $0xFFFFFFF0, v62  }
0x188: {  	v3 =	vor.u32 v3, v4  }
0x189: {  	v4 =	vperm.xlane v3, v0;
	_ =	sdelay $0x1  }
0x18a: {  	v3 =	vperm.xlane v3, v2;
	v4 =	vadd.s32 v1, v4;
	_ =	sdelay $0x1  }
0x18b: {  	v3 =	vadd.s32 v1, v3;
	_ =	sdelay $0x1  }
0x18c: {  	s19 =	simm.s32 $0x10180  }
0x18d: {  	[tilespmem:s19], [sflag:$0x1] =	stream.indirect_vreg.gather [hbm4b:s3+s2], $0x80, v4, vm0, $0xb8;
	[tilespmem:$0x12180] =	vst v63  }
0x18e: {  	s19 =	simm.s32 $0x10980  }
0x18f: {  	[tilespmem:s19], [sflag:$0x1] =	stream.indirect_vreg.gather [hbm4b:s3+s2], $0x80, v3, vm0, $0xb8;
	[tilespmem:$0x12180] =	vst v63  }
0x190: {  	v3 =	vld [tilespmem:$0x110];
	_ =	sdelay $0x4  }
0x191: {  	v63 =	vshll.u32 v3, $0x1  }
0x192: {  	v3 =	vand.u32 $0x7, v3;
	v4 =	vand.u32 $0xFFFFFFF0, v63  }
0x193: {  	v3 =	vor.u32 v3, v4  }
0x194: {  	v4 =	vperm.xlane v3, v0;
	_ =	sdelay $0x1  }
0x195: {  	v3 =	vperm.xlane v3, v2;
	v4 =	vadd.s32 v1, v4;
	_ =	sdelay $0x1  }
0x196: {  	v3 =	vadd.s32 v1, v3;
	_ =	sdelay $0x1  }
0x197: {  	s19 =	simm.s32 $0x11180  }
0x198: {  	[tilespmem:s19], [sflag:$0x1] =	stream.indirect_vreg.gather [hbm4b:s3+s2], $0x80, v4, vm0, $0xb8;
	[tilespmem:$0x12180] =	vst v63  }
0x199: {  	s19 =	simm.s32 $0x11980  }
0x19a: {  	[tilespmem:s19], [sflag:$0x1] =	stream.indirect_vreg.gather [hbm4b:s3+s2], $0x80, v3, vm0, $0xb8;
	[tilespmem:$0x12180] =	vst v63  }
0x19b: {  	_ =	swait.ge [sflag:s18], $0x12000  }
0x19c: {  	p0 =	sne.s32 s4, $0x1;
	s20 =	simm.s32 $0x180;
	[sflag:s18] =	ssyncset.done $0x0  }
.Ltmp0:
0x19d: {  	s0 =	rddreg [dreg:$0x5];
	[sflag:s18] =	ssyncadd.s32 $0xFFFEE000;
	(pc) =	sbr.rel @p0 .LBB2_1-.Ltmp0, $4  }
0x19e: {  	[hbm4b:s0+s2] =	stream.linear.scatter [tilespmem:s20], [sflag:$0x2], $0x12000, $0x38;
	[tilespmem:$0x12180] =	vst v63  }
0x19f: {  	_ =	swait.ge [sflag:s7], $0x12000  }
0x1a0: {  	[sflag:s7] =	ssyncset.done $0x0  }
0x1a1: {  	s4 =	sadd.s32 $0xFFFFFFFF, s4;
	[sflag:s7] =	ssyncadd.s32 $0xFFFEE000  }
0x1a2: {  	_ =	sfence.sel $0x180000  }
0x1a3: {  	[bflag:$0x0] =	sbarrier.arrive $0xFFFF  }
0x1a4: {  	_ =	strace $0x90000050  }
0x1a5: {  	s0 =	stileid.u32;
	[bflag:$0x2] =	sbarrier.arrive $0xFFFF  }
0x1a6: {  	p0 =	sne.s32 s0, $0x0;
	s0 =	rddreg [dreg:$0x1]  }
0x1a7: {  	s0 =	sadd.s32 @!p0 $0x100000, s0  }
0x1a8: {  	[sflag:s0] =	ssyncadd.tile.s32 @!p0 $0x1;
	_ =	shalt  }
.Lfunc_end2:
_tile_overlayer_lowered:
.L_overlay_start_2:
0x1a9: {  	(tag) =	ssettag $0x2  }
0x1aa: {  	s0 =	rddreg [dreg:$0x0];
	s2 =	stileid.u32  }
0x1ab: {  	s1 =	rddreg [dreg:$0x1];
	p0 =	sne.s32 s2, $0x0  }
0x1ac: {  	s3 =	rddreg [dreg:$0x2];
	[bflag:$0x3] =	sbarrier.arrive $0xFFFF;
	s2 =	simm.s32 @!p0 $0x1C02  }
0x1ad: {  	[timem:s3], [sflag:s2] =	dma.local @!p0 [hbm:s0], s1  }
0x1ae: {  	s0 =	simm.s32 @!p0 $0x2  }
0x1af: {  	_ =	swait.ge @!p0 [sflag:s0], s1  }
0x1b0: {  	s1 =	ssub.s32 @!p0 $0x0, s1;
	[sflag:s0] =	ssyncset.done @!p0 $0x0  }
0x1b1: {  	[sflag:s0] =	ssyncadd.s32 @!p0 s1  }
0x1b2: {  	[bflag:$0x3] =	sbarrier.arrive $0xFFFF  }
0x1b3: {  	_ =	shalt  }

</sc_bundles>
